<compile_context>
chip_gen: v7x
topology: tpu7x:2x2x1
jax: 0.10.2.dev20260603
libtpu: 0.0.44.dev20260713+nightly
codegen_flags: <defaults>
</compile_context>

<pallas_src>
import functools

import jax
import jax.numpy as jnp
from jax import lax
from jax.experimental import pallas as pl
from jax.experimental.pallas import tpu as pltpu
from jax.experimental.pallas import tpu_sc as plsc

N = 10000
E = 320000
D = 128
DH = D // 2
NC = 2
NS = 16
NW = NC * NS
EPT = E // NW
CH = 80
NCHUNK = 250
NBUF = 6
STRIPE = 1000
RB = 2000
GRID = N // RB

_mesh = plsc.VectorSubcoreMesh(
    core_axis_name="c", subcore_axis_name="s", num_cores=NC, num_subcores=NS)
_sc_params = pltpu.CompilerParams(needs_layout_passes=False,
                                  use_tc_tiling_on_sc=False)



@functools.partial(
    pl.kernel,
    out_type=[jax.ShapeDtypeStruct((GRID, NW, RB), jnp.float32),
              jax.ShapeDtypeStruct((GRID, NW, RB), jnp.float32)],
    mesh=_mesh,
    scratch_types=[pltpu.VMEM((EPT,), jnp.int32),
                   pltpu.VMEM((EPT,), jnp.int32),
                   pltpu.VMEM((N,), jnp.float32),
                   pltpu.VMEM((N,), jnp.float32)],
    compiler_params=_sc_params,
)
def _deg_kernel(e_hbm, out_src, out_dst, src_v, dst_v, hs, hd):
    c = lax.axis_index("c")
    s = lax.axis_index("s")
    w = c * NS + s
    pltpu.sync_copy(e_hbm.at[0, w], src_v)
    pltpu.sync_copy(e_hbm.at[1, w], dst_v)

    zeros = jnp.zeros((16,), jnp.float32)

    def zbody(i, carry):
        hs[pl.ds(i * 16, 16)] = zeros
        hd[pl.ds(i * 16, 16)] = zeros
        return carry

    lax.fori_loop(0, N // 16, zbody, 0)

    ones = jnp.ones((16,), jnp.float32)

    def hbody(i, carry):
        plsc.addupdate_scatter(hs, [src_v[pl.ds(i * 16, 16)]], ones)
        plsc.addupdate_scatter(hd, [dst_v[pl.ds(i * 16, 16)]], ones)
        return carry

    lax.fori_loop(0, EPT // 16, hbody, 0)

    for g in range(GRID):
        pltpu.sync_copy(hs.at[pl.ds(g * RB, RB)], out_src.at[g, w])
        pltpu.sync_copy(hd.at[pl.ds(g * RB, RB)], out_dst.at[g, w])



@functools.partial(
    pl.kernel,
    out_type=jax.ShapeDtypeStruct((NC, N, DH), jnp.float32),
    mesh=_mesh,
    scratch_types=[pltpu.VMEM((NCHUNK, CH), jnp.int32),
                   pltpu.VMEM((NCHUNK, CH), jnp.int32),
                   pltpu.VMEM((CH, DH), jnp.float32),
                   pltpu.VMEM((CH, DH), jnp.float32),
                   pltpu.VMEM((CH, DH), jnp.float32),
                   pltpu.VMEM((CH, DH), jnp.float32),
                   pltpu.VMEM((CH, DH), jnp.float32),
                   pltpu.VMEM((CH, DH), jnp.float32),
                   pltpu.VMEM_SHARED((N, DH), jnp.float32),
                   pltpu.SemaphoreType.DMA,
                   pltpu.SemaphoreType.DMA,
                   pltpu.SemaphoreType.DMA,
                   pltpu.SemaphoreType.DMA,
                   pltpu.SemaphoreType.DMA,
                   pltpu.SemaphoreType.DMA],
    compiler_params=_sc_params,
)
def _agg_kernel(h_hbm, eg_hbm, out_hbm,
                src_v, dst_v, rows_a, rows_b, rows_c, rows_d, rows_e, rows_f,
                agg_sh, sem_a, sem_b, sem_c, sem_d, sem_e, sem_f):
    c = lax.axis_index("c")
    s = lax.axis_index("s")

    zeros = jnp.zeros((16,), jnp.float32)

    def zfill(i, carry):
        for k in range(DH // 16):
            rows_a[i, pl.ds(k * 16, 16)] = zeros
        return carry

    lax.fori_loop(0, CH, zfill, 0)

    @pl.when(s < N // STRIPE)
    def _zero():
        for t in range(STRIPE // CH):
            pltpu.sync_copy(rows_a,
                            agg_sh.at[pl.ds(s * STRIPE + t * CH, CH)])
        pltpu.sync_copy(rows_a.at[pl.ds(0, STRIPE % CH)],
                        agg_sh.at[pl.ds(s * STRIPE + STRIPE - STRIPE % CH,
                                        STRIPE % CH)])

    plsc.subcore_barrier()

    pltpu.sync_copy(eg_hbm.at[0, s], src_v)
    pltpu.sync_copy(eg_hbm.at[1, s], dst_v)

    h_half = h_hbm.at[c]
    bufs = (rows_a, rows_b, rows_c, rows_d, rows_e, rows_f)
    sems = (sem_a, sem_b, sem_c, sem_d, sem_e, sem_f)
    depth = NBUF - 1

    def fire_gather(j, u):
        pltpu.async_copy(h_half.at[src_v.at[j]], bufs[u], sems[u])

    def wait_gather(j, u):
        pltpu.make_async_copy(h_half.at[src_v.at[j]], bufs[u],
                              sems[u]).wait()

    for j in range(depth):
        fire_gather(j, j)

    NMAIN = (NCHUNK - 2 * depth) // NBUF

    def body(k, carry):
        j0 = k * NBUF
        for u in range(NBUF):
            j = j0 + u
            wait_gather(j, u)
            fire_gather(j + depth, (u + depth) % NBUF)
            pltpu.sync_copy(bufs[u], agg_sh.at[dst_v.at[j]], add=True)
        return carry

    lax.fori_loop(0, NMAIN, body, 0)

    for j in range(NMAIN * NBUF, NCHUNK):
        u = j % NBUF
        wait_gather(j, u)
        if j + depth < NCHUNK:
            fire_gather(j + depth, (u + depth) % NBUF)
        pltpu.sync_copy(bufs[u], agg_sh.at[dst_v.at[j]], add=True)
    plsc.subcore_barrier()

    @pl.when(s < N // STRIPE)
    def _copy_out():
        pltpu.sync_copy(agg_sh.at[pl.ds(s * STRIPE, STRIPE)],
                        out_hbm.at[c, pl.ds(s * STRIPE, STRIPE)])



def _mm1_body(deg_ref, x_ref, w_ref, h_ref):
    deg = jnp.sum(deg_ref[0], axis=0)
    nsrc = lax.rsqrt(jnp.maximum(deg, 1.0))
    xb = x_ref[...] * nsrc[:, None]
    res = jnp.dot(xb, w_ref[...],
                  preferred_element_type=jnp.float32)
    h_ref[0] = res[:, :DH]
    h_ref[1] = res[:, DH:]


def _mm1(deg_parts, x, w_conv):
    return pl.pallas_call(
        _mm1_body,
        grid=(GRID,),
        in_specs=[
            pl.BlockSpec((1, NW, RB), lambda i: (i, 0, 0)),
            pl.BlockSpec((RB, D), lambda i: (i, 0)),
            pl.BlockSpec((D, D), lambda i: (0, 0)),
        ],
        out_specs=pl.BlockSpec((NC, RB, DH), lambda i: (0, i, 0)),
        out_shape=jax.ShapeDtypeStruct((NC, N, DH), jnp.float32),
    )(deg_parts, x, w_conv)



def _mlp_body(agg_ref, deg_ref, bc_ref, wf_ref, bf_ref, wf2_ref, bf2_ref,
              out_ref):
    agg = jnp.concatenate([agg_ref[0], agg_ref[1]], axis=-1)
    deg = jnp.sum(deg_ref[0], axis=0)
    ndst = lax.rsqrt(jnp.maximum(deg, 1.0))
    h = agg * ndst[:, None] + bc_ref[...]
    h = jnp.maximum(h, 0.0)
    h = jnp.dot(h, wf_ref[...],
                preferred_element_type=jnp.float32) + bf_ref[...]
    h = jnp.maximum(h, 0.0)
    out_ref[...] = jnp.dot(h, wf2_ref[...],
                           preferred_element_type=jnp.float32) + bf2_ref[...]


def _mlp(agg_parts, deg_parts, b_conv, w_fc, b_fc, w_fc2, b_fc2):
    return pl.pallas_call(
        _mlp_body,
        grid=(GRID,),
        in_specs=[
            pl.BlockSpec((NC, RB, DH), lambda i: (0, i, 0)),
            pl.BlockSpec((1, NW, RB), lambda i: (i, 0, 0)),
            pl.BlockSpec((1, D), lambda i: (0, 0)),
            pl.BlockSpec((D, D), lambda i: (0, 0)),
            pl.BlockSpec((1, D), lambda i: (0, 0)),
            pl.BlockSpec((D, D), lambda i: (0, 0)),
            pl.BlockSpec((1, D), lambda i: (0, 0)),
        ],
        out_specs=pl.BlockSpec((RB, D), lambda i: (i, 0)),
        out_shape=jax.ShapeDtypeStruct((N, D), jnp.float32),
    )(agg_parts, deg_parts, b_conv, w_fc, b_fc, w_fc2, b_fc2)


def kernel(x, edge_index, W_conv, b_conv, W_fc, b_fc, W_fc2, b_fc2):
    ei = edge_index.astype(jnp.int32)
    eh = ei.reshape(2, NW, EPT)
    eg = ei.reshape(2, NS, NCHUNK, CH)

    deg_out_parts, deg_in_parts = _deg_kernel(eh)
    h = _mm1(deg_out_parts, x, W_conv)
    agg_parts = _agg_kernel(h, eg)
    return _mlp(agg_parts, deg_in_parts, b_conv.reshape(1, D),
                W_fc, b_fc.reshape(1, D), W_fc2, b_fc2.reshape(1, D))

# --- scband reference (transcript-rebuilt; emitter-appended) ---
"""Pipeline reference for scband-ngnn-gcnconv-26877905339081 (READ-ONLY COPY).

The authoritative reference and input builder live on the scoring server;
editing this copy changes nothing except your own understanding.
"""

import jax, jax.numpy as jnp
import numpy as np

N_NODES = 10000
N_EDGES = 320000
D_IN = 128
D_HID = 128
D_OUT = 128

def setup_inputs(seed: int = 0) -> dict:
    key = jax.random.key(seed)
    ks = jax.random.split(key, 8)
    x = jax.random.normal(ks[0], (N_NODES, D_IN), dtype=jnp.float32)
    edge_index = jax.random.randint(ks[1], (2, N_EDGES), 0, N_NODES, dtype=jnp.int64)
    # GraphConv weight (glorot) and bias (zeros), stored as [in, out]
    W_conv = jax.random.normal(ks[2], (D_IN, D_HID), dtype=jnp.float32) * (1.0 / np.sqrt(D_IN))
    b_conv = jnp.zeros((D_HID,), dtype=jnp.float32)
    gain = float(np.sqrt(2.0))
    W_fc = jax.random.normal(ks[3], (D_HID, D_HID), dtype=jnp.float32) * (gain / np.sqrt(D_HID))
    stdv1 = 1.0 / np.sqrt(D_HID)
    b_fc = jax.random.uniform(ks[4], (D_HID,), dtype=jnp.float32, minval=-stdv1, maxval=stdv1)
    W_fc2 = jax.random.normal(ks[5], (D_HID, D_OUT), dtype=jnp.float32) * (gain / np.sqrt(D_HID))
    stdv2 = 1.0 / np.sqrt(D_OUT)
    b_fc2 = jax.random.uniform(ks[6], (D_OUT,), dtype=jnp.float32, minval=-stdv2, maxval=stdv2)
    return {"x": x, "edge_index": edge_index, "W_conv": W_conv, "b_conv": b_conv, "W_fc": W_fc, "b_fc": b_fc, "W_fc2": W_fc2, "b_fc2": b_fc2}

def reference(x, edge_index, W_conv, b_conv, W_fc, b_fc, W_fc2, b_fc2):
    # dgl GraphConv with norm='both': D_out^{-1/2} -> msg sum -> D_in^{-1/2}, then W, b
    src = edge_index[0]
    dst = edge_index[1]
    n = x.shape[0]
    ones = jnp.ones((src.shape[0],), dtype=x.dtype)
    deg_out = jax.ops.segment_sum(ones, src, num_segments=n)
    deg_in = jax.ops.segment_sum(ones, dst, num_segments=n)
    norm_src = jnp.power(jnp.clip(deg_out, 1.0, None), -0.5)
    norm_dst = jnp.power(jnp.clip(deg_in, 1.0, None), -0.5)
    h = x * norm_src[:, None]
    h = h @ W_conv  # in_feats == out_feats; mult-first order is equivalent
    msg = jnp.take(h, src, axis=0)
    agg = jax.ops.segment_sum(msg, dst, num_segments=n)
    h = agg * norm_dst[:, None] + b_conv
    # num_nonl_layers == 2 branch
    h = jax.nn.relu(h)
    h = h @ W_fc + b_fc
    h = jax.nn.relu(h)
    out = h @ W_fc2 + b_fc2
    return out

if __name__ == "__main__":
    import jax
    _d = setup_inputs()
    print(jax.jit(kernel)(*tuple(_d.values())))

</pallas_src>

<mosaic_0001>
#map = affine_map<(d0, d1) -> (0, 0, 0)>
module attributes {stable_mosaic.version = 14 : i64} {
  func.func @_deg_kernel(%arg0: i32, %arg1: i32, %arg2: memref<2x32x10000xi32, #tpu.memory_space<hbm>>, %arg3: memref<5x32x2000xf32, #tpu.memory_space<hbm>>, %arg4: memref<5x32x2000xf32, #tpu.memory_space<hbm>>, %arg5: memref<10000xi32, #tpu.memory_space<vmem>>, %arg6: memref<10000xi32, #tpu.memory_space<vmem>>, %arg7: memref<10000xf32, #tpu.memory_space<vmem>>, %arg8: memref<10000xf32, #tpu.memory_space<vmem>>) attributes {dimension_semantics = [#tpu.dimension_semantics<core_parallel>, #tpu.dimension_semantics<subcore_parallel>], iteration_bounds = array<i64: 2, 16>, scalar_prefetch = 0 : i64, scratch_operands = 4 : i64, tpu.core_type = #tpu.core_type<sc_vector_subcore>, window_params = [{transform_indices = #map}, {transform_indices = #map}, {transform_indices = #map}]} {
    %mul3A = arith.constant 16 : i32
    %mul3A_0 = arith.muli %arg0, %mul3A : i32
    %add3A = arith.addi %mul3A_0, %arg1 : i32
    %run_scoped3A = arith.constant 0 : i32
    "tpu.region"() ({
      %run_scoped3A_26 = tpu.sem_alloc : memref<!tpu.dma_semaphore, #tpu.memory_space<semaphore_mem>>
      %dma_start3A = arith.constant 0 : i32
      %dma_start3A_27 = tpu.memref_slice %arg2[%run_scoped3A, %add3A, %dma_start3A] : memref<2x32x10000xi32, #tpu.memory_space<hbm>> -> memref<1x1x10000xi32, #tpu.memory_space<hbm>>
      %dma_start3A_28 = tpu.memref_squeeze %dma_start3A_27 : memref<1x1x10000xi32, #tpu.memory_space<hbm>> -> memref<10000xi32, #tpu.memory_space<hbm>>
      %dma_start3A_29 = arith.constant 0 : i32
      %dma_start3A_30 = tpu.memref_slice %arg2[%run_scoped3A, %add3A, %dma_start3A_29] : memref<2x32x10000xi32, #tpu.memory_space<hbm>> -> memref<1x1x10000xi32, #tpu.memory_space<hbm>>
      %dma_start3A_31 = tpu.memref_squeeze %dma_start3A_30 : memref<1x1x10000xi32, #tpu.memory_space<hbm>> -> memref<10000xi32, #tpu.memory_space<hbm>>
      tpu.enqueue_dma source(%dma_start3A_31 : memref<10000xi32, #tpu.memory_space<hbm>>) target(%arg5 : memref<10000xi32, #tpu.memory_space<vmem>>) target_semaphore(%run_scoped3A_26 : memref<!tpu.dma_semaphore, #tpu.memory_space<semaphore_mem>>)
      %dma_wait3A = arith.constant 0 : i32
      %dma_wait3A_32 = tpu.memref_slice %arg2[%run_scoped3A, %add3A, %dma_wait3A] : memref<2x32x10000xi32, #tpu.memory_space<hbm>> -> memref<1x1x10000xi32, #tpu.memory_space<hbm>>
      %dma_wait3A_33 = tpu.memref_squeeze %dma_wait3A_32 : memref<1x1x10000xi32, #tpu.memory_space<hbm>> -> memref<10000xi32, #tpu.memory_space<hbm>>
      %dma_wait3A_34 = arith.constant 0 : i32
      %dma_wait3A_35 = tpu.memref_slice %arg2[%run_scoped3A, %add3A, %dma_wait3A_34] : memref<2x32x10000xi32, #tpu.memory_space<hbm>> -> memref<1x1x10000xi32, #tpu.memory_space<hbm>>
      %dma_wait3A_36 = tpu.memref_squeeze %dma_wait3A_35 : memref<1x1x10000xi32, #tpu.memory_space<hbm>> -> memref<10000xi32, #tpu.memory_space<hbm>>
      tpu.wait_dma2 semaphore(%run_scoped3A_26 : memref<!tpu.dma_semaphore, #tpu.memory_space<semaphore_mem>>) src(%dma_wait3A_36 : memref<10000xi32, #tpu.memory_space<hbm>>) dst(%arg5 : memref<10000xi32, #tpu.memory_space<vmem>>)
      tpu.yield
    }) : () -> ()
    %run_scoped3A_1 = arith.constant 1 : i32
    "tpu.region"() ({
      %run_scoped3A_26 = tpu.sem_alloc : memref<!tpu.dma_semaphore, #tpu.memory_space<semaphore_mem>>
      %dma_start3A = arith.constant 0 : i32
      %dma_start3A_27 = tpu.memref_slice %arg2[%run_scoped3A_1, %add3A, %dma_start3A] : memref<2x32x10000xi32, #tpu.memory_space<hbm>> -> memref<1x1x10000xi32, #tpu.memory_space<hbm>>
      %dma_start3A_28 = tpu.memref_squeeze %dma_start3A_27 : memref<1x1x10000xi32, #tpu.memory_space<hbm>> -> memref<10000xi32, #tpu.memory_space<hbm>>
      %dma_start3A_29 = arith.constant 0 : i32
      %dma_start3A_30 = tpu.memref_slice %arg2[%run_scoped3A_1, %add3A, %dma_start3A_29] : memref<2x32x10000xi32, #tpu.memory_space<hbm>> -> memref<1x1x10000xi32, #tpu.memory_space<hbm>>
      %dma_start3A_31 = tpu.memref_squeeze %dma_start3A_30 : memref<1x1x10000xi32, #tpu.memory_space<hbm>> -> memref<10000xi32, #tpu.memory_space<hbm>>
      tpu.enqueue_dma source(%dma_start3A_31 : memref<10000xi32, #tpu.memory_space<hbm>>) target(%arg6 : memref<10000xi32, #tpu.memory_space<vmem>>) target_semaphore(%run_scoped3A_26 : memref<!tpu.dma_semaphore, #tpu.memory_space<semaphore_mem>>)
      %dma_wait3A = arith.constant 0 : i32
      %dma_wait3A_32 = tpu.memref_slice %arg2[%run_scoped3A_1, %add3A, %dma_wait3A] : memref<2x32x10000xi32, #tpu.memory_space<hbm>> -> memref<1x1x10000xi32, #tpu.memory_space<hbm>>
      %dma_wait3A_33 = tpu.memref_squeeze %dma_wait3A_32 : memref<1x1x10000xi32, #tpu.memory_space<hbm>> -> memref<10000xi32, #tpu.memory_space<hbm>>
      %dma_wait3A_34 = arith.constant 0 : i32
      %dma_wait3A_35 = tpu.memref_slice %arg2[%run_scoped3A_1, %add3A, %dma_wait3A_34] : memref<2x32x10000xi32, #tpu.memory_space<hbm>> -> memref<1x1x10000xi32, #tpu.memory_space<hbm>>
      %dma_wait3A_36 = tpu.memref_squeeze %dma_wait3A_35 : memref<1x1x10000xi32, #tpu.memory_space<hbm>> -> memref<10000xi32, #tpu.memory_space<hbm>>
      tpu.wait_dma2 semaphore(%run_scoped3A_26 : memref<!tpu.dma_semaphore, #tpu.memory_space<semaphore_mem>>) src(%dma_wait3A_36 : memref<10000xi32, #tpu.memory_space<hbm>>) dst(%arg6 : memref<10000xi32, #tpu.memory_space<vmem>>)
      tpu.yield
    }) : () -> ()
    %broadcast_in_dim3A = arith.constant 0.000000e+00 : f32
    %broadcast_in_dim3A_2 = vector.broadcast %broadcast_in_dim3A : f32 to vector<16xf32>
    %scan3A = arith.constant 0 : i32
    %scan3A_3 = arith.constant 0 : i32
    %scan3A_4 = arith.constant 625 : i32
    %scan3A_5 = arith.addi %scan3A_3, %scan3A_4 : i32
    %scan3A_6 = arith.constant 1 : i32
    scf.for %scan3A_26 = %scan3A_3 to %scan3A_5 step %scan3A_6  : i32 {
      %mul3A_27 = arith.constant 16 : i32
      %mul3A_28 = arith.muli %scan3A_26, %mul3A_27 : i32
      %swap3A = arith.index_cast %mul3A_28 : i32 to index
      %swap3A_29 = tpu.vector_load %arg7[%swap3A] {strides = array<i32>} : memref<10000xf32, #tpu.memory_space<vmem>>, vector<16xf32>,
      tpu.vector_store %arg7[%swap3A], %broadcast_in_dim3A_2 {strides = array<i32>} : memref<10000xf32, #tpu.memory_space<vmem>>, vector<16xf32>,
      %mul3A_30 = arith.constant 16 : i32
      %mul3A_31 = arith.muli %scan3A_26, %mul3A_30 : i32
      %swap3A_32 = arith.index_cast %mul3A_31 : i32 to index
      %swap3A_33 = tpu.vector_load %arg8[%swap3A_32] {strides = array<i32>} : memref<10000xf32, #tpu.memory_space<vmem>>, vector<16xf32>,
      tpu.vector_store %arg8[%swap3A_32], %broadcast_in_dim3A_2 {strides = array<i32>} : memref<10000xf32, #tpu.memory_space<vmem>>, vector<16xf32>,
    }
    %scan3A_7 = arith.constant 625 : i32
    %broadcast_in_dim3A_8 = arith.constant 1.000000e+00 : f32
    %broadcast_in_dim3A_9 = vector.broadcast %broadcast_in_dim3A_8 : f32 to vector<16xf32>
    %scan3A_10 = arith.constant 0 : i32
    %scan3A_11 = arith.constant 0 : i32
    %scan3A_12 = arith.constant 625 : i32
    %scan3A_13 = arith.addi %scan3A_11, %scan3A_12 : i32
    %scan3A_14 = arith.constant 1 : i32
    scf.for %scan3A_26 = %scan3A_11 to %scan3A_13 step %scan3A_14  : i32 {
      %mul3A_27 = arith.constant 16 : i32
      %mul3A_28 = arith.muli %scan3A_26, %mul3A_27 : i32
      %get3A = arith.index_cast %mul3A_28 : i32 to index
      %get3A_29 = tpu.vector_load %arg5[%get3A] {strides = array<i32>} : memref<10000xi32, #tpu.memory_space<vmem>>, vector<16xi32>,
      tpu.vector_store_idx %arg7[%get3A_29], %broadcast_in_dim3A_9 {add = true} : memref<10000xf32, #tpu.memory_space<vmem>>[vector<16xi32>], vector<16xf32>,
      %mul3A_30 = arith.constant 16 : i32
      %mul3A_31 = arith.muli %scan3A_26, %mul3A_30 : i32
      %get3A_32 = arith.index_cast %mul3A_31 : i32 to index
      %get3A_33 = tpu.vector_load %arg6[%get3A_32] {strides = array<i32>} : memref<10000xi32, #tpu.memory_space<vmem>>, vector<16xi32>,
      tpu.vector_store_idx %arg8[%get3A_33], %broadcast_in_dim3A_9 {add = true} : memref<10000xf32, #tpu.memory_space<vmem>>[vector<16xi32>], vector<16xf32>,
    }
    %scan3A_15 = arith.constant 625 : i32
    %run_scoped3A_16 = arith.constant 0 : i32
    "tpu.region"() ({
      %run_scoped3A_26 = tpu.sem_alloc : memref<!tpu.dma_semaphore, #tpu.memory_space<semaphore_mem>>
      %dma_start3A = arith.constant 0 : i32
      %dma_start3A_27 = tpu.memref_slice %arg7[%dma_start3A] : memref<10000xf32, #tpu.memory_space<vmem>> -> memref<2000xf32, #tpu.memory_space<vmem>>
      %dma_start3A_28 = arith.constant 0 : i32
      %dma_start3A_29 = tpu.memref_slice %arg3[%run_scoped3A_16, %add3A, %dma_start3A_28] : memref<5x32x2000xf32, #tpu.memory_space<hbm>> -> memref<1x1x2000xf32, #tpu.memory_space<hbm>>
      %dma_start3A_30 = tpu.memref_squeeze %dma_start3A_29 : memref<1x1x2000xf32, #tpu.memory_space<hbm>> -> memref<2000xf32, #tpu.memory_space<hbm>>
      %dma_start3A_31 = arith.constant 0 : i32
      %dma_start3A_32 = tpu.memref_slice %arg3[%run_scoped3A_16, %add3A, %dma_start3A_31] : memref<5x32x2000xf32, #tpu.memory_space<hbm>> -> memref<1x1x2000xf32, #tpu.memory_space<hbm>>
      %dma_start3A_33 = tpu.memref_squeeze %dma_start3A_32 : memref<1x1x2000xf32, #tpu.memory_space<hbm>> -> memref<2000xf32, #tpu.memory_space<hbm>>
      %dma_start3A_34 = arith.constant 0 : i32
      %dma_start3A_35 = tpu.memref_slice %arg7[%dma_start3A_34] : memref<10000xf32, #tpu.memory_space<vmem>> -> memref<2000xf32, #tpu.memory_space<vmem>>
      tpu.enqueue_dma source(%dma_start3A_35 : memref<2000xf32, #tpu.memory_space<vmem>>) target(%dma_start3A_33 : memref<2000xf32, #tpu.memory_space<hbm>>) target_semaphore(%run_scoped3A_26 : memref<!tpu.dma_semaphore, #tpu.memory_space<semaphore_mem>>)
      %dma_wait3A = arith.constant 0 : i32
      %dma_wait3A_36 = tpu.memref_slice %arg7[%dma_wait3A] : memref<10000xf32, #tpu.memory_space<vmem>> -> memref<2000xf32, #tpu.memory_space<vmem>>
      %dma_wait3A_37 = arith.constant 0 : i32
      %dma_wait3A_38 = tpu.memref_slice %arg3[%run_scoped3A_16, %add3A, %dma_wait3A_37] : memref<5x32x2000xf32, #tpu.memory_space<hbm>> -> memref<1x1x2000xf32, #tpu.memory_space<hbm>>
      %dma_wait3A_39 = tpu.memref_squeeze %dma_wait3A_38 : memref<1x1x2000xf32, #tpu.memory_space<hbm>> -> memref<2000xf32, #tpu.memory_space<hbm>>
      %dma_wait3A_40 = arith.constant 0 : i32
      %dma_wait3A_41 = tpu.memref_slice %arg3[%run_scoped3A_16, %add3A, %dma_wait3A_40] : memref<5x32x2000xf32, #tpu.memory_space<hbm>> -> memref<1x1x2000xf32, #tpu.memory_space<hbm>>
      %dma_wait3A_42 = tpu.memref_squeeze %dma_wait3A_41 : memref<1x1x2000xf32, #tpu.memory_space<hbm>> -> memref<2000xf32, #tpu.memory_space<hbm>>
      %dma_wait3A_43 = arith.constant 0 : i32
      %dma_wait3A_44 = tpu.memref_slice %arg7[%dma_wait3A_43] : memref<10000xf32, #tpu.memory_space<vmem>> -> memref<2000xf32, #tpu.memory_space<vmem>>
      tpu.wait_dma2 semaphore(%run_scoped3A_26 : memref<!tpu.dma_semaphore, #tpu.memory_space<semaphore_mem>>) src(%dma_wait3A_44 : memref<2000xf32, #tpu.memory_space<vmem>>) dst(%dma_wait3A_42 : memref<2000xf32, #tpu.memory_space<hbm>>)
      tpu.yield
    }) : () -> ()
    %run_scoped3A_17 = arith.constant 0 : i32
    "tpu.region"() ({
      %run_scoped3A_26 = tpu.sem_alloc : memref<!tpu.dma_semaphore, #tpu.memory_space<semaphore_mem>>
      %dma_start3A = arith.constant 0 : i32
      %dma_start3A_27 = tpu.memref_slice %arg8[%dma_start3A] : memref<10000xf32, #tpu.memory_space<vmem>> -> memref<2000xf32, #tpu.memory_space<vmem>>
      %dma_start3A_28 = arith.constant 0 : i32
      %dma_start3A_29 = tpu.memref_slice %arg4[%run_scoped3A_17, %add3A, %dma_start3A_28] : memref<5x32x2000xf32, #tpu.memory_space<hbm>> -> memref<1x1x2000xf32, #tpu.memory_space<hbm>>
      %dma_start3A_30 = tpu.memref_squeeze %dma_start3A_29 : memref<1x1x2000xf32, #tpu.memory_space<hbm>> -> memref<2000xf32, #tpu.memory_space<hbm>>
      %dma_start3A_31 = arith.constant 0 : i32
      %dma_start3A_32 = tpu.memref_slice %arg4[%run_scoped3A_17, %add3A, %dma_start3A_31] : memref<5x32x2000xf32, #tpu.memory_space<hbm>> -> memref<1x1x2000xf32, #tpu.memory_space<hbm>>
      %dma_start3A_33 = tpu.memref_squeeze %dma_start3A_32 : memref<1x1x2000xf32, #tpu.memory_space<hbm>> -> memref<2000xf32, #tpu.memory_space<hbm>>
      %dma_start3A_34 = arith.constant 0 : i32
      %dma_start3A_35 = tpu.memref_slice %arg8[%dma_start3A_34] : memref<10000xf32, #tpu.memory_space<vmem>> -> memref<2000xf32, #tpu.memory_space<vmem>>
      tpu.enqueue_dma source(%dma_start3A_35 : memref<2000xf32, #tpu.memory_space<vmem>>) target(%dma_start3A_33 : memref<2000xf32, #tpu.memory_space<hbm>>) target_semaphore(%run_scoped3A_26 : memref<!tpu.dma_semaphore, #tpu.memory_space<semaphore_mem>>)
      %dma_wait3A = arith.constant 0 : i32
      %dma_wait3A_36 = tpu.memref_slice %arg8[%dma_wait3A] : memref<10000xf32, #tpu.memory_space<vmem>> -> memref<2000xf32, #tpu.memory_space<vmem>>
      %dma_wait3A_37 = arith.constant 0 : i32
      %dma_wait3A_38 = tpu.memref_slice %arg4[%run_scoped3A_17, %add3A, %dma_wait3A_37] : memref<5x32x2000xf32, #tpu.memory_space<hbm>> -> memref<1x1x2000xf32, #tpu.memory_space<hbm>>
      %dma_wait3A_39 = tpu.memref_squeeze %dma_wait3A_38 : memref<1x1x2000xf32, #tpu.memory_space<hbm>> -> memref<2000xf32, #tpu.memory_space<hbm>>
      %dma_wait3A_40 = arith.constant 0 : i32
      %dma_wait3A_41 = tpu.memref_slice %arg4[%run_scoped3A_17, %add3A, %dma_wait3A_40] : memref<5x32x2000xf32, #tpu.memory_space<hbm>> -> memref<1x1x2000xf32, #tpu.memory_space<hbm>>
      %dma_wait3A_42 = tpu.memref_squeeze %dma_wait3A_41 : memref<1x1x2000xf32, #tpu.memory_space<hbm>> -> memref<2000xf32, #tpu.memory_space<hbm>>
      %dma_wait3A_43 = arith.constant 0 : i32
      %dma_wait3A_44 = tpu.memref_slice %arg8[%dma_wait3A_43] : memref<10000xf32, #tpu.memory_space<vmem>> -> memref<2000xf32, #tpu.memory_space<vmem>>
      tpu.wait_dma2 semaphore(%run_scoped3A_26 : memref<!tpu.dma_semaphore, #tpu.memory_space<semaphore_mem>>) src(%dma_wait3A_44 : memref<2000xf32, #tpu.memory_space<vmem>>) dst(%dma_wait3A_42 : memref<2000xf32, #tpu.memory_space<hbm>>)
      tpu.yield
    }) : () -> ()
    %run_scoped3A_18 = arith.constant 1 : i32
    "tpu.region"() ({
      %run_scoped3A_26 = tpu.sem_alloc : memref<!tpu.dma_semaphore, #tpu.memory_space<semaphore_mem>>
      %dma_start3A = arith.constant 2000 : i32
      %dma_start3A_27 = tpu.memref_slice %arg7[%dma_start3A] : memref<10000xf32, #tpu.memory_space<vmem>> -> memref<2000xf32, #tpu.memory_space<vmem>>
      %dma_start3A_28 = arith.constant 0 : i32
      %dma_start3A_29 = tpu.memref_slice %arg3[%run_scoped3A_18, %add3A, %dma_start3A_28] : memref<5x32x2000xf32, #tpu.memory_space<hbm>> -> memref<1x1x2000xf32, #tpu.memory_space<hbm>>
      %dma_start3A_30 = tpu.memref_squeeze %dma_start3A_29 : memref<1x1x2000xf32, #tpu.memory_space<hbm>> -> memref<2000xf32, #tpu.memory_space<hbm>>
      %dma_start3A_31 = arith.constant 0 : i32
      %dma_start3A_32 = tpu.memref_slice %arg3[%run_scoped3A_18, %add3A, %dma_start3A_31] : memref<5x32x2000xf32, #tpu.memory_space<hbm>> -> memref<1x1x2000xf32, #tpu.memory_space<hbm>>
      %dma_start3A_33 = tpu.memref_squeeze %dma_start3A_32 : memref<1x1x2000xf32, #tpu.memory_space<hbm>> -> memref<2000xf32, #tpu.memory_space<hbm>>
      %dma_start3A_34 = arith.constant 2000 : i32
      %dma_start3A_35 = tpu.memref_slice %arg7[%dma_start3A_34] : memref<10000xf32, #tpu.memory_space<vmem>> -> memref<2000xf32, #tpu.memory_space<vmem>>
      tpu.enqueue_dma source(%dma_start3A_35 : memref<2000xf32, #tpu.memory_space<vmem>>) target(%dma_start3A_33 : memref<2000xf32, #tpu.memory_space<hbm>>) target_semaphore(%run_scoped3A_26 : memref<!tpu.dma_semaphore, #tpu.memory_space<semaphore_mem>>)
      %dma_wait3A = arith.constant 2000 : i32
      %dma_wait3A_36 = tpu.memref_slice %arg7[%dma_wait3A] : memref<10000xf32, #tpu.memory_space<vmem>> -> memref<2000xf32, #tpu.memory_space<vmem>>
      %dma_wait3A_37 = arith.constant 0 : i32
      %dma_wait3A_38 = tpu.memref_slice %arg3[%run_scoped3A_18, %add3A, %dma_wait3A_37] : memref<5x32x2000xf32, #tpu.memory_space<hbm>> -> memref<1x1x2000xf32, #tpu.memory_space<hbm>>
      %dma_wait3A_39 = tpu.memref_squeeze %dma_wait3A_38 : memref<1x1x2000xf32, #tpu.memory_space<hbm>> -> memref<2000xf32, #tpu.memory_space<hbm>>
      %dma_wait3A_40 = arith.constant 0 : i32
      %dma_wait3A_41 = tpu.memref_slice %arg3[%run_scoped3A_18, %add3A, %dma_wait3A_40] : memref<5x32x2000xf32, #tpu.memory_space<hbm>> -> memref<1x1x2000xf32, #tpu.memory_space<hbm>>
      %dma_wait3A_42 = tpu.memref_squeeze %dma_wait3A_41 : memref<1x1x2000xf32, #tpu.memory_space<hbm>> -> memref<2000xf32, #tpu.memory_space<hbm>>
      %dma_wait3A_43 = arith.constant 2000 : i32
      %dma_wait3A_44 = tpu.memref_slice %arg7[%dma_wait3A_43] : memref<10000xf32, #tpu.memory_space<vmem>> -> memref<2000xf32, #tpu.memory_space<vmem>>
      tpu.wait_dma2 semaphore(%run_scoped3A_26 : memref<!tpu.dma_semaphore, #tpu.memory_space<semaphore_mem>>) src(%dma_wait3A_44 : memref<2000xf32, #tpu.memory_space<vmem>>) dst(%dma_wait3A_42 : memref<2000xf32, #tpu.memory_space<hbm>>)
      tpu.yield
    }) : () -> ()
    %run_scoped3A_19 = arith.constant 1 : i32
    "tpu.region"() ({
      %run_scoped3A_26 = tpu.sem_alloc : memref<!tpu.dma_semaphore, #tpu.memory_space<semaphore_mem>>
      %dma_start3A = arith.constant 2000 : i32
      %dma_start3A_27 = tpu.memref_slice %arg8[%dma_start3A] : memref<10000xf32, #tpu.memory_space<vmem>> -> memref<2000xf32, #tpu.memory_space<vmem>>
      %dma_start3A_28 = arith.constant 0 : i32
      %dma_start3A_29 = tpu.memref_slice %arg4[%run_scoped3A_19, %add3A, %dma_start3A_28] : memref<5x32x2000xf32, #tpu.memory_space<hbm>> -> memref<1x1x2000xf32, #tpu.memory_space<hbm>>
      %dma_start3A_30 = tpu.memref_squeeze %dma_start3A_29 : memref<1x1x2000xf32, #tpu.memory_space<hbm>> -> memref<2000xf32, #tpu.memory_space<hbm>>
      %dma_start3A_31 = arith.constant 0 : i32
      %dma_start3A_32 = tpu.memref_slice %arg4[%run_scoped3A_19, %add3A, %dma_start3A_31] : memref<5x32x2000xf32, #tpu.memory_space<hbm>> -> memref<1x1x2000xf32, #tpu.memory_space<hbm>>
      %dma_start3A_33 = tpu.memref_squeeze %dma_start3A_32 : memref<1x1x2000xf32, #tpu.memory_space<hbm>> -> memref<2000xf32, #tpu.memory_space<hbm>>
      %dma_start3A_34 = arith.constant 2000 : i32
      %dma_start3A_35 = tpu.memref_slice %arg8[%dma_start3A_34] : memref<10000xf32, #tpu.memory_space<vmem>> -> memref<2000xf32, #tpu.memory_space<vmem>>
      tpu.enqueue_dma source(%dma_start3A_35 : memref<2000xf32, #tpu.memory_space<vmem>>) target(%dma_start3A_33 : memref<2000xf32, #tpu.memory_space<hbm>>) target_semaphore(%run_scoped3A_26 : memref<!tpu.dma_semaphore, #tpu.memory_space<semaphore_mem>>)
      %dma_wait3A = arith.constant 2000 : i32
      %dma_wait3A_36 = tpu.memref_slice %arg8[%dma_wait3A] : memref<10000xf32, #tpu.memory_space<vmem>> -> memref<2000xf32, #tpu.memory_space<vmem>>
      %dma_wait3A_37 = arith.constant 0 : i32
      %dma_wait3A_38 = tpu.memref_slice %arg4[%run_scoped3A_19, %add3A, %dma_wait3A_37] : memref<5x32x2000xf32, #tpu.memory_space<hbm>> -> memref<1x1x2000xf32, #tpu.memory_space<hbm>>
      %dma_wait3A_39 = tpu.memref_squeeze %dma_wait3A_38 : memref<1x1x2000xf32, #tpu.memory_space<hbm>> -> memref<2000xf32, #tpu.memory_space<hbm>>
      %dma_wait3A_40 = arith.constant 0 : i32
      %dma_wait3A_41 = tpu.memref_slice %arg4[%run_scoped3A_19, %add3A, %dma_wait3A_40] : memref<5x32x2000xf32, #tpu.memory_space<hbm>> -> memref<1x1x2000xf32, #tpu.memory_space<hbm>>
      %dma_wait3A_42 = tpu.memref_squeeze %dma_wait3A_41 : memref<1x1x2000xf32, #tpu.memory_space<hbm>> -> memref<2000xf32, #tpu.memory_space<hbm>>
      %dma_wait3A_43 = arith.constant 2000 : i32
      %dma_wait3A_44 = tpu.memref_slice %arg8[%dma_wait3A_43] : memref<10000xf32, #tpu.memory_space<vmem>> -> memref<2000xf32, #tpu.memory_space<vmem>>
      tpu.wait_dma2 semaphore(%run_scoped3A_26 : memref<!tpu.dma_semaphore, #tpu.memory_space<semaphore_mem>>) src(%dma_wait3A_44 : memref<2000xf32, #tpu.memory_space<vmem>>) dst(%dma_wait3A_42 : memref<2000xf32, #tpu.memory_space<hbm>>)
      tpu.yield
    }) : () -> ()
    %run_scoped3A_20 = arith.constant 2 : i32
    "tpu.region"() ({
      %run_scoped3A_26 = tpu.sem_alloc : memref<!tpu.dma_semaphore, #tpu.memory_space<semaphore_mem>>
      %dma_start3A = arith.constant 4000 : i32
      %dma_start3A_27 = tpu.memref_slice %arg7[%dma_start3A] : memref<10000xf32, #tpu.memory_space<vmem>> -> memref<2000xf32, #tpu.memory_space<vmem>>
      %dma_start3A_28 = arith.constant 0 : i32
      %dma_start3A_29 = tpu.memref_slice %arg3[%run_scoped3A_20, %add3A, %dma_start3A_28] : memref<5x32x2000xf32, #tpu.memory_space<hbm>> -> memref<1x1x2000xf32, #tpu.memory_space<hbm>>
      %dma_start3A_30 = tpu.memref_squeeze %dma_start3A_29 : memref<1x1x2000xf32, #tpu.memory_space<hbm>> -> memref<2000xf32, #tpu.memory_space<hbm>>
      %dma_start3A_31 = arith.constant 0 : i32
      %dma_start3A_32 = tpu.memref_slice %arg3[%run_scoped3A_20, %add3A, %dma_start3A_31] : memref<5x32x2000xf32, #tpu.memory_space<hbm>> -> memref<1x1x2000xf32, #tpu.memory_space<hbm>>
      %dma_start3A_33 = tpu.memref_squeeze %dma_start3A_32 : memref<1x1x2000xf32, #tpu.memory_space<hbm>> -> memref<2000xf32, #tpu.memory_space<hbm>>
      %dma_start3A_34 = arith.constant 4000 : i32
      %dma_start3A_35 = tpu.memref_slice %arg7[%dma_start3A_34] : memref<10000xf32, #tpu.memory_space<vmem>> -> memref<2000xf32, #tpu.memory_space<vmem>>
      tpu.enqueue_dma source(%dma_start3A_35 : memref<2000xf32, #tpu.memory_space<vmem>>) target(%dma_start3A_33 : memref<2000xf32, #tpu.memory_space<hbm>>) target_semaphore(%run_scoped3A_26 : memref<!tpu.dma_semaphore, #tpu.memory_space<semaphore_mem>>)
      %dma_wait3A = arith.constant 4000 : i32
      %dma_wait3A_36 = tpu.memref_slice %arg7[%dma_wait3A] : memref<10000xf32, #tpu.memory_space<vmem>> -> memref<2000xf32, #tpu.memory_space<vmem>>
      %dma_wait3A_37 = arith.constant 0 : i32
      %dma_wait3A_38 = tpu.memref_slice %arg3[%run_scoped3A_20, %add3A, %dma_wait3A_37] : memref<5x32x2000xf32, #tpu.memory_space<hbm>> -> memref<1x1x2000xf32, #tpu.memory_space<hbm>>
      %dma_wait3A_39 = tpu.memref_squeeze %dma_wait3A_38 : memref<1x1x2000xf32, #tpu.memory_space<hbm>> -> memref<2000xf32, #tpu.memory_space<hbm>>
      %dma_wait3A_40 = arith.constant 0 : i32
      %dma_wait3A_41 = tpu.memref_slice %arg3[%run_scoped3A_20, %add3A, %dma_wait3A_40] : memref<5x32x2000xf32, #tpu.memory_space<hbm>> -> memref<1x1x2000xf32, #tpu.memory_space<hbm>>
      %dma_wait3A_42 = tpu.memref_squeeze %dma_wait3A_41 : memref<1x1x2000xf32, #tpu.memory_space<hbm>> -> memref<2000xf32, #tpu.memory_space<hbm>>
      %dma_wait3A_43 = arith.constant 4000 : i32
      %dma_wait3A_44 = tpu.memref_slice %arg7[%dma_wait3A_43] : memref<10000xf32, #tpu.memory_space<vmem>> -> memref<2000xf32, #tpu.memory_space<vmem>>
      tpu.wait_dma2 semaphore(%run_scoped3A_26 : memref<!tpu.dma_semaphore, #tpu.memory_space<semaphore_mem>>) src(%dma_wait3A_44 : memref<2000xf32, #tpu.memory_space<vmem>>) dst(%dma_wait3A_42 : memref<2000xf32, #tpu.memory_space<hbm>>)
      tpu.yield
    }) : () -> ()
    %run_scoped3A_21 = arith.constant 2 : i32
    "tpu.region"() ({
      %run_scoped3A_26 = tpu.sem_alloc : memref<!tpu.dma_semaphore, #tpu.memory_space<semaphore_mem>>
      %dma_start3A = arith.constant 4000 : i32
      %dma_start3A_27 = tpu.memref_slice %arg8[%dma_start3A] : memref<10000xf32, #tpu.memory_space<vmem>> -> memref<2000xf32, #tpu.memory_space<vmem>>
      %dma_start3A_28 = arith.constant 0 : i32
      %dma_start3A_29 = tpu.memref_slice %arg4[%run_scoped3A_21, %add3A, %dma_start3A_28] : memref<5x32x2000xf32, #tpu.memory_space<hbm>> -> memref<1x1x2000xf32, #tpu.memory_space<hbm>>
      %dma_start3A_30 = tpu.memref_squeeze %dma_start3A_29 : memref<1x1x2000xf32, #tpu.memory_space<hbm>> -> memref<2000xf32, #tpu.memory_space<hbm>>
      %dma_start3A_31 = arith.constant 0 : i32
      %dma_start3A_32 = tpu.memref_slice %arg4[%run_scoped3A_21, %add3A, %dma_start3A_31] : memref<5x32x2000xf32, #tpu.memory_space<hbm>> -> memref<1x1x2000xf32, #tpu.memory_space<hbm>>
      %dma_start3A_33 = tpu.memref_squeeze %dma_start3A_32 : memref<1x1x2000xf32, #tpu.memory_space<hbm>> -> memref<2000xf32, #tpu.memory_space<hbm>>
      %dma_start3A_34 = arith.constant 4000 : i32
      %dma_start3A_35 = tpu.memref_slice %arg8[%dma_start3A_34] : memref<10000xf32, #tpu.memory_space<vmem>> -> memref<2000xf32, #tpu.memory_space<vmem>>
      tpu.enqueue_dma source(%dma_start3A_35 : memref<2000xf32, #tpu.memory_space<vmem>>) target(%dma_start3A_33 : memref<2000xf32, #tpu.memory_space<hbm>>) target_semaphore(%run_scoped3A_26 : memref<!tpu.dma_semaphore, #tpu.memory_space<semaphore_mem>>)
      %dma_wait3A = arith.constant 4000 : i32
      %dma_wait3A_36 = tpu.memref_slice %arg8[%dma_wait3A] : memref<10000xf32, #tpu.memory_space<vmem>> -> memref<2000xf32, #tpu.memory_space<vmem>>
      %dma_wait3A_37 = arith.constant 0 : i32
      %dma_wait3A_38 = tpu.memref_slice %arg4[%run_scoped3A_21, %add3A, %dma_wait3A_37] : memref<5x32x2000xf32, #tpu.memory_space<hbm>> -> memref<1x1x2000xf32, #tpu.memory_space<hbm>>
      %dma_wait3A_39 = tpu.memref_squeeze %dma_wait3A_38 : memref<1x1x2000xf32, #tpu.memory_space<hbm>> -> memref<2000xf32, #tpu.memory_space<hbm>>
      %dma_wait3A_40 = arith.constant 0 : i32
      %dma_wait3A_41 = tpu.memref_slice %arg4[%run_scoped3A_21, %add3A, %dma_wait3A_40] : memref<5x32x2000xf32, #tpu.memory_space<hbm>> -> memref<1x1x2000xf32, #tpu.memory_space<hbm>>
      %dma_wait3A_42 = tpu.memref_squeeze %dma_wait3A_41 : memref<1x1x2000xf32, #tpu.memory_space<hbm>> -> memref<2000xf32, #tpu.memory_space<hbm>>
      %dma_wait3A_43 = arith.constant 4000 : i32
      %dma_wait3A_44 = tpu.memref_slice %arg8[%dma_wait3A_43] : memref<10000xf32, #tpu.memory_space<vmem>> -> memref<2000xf32, #tpu.memory_space<vmem>>
      tpu.wait_dma2 semaphore(%run_scoped3A_26 : memref<!tpu.dma_semaphore, #tpu.memory_space<semaphore_mem>>) src(%dma_wait3A_44 : memref<2000xf32, #tpu.memory_space<vmem>>) dst(%dma_wait3A_42 : memref<2000xf32, #tpu.memory_space<hbm>>)
      tpu.yield
    }) : () -> ()
    %run_scoped3A_22 = arith.constant 3 : i32
    "tpu.region"() ({
      %run_scoped3A_26 = tpu.sem_alloc : memref<!tpu.dma_semaphore, #tpu.memory_space<semaphore_mem>>
      %dma_start3A = arith.constant 6000 : i32
      %dma_start3A_27 = tpu.memref_slice %arg7[%dma_start3A] : memref<10000xf32, #tpu.memory_space<vmem>> -> memref<2000xf32, #tpu.memory_space<vmem>>
      %dma_start3A_28 = arith.constant 0 : i32
      %dma_start3A_29 = tpu.memref_slice %arg3[%run_scoped3A_22, %add3A, %dma_start3A_28] : memref<5x32x2000xf32, #tpu.memory_space<hbm>> -> memref<1x1x2000xf32, #tpu.memory_space<hbm>>
      %dma_start3A_30 = tpu.memref_squeeze %dma_start3A_29 : memref<1x1x2000xf32, #tpu.memory_space<hbm>> -> memref<2000xf32, #tpu.memory_space<hbm>>
      %dma_start3A_31 = arith.constant 0 : i32
      %dma_start3A_32 = tpu.memref_slice %arg3[%run_scoped3A_22, %add3A, %dma_start3A_31] : memref<5x32x2000xf32, #tpu.memory_space<hbm>> -> memref<1x1x2000xf32, #tpu.memory_space<hbm>>
      %dma_start3A_33 = tpu.memref_squeeze %dma_start3A_32 : memref<1x1x2000xf32, #tpu.memory_space<hbm>> -> memref<2000xf32, #tpu.memory_space<hbm>>
      %dma_start3A_34 = arith.constant 6000 : i32
      %dma_start3A_35 = tpu.memref_slice %arg7[%dma_start3A_34] : memref<10000xf32, #tpu.memory_space<vmem>> -> memref<2000xf32, #tpu.memory_space<vmem>>
      tpu.enqueue_dma source(%dma_start3A_35 : memref<2000xf32, #tpu.memory_space<vmem>>) target(%dma_start3A_33 : memref<2000xf32, #tpu.memory_space<hbm>>) target_semaphore(%run_scoped3A_26 : memref<!tpu.dma_semaphore, #tpu.memory_space<semaphore_mem>>)
      %dma_wait3A = arith.constant 6000 : i32
      %dma_wait3A_36 = tpu.memref_slice %arg7[%dma_wait3A] : memref<10000xf32, #tpu.memory_space<vmem>> -> memref<2000xf32, #tpu.memory_space<vmem>>
      %dma_wait3A_37 = arith.constant 0 : i32
      %dma_wait3A_38 = tpu.memref_slice %arg3[%run_scoped3A_22, %add3A, %dma_wait3A_37] : memref<5x32x2000xf32, #tpu.memory_space<hbm>> -> memref<1x1x2000xf32, #tpu.memory_space<hbm>>
      %dma_wait3A_39 = tpu.memref_squeeze %dma_wait3A_38 : memref<1x1x2000xf32, #tpu.memory_space<hbm>> -> memref<2000xf32, #tpu.memory_space<hbm>>
      %dma_wait3A_40 = arith.constant 0 : i32
      %dma_wait3A_41 = tpu.memref_slice %arg3[%run_scoped3A_22, %add3A, %dma_wait3A_40] : memref<5x32x2000xf32, #tpu.memory_space<hbm>> -> memref<1x1x2000xf32, #tpu.memory_space<hbm>>
      %dma_wait3A_42 = tpu.memref_squeeze %dma_wait3A_41 : memref<1x1x2000xf32, #tpu.memory_space<hbm>> -> memref<2000xf32, #tpu.memory_space<hbm>>
      %dma_wait3A_43 = arith.constant 6000 : i32
      %dma_wait3A_44 = tpu.memref_slice %arg7[%dma_wait3A_43] : memref<10000xf32, #tpu.memory_space<vmem>> -> memref<2000xf32, #tpu.memory_space<vmem>>
      tpu.wait_dma2 semaphore(%run_scoped3A_26 : memref<!tpu.dma_semaphore, #tpu.memory_space<semaphore_mem>>) src(%dma_wait3A_44 : memref<2000xf32, #tpu.memory_space<vmem>>) dst(%dma_wait3A_42 : memref<2000xf32, #tpu.memory_space<hbm>>)
      tpu.yield
    }) : () -> ()
    %run_scoped3A_23 = arith.constant 3 : i32
    "tpu.region"() ({
      %run_scoped3A_26 = tpu.sem_alloc : memref<!tpu.dma_semaphore, #tpu.memory_space<semaphore_mem>>
      %dma_start3A = arith.constant 6000 : i32
      %dma_start3A_27 = tpu.memref_slice %arg8[%dma_start3A] : memref<10000xf32, #tpu.memory_space<vmem>> -> memref<2000xf32, #tpu.memory_space<vmem>>
      %dma_start3A_28 = arith.constant 0 : i32
      %dma_start3A_29 = tpu.memref_slice %arg4[%run_scoped3A_23, %add3A, %dma_start3A_28] : memref<5x32x2000xf32, #tpu.memory_space<hbm>> -> memref<1x1x2000xf32, #tpu.memory_space<hbm>>
      %dma_start3A_30 = tpu.memref_squeeze %dma_start3A_29 : memref<1x1x2000xf32, #tpu.memory_space<hbm>> -> memref<2000xf32, #tpu.memory_space<hbm>>
      %dma_start3A_31 = arith.constant 0 : i32
      %dma_start3A_32 = tpu.memref_slice %arg4[%run_scoped3A_23, %add3A, %dma_start3A_31] : memref<5x32x2000xf32, #tpu.memory_space<hbm>> -> memref<1x1x2000xf32, #tpu.memory_space<hbm>>
      %dma_start3A_33 = tpu.memref_squeeze %dma_start3A_32 : memref<1x1x2000xf32, #tpu.memory_space<hbm>> -> memref<2000xf32, #tpu.memory_space<hbm>>
      %dma_start3A_34 = arith.constant 6000 : i32
      %dma_start3A_35 = tpu.memref_slice %arg8[%dma_start3A_34] : memref<10000xf32, #tpu.memory_space<vmem>> -> memref<2000xf32, #tpu.memory_space<vmem>>
      tpu.enqueue_dma source(%dma_start3A_35 : memref<2000xf32, #tpu.memory_space<vmem>>) target(%dma_start3A_33 : memref<2000xf32, #tpu.memory_space<hbm>>) target_semaphore(%run_scoped3A_26 : memref<!tpu.dma_semaphore, #tpu.memory_space<semaphore_mem>>)
      %dma_wait3A = arith.constant 6000 : i32
      %dma_wait3A_36 = tpu.memref_slice %arg8[%dma_wait3A] : memref<10000xf32, #tpu.memory_space<vmem>> -> memref<2000xf32, #tpu.memory_space<vmem>>
      %dma_wait3A_37 = arith.constant 0 : i32
      %dma_wait3A_38 = tpu.memref_slice %arg4[%run_scoped3A_23, %add3A, %dma_wait3A_37] : memref<5x32x2000xf32, #tpu.memory_space<hbm>> -> memref<1x1x2000xf32, #tpu.memory_space<hbm>>
      %dma_wait3A_39 = tpu.memref_squeeze %dma_wait3A_38 : memref<1x1x2000xf32, #tpu.memory_space<hbm>> -> memref<2000xf32, #tpu.memory_space<hbm>>
      %dma_wait3A_40 = arith.constant 0 : i32
      %dma_wait3A_41 = tpu.memref_slice %arg4[%run_scoped3A_23, %add3A, %dma_wait3A_40] : memref<5x32x2000xf32, #tpu.memory_space<hbm>> -> memref<1x1x2000xf32, #tpu.memory_space<hbm>>
      %dma_wait3A_42 = tpu.memref_squeeze %dma_wait3A_41 : memref<1x1x2000xf32, #tpu.memory_space<hbm>> -> memref<2000xf32, #tpu.memory_space<hbm>>
      %dma_wait3A_43 = arith.constant 6000 : i32
      %dma_wait3A_44 = tpu.memref_slice %arg8[%dma_wait3A_43] : memref<10000xf32, #tpu.memory_space<vmem>> -> memref<2000xf32, #tpu.memory_space<vmem>>
      tpu.wait_dma2 semaphore(%run_scoped3A_26 : memref<!tpu.dma_semaphore, #tpu.memory_space<semaphore_mem>>) src(%dma_wait3A_44 : memref<2000xf32, #tpu.memory_space<vmem>>) dst(%dma_wait3A_42 : memref<2000xf32, #tpu.memory_space<hbm>>)
      tpu.yield
    }) : () -> ()
    %run_scoped3A_24 = arith.constant 4 : i32
    "tpu.region"() ({
      %run_scoped3A_26 = tpu.sem_alloc : memref<!tpu.dma_semaphore, #tpu.memory_space<semaphore_mem>>
      %dma_start3A = arith.constant 8000 : i32
      %dma_start3A_27 = tpu.memref_slice %arg7[%dma_start3A] : memref<10000xf32, #tpu.memory_space<vmem>> -> memref<2000xf32, #tpu.memory_space<vmem>>
      %dma_start3A_28 = arith.constant 0 : i32
      %dma_start3A_29 = tpu.memref_slice %arg3[%run_scoped3A_24, %add3A, %dma_start3A_28] : memref<5x32x2000xf32, #tpu.memory_space<hbm>> -> memref<1x1x2000xf32, #tpu.memory_space<hbm>>
      %dma_start3A_30 = tpu.memref_squeeze %dma_start3A_29 : memref<1x1x2000xf32, #tpu.memory_space<hbm>> -> memref<2000xf32, #tpu.memory_space<hbm>>
      %dma_start3A_31 = arith.constant 0 : i32
      %dma_start3A_32 = tpu.memref_slice %arg3[%run_scoped3A_24, %add3A, %dma_start3A_31] : memref<5x32x2000xf32, #tpu.memory_space<hbm>> -> memref<1x1x2000xf32, #tpu.memory_space<hbm>>
      %dma_start3A_33 = tpu.memref_squeeze %dma_start3A_32 : memref<1x1x2000xf32, #tpu.memory_space<hbm>> -> memref<2000xf32, #tpu.memory_space<hbm>>
      %dma_start3A_34 = arith.constant 8000 : i32
      %dma_start3A_35 = tpu.memref_slice %arg7[%dma_start3A_34] : memref<10000xf32, #tpu.memory_space<vmem>> -> memref<2000xf32, #tpu.memory_space<vmem>>
      tpu.enqueue_dma source(%dma_start3A_35 : memref<2000xf32, #tpu.memory_space<vmem>>) target(%dma_start3A_33 : memref<2000xf32, #tpu.memory_space<hbm>>) target_semaphore(%run_scoped3A_26 : memref<!tpu.dma_semaphore, #tpu.memory_space<semaphore_mem>>)
      %dma_wait3A = arith.constant 8000 : i32
      %dma_wait3A_36 = tpu.memref_slice %arg7[%dma_wait3A] : memref<10000xf32, #tpu.memory_space<vmem>> -> memref<2000xf32, #tpu.memory_space<vmem>>
      %dma_wait3A_37 = arith.constant 0 : i32
      %dma_wait3A_38 = tpu.memref_slice %arg3[%run_scoped3A_24, %add3A, %dma_wait3A_37] : memref<5x32x2000xf32, #tpu.memory_space<hbm>> -> memref<1x1x2000xf32, #tpu.memory_space<hbm>>
      %dma_wait3A_39 = tpu.memref_squeeze %dma_wait3A_38 : memref<1x1x2000xf32, #tpu.memory_space<hbm>> -> memref<2000xf32, #tpu.memory_space<hbm>>
      %dma_wait3A_40 = arith.constant 0 : i32
      %dma_wait3A_41 = tpu.memref_slice %arg3[%run_scoped3A_24, %add3A, %dma_wait3A_40] : memref<5x32x2000xf32, #tpu.memory_space<hbm>> -> memref<1x1x2000xf32, #tpu.memory_space<hbm>>
      %dma_wait3A_42 = tpu.memref_squeeze %dma_wait3A_41 : memref<1x1x2000xf32, #tpu.memory_space<hbm>> -> memref<2000xf32, #tpu.memory_space<hbm>>
      %dma_wait3A_43 = arith.constant 8000 : i32
      %dma_wait3A_44 = tpu.memref_slice %arg7[%dma_wait3A_43] : memref<10000xf32, #tpu.memory_space<vmem>> -> memref<2000xf32, #tpu.memory_space<vmem>>
      tpu.wait_dma2 semaphore(%run_scoped3A_26 : memref<!tpu.dma_semaphore, #tpu.memory_space<semaphore_mem>>) src(%dma_wait3A_44 : memref<2000xf32, #tpu.memory_space<vmem>>) dst(%dma_wait3A_42 : memref<2000xf32, #tpu.memory_space<hbm>>)
      tpu.yield
    }) : () -> ()
    %run_scoped3A_25 = arith.constant 4 : i32
    "tpu.region"() ({
      %run_scoped3A_26 = tpu.sem_alloc : memref<!tpu.dma_semaphore, #tpu.memory_space<semaphore_mem>>
      %dma_start3A = arith.constant 8000 : i32
      %dma_start3A_27 = tpu.memref_slice %arg8[%dma_start3A] : memref<10000xf32, #tpu.memory_space<vmem>> -> memref<2000xf32, #tpu.memory_space<vmem>>
      %dma_start3A_28 = arith.constant 0 : i32
      %dma_start3A_29 = tpu.memref_slice %arg4[%run_scoped3A_25, %add3A, %dma_start3A_28] : memref<5x32x2000xf32, #tpu.memory_space<hbm>> -> memref<1x1x2000xf32, #tpu.memory_space<hbm>>
      %dma_start3A_30 = tpu.memref_squeeze %dma_start3A_29 : memref<1x1x2000xf32, #tpu.memory_space<hbm>> -> memref<2000xf32, #tpu.memory_space<hbm>>
      %dma_start3A_31 = arith.constant 0 : i32
      %dma_start3A_32 = tpu.memref_slice %arg4[%run_scoped3A_25, %add3A, %dma_start3A_31] : memref<5x32x2000xf32, #tpu.memory_space<hbm>> -> memref<1x1x2000xf32, #tpu.memory_space<hbm>>
      %dma_start3A_33 = tpu.memref_squeeze %dma_start3A_32 : memref<1x1x2000xf32, #tpu.memory_space<hbm>> -> memref<2000xf32, #tpu.memory_space<hbm>>
      %dma_start3A_34 = arith.constant 8000 : i32
      %dma_start3A_35 = tpu.memref_slice %arg8[%dma_start3A_34] : memref<10000xf32, #tpu.memory_space<vmem>> -> memref<2000xf32, #tpu.memory_space<vmem>>
      tpu.enqueue_dma source(%dma_start3A_35 : memref<2000xf32, #tpu.memory_space<vmem>>) target(%dma_start3A_33 : memref<2000xf32, #tpu.memory_space<hbm>>) target_semaphore(%run_scoped3A_26 : memref<!tpu.dma_semaphore, #tpu.memory_space<semaphore_mem>>)
      %dma_wait3A = arith.constant 8000 : i32
      %dma_wait3A_36 = tpu.memref_slice %arg8[%dma_wait3A] : memref<10000xf32, #tpu.memory_space<vmem>> -> memref<2000xf32, #tpu.memory_space<vmem>>
      %dma_wait3A_37 = arith.constant 0 : i32
      %dma_wait3A_38 = tpu.memref_slice %arg4[%run_scoped3A_25, %add3A, %dma_wait3A_37] : memref<5x32x2000xf32, #tpu.memory_space<hbm>> -> memref<1x1x2000xf32, #tpu.memory_space<hbm>>
      %dma_wait3A_39 = tpu.memref_squeeze %dma_wait3A_38 : memref<1x1x2000xf32, #tpu.memory_space<hbm>> -> memref<2000xf32, #tpu.memory_space<hbm>>
      %dma_wait3A_40 = arith.constant 0 : i32
      %dma_wait3A_41 = tpu.memref_slice %arg4[%run_scoped3A_25, %add3A, %dma_wait3A_40] : memref<5x32x2000xf32, #tpu.memory_space<hbm>> -> memref<1x1x2000xf32, #tpu.memory_space<hbm>>
      %dma_wait3A_42 = tpu.memref_squeeze %dma_wait3A_41 : memref<1x1x2000xf32, #tpu.memory_space<hbm>> -> memref<2000xf32, #tpu.memory_space<hbm>>
      %dma_wait3A_43 = arith.constant 8000 : i32
      %dma_wait3A_44 = tpu.memref_slice %arg8[%dma_wait3A_43] : memref<10000xf32, #tpu.memory_space<vmem>> -> memref<2000xf32, #tpu.memory_space<vmem>>
      tpu.wait_dma2 semaphore(%run_scoped3A_26 : memref<!tpu.dma_semaphore, #tpu.memory_space<semaphore_mem>>) src(%dma_wait3A_44 : memref<2000xf32, #tpu.memory_space<vmem>>) dst(%dma_wait3A_42 : memref<2000xf32, #tpu.memory_space<hbm>>)
      tpu.yield
    }) : () -> ()
    return
  }
}

#map = affine_map<(d0, d1) -> (0, 0, 0)>
#map1 = affine_map<(d0, d1) -> (0, 0, 0, 0)>
module attributes {stable_mosaic.version = 14 : i64} {
  func.func @_agg_kernel(%arg0: i32, %arg1: i32, %arg2: memref<2x10000x64xf32, #tpu.memory_space<hbm>>, %arg3: memref<2x16x250x80xi32, #tpu.memory_space<hbm>>, %arg4: memref<2x10000x64xf32, #tpu.memory_space<hbm>>, %arg5: memref<250x80xi32, #tpu.memory_space<vmem>>, %arg6: memref<250x80xi32, #tpu.memory_space<vmem>>, %arg7: memref<80x64xf32, #tpu.memory_space<vmem>>, %arg8: memref<80x64xf32, #tpu.memory_space<vmem>>, %arg9: memref<80x64xf32, #tpu.memory_space<vmem>>, %arg10: memref<80x64xf32, #tpu.memory_space<vmem>>, %arg11: memref<80x64xf32, #tpu.memory_space<vmem>>, %arg12: memref<80x64xf32, #tpu.memory_space<vmem>>, %arg13: memref<10000x64xf32, #tpu.memory_space<vmem_shared>>, %arg14: memref<!tpu.dma_semaphore, #tpu.memory_space<semaphore_mem>>, %arg15: memref<!tpu.dma_semaphore, #tpu.memory_space<semaphore_mem>>, %arg16: memref<!tpu.dma_semaphore, #tpu.memory_space<semaphore_mem>>, %arg17: memref<!tpu.dma_semaphore, #tpu.memory_space<semaphore_mem>>, %arg18: memref<!tpu.dma_semaphore, #tpu.memory_space<semaphore_mem>>, %arg19: memref<!tpu.dma_semaphore, #tpu.memory_space<semaphore_mem>>) attributes {dimension_semantics = [#tpu.dimension_semantics<core_parallel>, #tpu.dimension_semantics<subcore_parallel>], iteration_bounds = array<i64: 2, 16>, scalar_prefetch = 0 : i64, scratch_operands = 15 : i64, tpu.core_type = #tpu.core_type<sc_vector_subcore>, window_params = [{transform_indices = #map}, {transform_indices = #map1}, {transform_indices = #map}]} {
    %broadcast_in_dim3A = arith.constant 0.000000e+00 : f32
    %broadcast_in_dim3A_0 = vector.broadcast %broadcast_in_dim3A : f32 to vector<16xf32>
    %scan3A = arith.constant 0 : i32
    %scan3A_1 = arith.constant 0 : i32
    %scan3A_2 = arith.constant 80 : i32
    %scan3A_3 = arith.addi %scan3A_1, %scan3A_2 : i32
    %scan3A_4 = arith.constant 1 : i32
    scf.for %scan3A_249 = %scan3A_1 to %scan3A_3 step %scan3A_4  : i32 {
      %swap3A = arith.index_cast %scan3A_249 : i32 to index
      %swap3A_250 = arith.constant 0 : index
      %swap3A_251 = tpu.vector_load %arg7[%swap3A, %swap3A_250] {strides = array<i32>} : memref<80x64xf32, #tpu.memory_space<vmem>>, vector<16xf32>,
      tpu.vector_store %arg7[%swap3A, %swap3A_250], %broadcast_in_dim3A_0 {strides = array<i32>} : memref<80x64xf32, #tpu.memory_space<vmem>>, vector<16xf32>,
      %swap3A_252 = arith.index_cast %scan3A_249 : i32 to index
      %swap3A_253 = arith.constant 16 : index
      %swap3A_254 = tpu.vector_load %arg7[%swap3A_252, %swap3A_253] {strides = array<i32>} : memref<80x64xf32, #tpu.memory_space<vmem>>, vector<16xf32>,
      tpu.vector_store %arg7[%swap3A_252, %swap3A_253], %broadcast_in_dim3A_0 {strides = array<i32>} : memref<80x64xf32, #tpu.memory_space<vmem>>, vector<16xf32>,
      %swap3A_255 = arith.index_cast %scan3A_249 : i32 to index
      %swap3A_256 = arith.constant 32 : index
      %swap3A_257 = tpu.vector_load %arg7[%swap3A_255, %swap3A_256] {strides = array<i32>} : memref<80x64xf32, #tpu.memory_space<vmem>>, vector<16xf32>,
      tpu.vector_store %arg7[%swap3A_255, %swap3A_256], %broadcast_in_dim3A_0 {strides = array<i32>} : memref<80x64xf32, #tpu.memory_space<vmem>>, vector<16xf32>,
      %swap3A_258 = arith.index_cast %scan3A_249 : i32 to index
      %swap3A_259 = arith.constant 48 : index
      %swap3A_260 = tpu.vector_load %arg7[%swap3A_258, %swap3A_259] {strides = array<i32>} : memref<80x64xf32, #tpu.memory_space<vmem>>, vector<16xf32>,
      tpu.vector_store %arg7[%swap3A_258, %swap3A_259], %broadcast_in_dim3A_0 {strides = array<i32>} : memref<80x64xf32, #tpu.memory_space<vmem>>, vector<16xf32>,
    }
    %scan3A_5 = arith.constant 80 : i32
    %lt3A = arith.constant 10 : i32
    %lt3A_6 = arith.cmpi slt, %arg1, %lt3A : i32
    %convert_element_type3A = arith.extui %lt3A_6 : i1 to i32
    %cond3A = arith.constant 0 : i32
    %cond3A_7 = arith.cmpi ne, %convert_element_type3A, %cond3A : i32
    scf.if %cond3A_7 {
      %mul3A = arith.constant 1000 : i32
      %mul3A_249 = arith.muli %arg1, %mul3A : i32
      %add3A = arith.constant 0 : i32
      %add3A_250 = arith.addi %mul3A_249, %add3A : i32
      "tpu.region"() ({
        %run_scoped3A_300 = tpu.sem_alloc : memref<!tpu.dma_semaphore, #tpu.memory_space<semaphore_mem>>
        %dma_start3A_301 = arith.constant 0 : i32
        %dma_start3A_302 = tpu.memref_slice %arg13[%add3A_250, %dma_start3A_301] : memref<10000x64xf32, #tpu.memory_space<vmem_shared>> -> memref<80x64xf32, #tpu.memory_space<vmem_shared>>
        %dma_start3A_303 = arith.constant 0 : i32
        %dma_start3A_304 = tpu.memref_slice %arg13[%add3A_250, %dma_start3A_303] : memref<10000x64xf32, #tpu.memory_space<vmem_shared>> -> memref<80x64xf32, #tpu.memory_space<vmem_shared>>
        tpu.enqueue_dma source(%arg7 : memref<80x64xf32, #tpu.memory_space<vmem>>) target(%dma_start3A_304 : memref<80x64xf32, #tpu.memory_space<vmem_shared>>) target_semaphore(%run_scoped3A_300 : memref<!tpu.dma_semaphore, #tpu.memory_space<semaphore_mem>>)
        %dma_wait3A_305 = arith.constant 0 : i32
        %dma_wait3A_306 = tpu.memref_slice %arg13[%add3A_250, %dma_wait3A_305] : memref<10000x64xf32, #tpu.memory_space<vmem_shared>> -> memref<80x64xf32, #tpu.memory_space<vmem_shared>>
        %dma_wait3A_307 = arith.constant 0 : i32
        %dma_wait3A_308 = tpu.memref_slice %arg13[%add3A_250, %dma_wait3A_307] : memref<10000x64xf32, #tpu.memory_space<vmem_shared>> -> memref<80x64xf32, #tpu.memory_space<vmem_shared>>
        tpu.wait_dma2 semaphore(%run_scoped3A_300 : memref<!tpu.dma_semaphore, #tpu.memory_space<semaphore_mem>>) src(%arg7 : memref<80x64xf32, #tpu.memory_space<vmem>>) dst(%dma_wait3A_308 : memref<80x64xf32, #tpu.memory_space<vmem_shared>>)
        tpu.yield
      }) : () -> ()
      %mul3A_251 = arith.constant 1000 : i32
      %mul3A_252 = arith.muli %arg1, %mul3A_251 : i32
      %add3A_253 = arith.constant 80 : i32
      %add3A_254 = arith.addi %mul3A_252, %add3A_253 : i32
      "tpu.region"() ({
        %run_scoped3A_300 = tpu.sem_alloc : memref<!tpu.dma_semaphore, #tpu.memory_space<semaphore_mem>>
        %dma_start3A_301 = arith.constant 0 : i32
        %dma_start3A_302 = tpu.memref_slice %arg13[%add3A_254, %dma_start3A_301] : memref<10000x64xf32, #tpu.memory_space<vmem_shared>> -> memref<80x64xf32, #tpu.memory_space<vmem_shared>>
        %dma_start3A_303 = arith.constant 0 : i32
        %dma_start3A_304 = tpu.memref_slice %arg13[%add3A_254, %dma_start3A_303] : memref<10000x64xf32, #tpu.memory_space<vmem_shared>> -> memref<80x64xf32, #tpu.memory_space<vmem_shared>>
        tpu.enqueue_dma source(%arg7 : memref<80x64xf32, #tpu.memory_space<vmem>>) target(%dma_start3A_304 : memref<80x64xf32, #tpu.memory_space<vmem_shared>>) target_semaphore(%run_scoped3A_300 : memref<!tpu.dma_semaphore, #tpu.memory_space<semaphore_mem>>)
        %dma_wait3A_305 = arith.constant 0 : i32
        %dma_wait3A_306 = tpu.memref_slice %arg13[%add3A_254, %dma_wait3A_305] : memref<10000x64xf32, #tpu.memory_space<vmem_shared>> -> memref<80x64xf32, #tpu.memory_space<vmem_shared>>
        %dma_wait3A_307 = arith.constant 0 : i32
        %dma_wait3A_308 = tpu.memref_slice %arg13[%add3A_254, %dma_wait3A_307] : memref<10000x64xf32, #tpu.memory_space<vmem_shared>> -> memref<80x64xf32, #tpu.memory_space<vmem_shared>>
        tpu.wait_dma2 semaphore(%run_scoped3A_300 : memref<!tpu.dma_semaphore, #tpu.memory_space<semaphore_mem>>) src(%arg7 : memref<80x64xf32, #tpu.memory_space<vmem>>) dst(%dma_wait3A_308 : memref<80x64xf32, #tpu.memory_space<vmem_shared>>)
        tpu.yield
      }) : () -> ()
      %mul3A_255 = arith.constant 1000 : i32
      %mul3A_256 = arith.muli %arg1, %mul3A_255 : i32
      %add3A_257 = arith.constant 160 : i32
      %add3A_258 = arith.addi %mul3A_256, %add3A_257 : i32
      "tpu.region"() ({
        %run_scoped3A_300 = tpu.sem_alloc : memref<!tpu.dma_semaphore, #tpu.memory_space<semaphore_mem>>
        %dma_start3A_301 = arith.constant 0 : i32
        %dma_start3A_302 = tpu.memref_slice %arg13[%add3A_258, %dma_start3A_301] : memref<10000x64xf32, #tpu.memory_space<vmem_shared>> -> memref<80x64xf32, #tpu.memory_space<vmem_shared>>
        %dma_start3A_303 = arith.constant 0 : i32
        %dma_start3A_304 = tpu.memref_slice %arg13[%add3A_258, %dma_start3A_303] : memref<10000x64xf32, #tpu.memory_space<vmem_shared>> -> memref<80x64xf32, #tpu.memory_space<vmem_shared>>
        tpu.enqueue_dma source(%arg7 : memref<80x64xf32, #tpu.memory_space<vmem>>) target(%dma_start3A_304 : memref<80x64xf32, #tpu.memory_space<vmem_shared>>) target_semaphore(%run_scoped3A_300 : memref<!tpu.dma_semaphore, #tpu.memory_space<semaphore_mem>>)
        %dma_wait3A_305 = arith.constant 0 : i32
        %dma_wait3A_306 = tpu.memref_slice %arg13[%add3A_258, %dma_wait3A_305] : memref<10000x64xf32, #tpu.memory_space<vmem_shared>> -> memref<80x64xf32, #tpu.memory_space<vmem_shared>>
        %dma_wait3A_307 = arith.constant 0 : i32
        %dma_wait3A_308 = tpu.memref_slice %arg13[%add3A_258, %dma_wait3A_307] : memref<10000x64xf32, #tpu.memory_space<vmem_shared>> -> memref<80x64xf32, #tpu.memory_space<vmem_shared>>
        tpu.wait_dma2 semaphore(%run_scoped3A_300 : memref<!tpu.dma_semaphore, #tpu.memory_space<semaphore_mem>>) src(%arg7 : memref<80x64xf32, #tpu.memory_space<vmem>>) dst(%dma_wait3A_308 : memref<80x64xf32, #tpu.memory_space<vmem_shared>>)
        tpu.yield
      }) : () -> ()
      %mul3A_259 = arith.constant 1000 : i32
      %mul3A_260 = arith.muli %arg1, %mul3A_259 : i32
      %add3A_261 = arith.constant 240 : i32
      %add3A_262 = arith.addi %mul3A_260, %add3A_261 : i32
      "tpu.region"() ({
        %run_scoped3A_300 = tpu.sem_alloc : memref<!tpu.dma_semaphore, #tpu.memory_space<semaphore_mem>>
        %dma_start3A_301 = arith.constant 0 : i32
        %dma_start3A_302 = tpu.memref_slice %arg13[%add3A_262, %dma_start3A_301] : memref<10000x64xf32, #tpu.memory_space<vmem_shared>> -> memref<80x64xf32, #tpu.memory_space<vmem_shared>>
        %dma_start3A_303 = arith.constant 0 : i32
        %dma_start3A_304 = tpu.memref_slice %arg13[%add3A_262, %dma_start3A_303] : memref<10000x64xf32, #tpu.memory_space<vmem_shared>> -> memref<80x64xf32, #tpu.memory_space<vmem_shared>>
        tpu.enqueue_dma source(%arg7 : memref<80x64xf32, #tpu.memory_space<vmem>>) target(%dma_start3A_304 : memref<80x64xf32, #tpu.memory_space<vmem_shared>>) target_semaphore(%run_scoped3A_300 : memref<!tpu.dma_semaphore, #tpu.memory_space<semaphore_mem>>)
        %dma_wait3A_305 = arith.constant 0 : i32
        %dma_wait3A_306 = tpu.memref_slice %arg13[%add3A_262, %dma_wait3A_305] : memref<10000x64xf32, #tpu.memory_space<vmem_shared>> -> memref<80x64xf32, #tpu.memory_space<vmem_shared>>
        %dma_wait3A_307 = arith.constant 0 : i32
        %dma_wait3A_308 = tpu.memref_slice %arg13[%add3A_262, %dma_wait3A_307] : memref<10000x64xf32, #tpu.memory_space<vmem_shared>> -> memref<80x64xf32, #tpu.memory_space<vmem_shared>>
        tpu.wait_dma2 semaphore(%run_scoped3A_300 : memref<!tpu.dma_semaphore, #tpu.memory_space<semaphore_mem>>) src(%arg7 : memref<80x64xf32, #tpu.memory_space<vmem>>) dst(%dma_wait3A_308 : memref<80x64xf32, #tpu.memory_space<vmem_shared>>)
        tpu.yield
      }) : () -> ()
      %mul3A_263 = arith.constant 1000 : i32
      %mul3A_264 = arith.muli %arg1, %mul3A_263 : i32
      %add3A_265 = arith.constant 320 : i32
      %add3A_266 = arith.addi %mul3A_264, %add3A_265 : i32
      "tpu.region"() ({
        %run_scoped3A_300 = tpu.sem_alloc : memref<!tpu.dma_semaphore, #tpu.memory_space<semaphore_mem>>
        %dma_start3A_301 = arith.constant 0 : i32
        %dma_start3A_302 = tpu.memref_slice %arg13[%add3A_266, %dma_start3A_301] : memref<10000x64xf32, #tpu.memory_space<vmem_shared>> -> memref<80x64xf32, #tpu.memory_space<vmem_shared>>
        %dma_start3A_303 = arith.constant 0 : i32
        %dma_start3A_304 = tpu.memref_slice %arg13[%add3A_266, %dma_start3A_303] : memref<10000x64xf32, #tpu.memory_space<vmem_shared>> -> memref<80x64xf32, #tpu.memory_space<vmem_shared>>
        tpu.enqueue_dma source(%arg7 : memref<80x64xf32, #tpu.memory_space<vmem>>) target(%dma_start3A_304 : memref<80x64xf32, #tpu.memory_space<vmem_shared>>) target_semaphore(%run_scoped3A_300 : memref<!tpu.dma_semaphore, #tpu.memory_space<semaphore_mem>>)
        %dma_wait3A_305 = arith.constant 0 : i32
        %dma_wait3A_306 = tpu.memref_slice %arg13[%add3A_266, %dma_wait3A_305] : memref<10000x64xf32, #tpu.memory_space<vmem_shared>> -> memref<80x64xf32, #tpu.memory_space<vmem_shared>>
        %dma_wait3A_307 = arith.constant 0 : i32
        %dma_wait3A_308 = tpu.memref_slice %arg13[%add3A_266, %dma_wait3A_307] : memref<10000x64xf32, #tpu.memory_space<vmem_shared>> -> memref<80x64xf32, #tpu.memory_space<vmem_shared>>
        tpu.wait_dma2 semaphore(%run_scoped3A_300 : memref<!tpu.dma_semaphore, #tpu.memory_space<semaphore_mem>>) src(%arg7 : memref<80x64xf32, #tpu.memory_space<vmem>>) dst(%dma_wait3A_308 : memref<80x64xf32, #tpu.memory_space<vmem_shared>>)
        tpu.yield
      }) : () -> ()
      %mul3A_267 = arith.constant 1000 : i32
      %mul3A_268 = arith.muli %arg1, %mul3A_267 : i32
      %add3A_269 = arith.constant 400 : i32
      %add3A_270 = arith.addi %mul3A_268, %add3A_269 : i32
      "tpu.region"() ({
        %run_scoped3A_300 = tpu.sem_alloc : memref<!tpu.dma_semaphore, #tpu.memory_space<semaphore_mem>>
        %dma_start3A_301 = arith.constant 0 : i32
        %dma_start3A_302 = tpu.memref_slice %arg13[%add3A_270, %dma_start3A_301] : memref<10000x64xf32, #tpu.memory_space<vmem_shared>> -> memref<80x64xf32, #tpu.memory_space<vmem_shared>>
        %dma_start3A_303 = arith.constant 0 : i32
        %dma_start3A_304 = tpu.memref_slice %arg13[%add3A_270, %dma_start3A_303] : memref<10000x64xf32, #tpu.memory_space<vmem_shared>> -> memref<80x64xf32, #tpu.memory_space<vmem_shared>>
        tpu.enqueue_dma source(%arg7 : memref<80x64xf32, #tpu.memory_space<vmem>>) target(%dma_start3A_304 : memref<80x64xf32, #tpu.memory_space<vmem_shared>>) target_semaphore(%run_scoped3A_300 : memref<!tpu.dma_semaphore, #tpu.memory_space<semaphore_mem>>)
        %dma_wait3A_305 = arith.constant 0 : i32
        %dma_wait3A_306 = tpu.memref_slice %arg13[%add3A_270, %dma_wait3A_305] : memref<10000x64xf32, #tpu.memory_space<vmem_shared>> -> memref<80x64xf32, #tpu.memory_space<vmem_shared>>
        %dma_wait3A_307 = arith.constant 0 : i32
        %dma_wait3A_308 = tpu.memref_slice %arg13[%add3A_270, %dma_wait3A_307] : memref<10000x64xf32, #tpu.memory_space<vmem_shared>> -> memref<80x64xf32, #tpu.memory_space<vmem_shared>>
        tpu.wait_dma2 semaphore(%run_scoped3A_300 : memref<!tpu.dma_semaphore, #tpu.memory_space<semaphore_mem>>) src(%arg7 : memref<80x64xf32, #tpu.memory_space<vmem>>) dst(%dma_wait3A_308 : memref<80x64xf32, #tpu.memory_space<vmem_shared>>)
        tpu.yield
      }) : () -> ()
      %mul3A_271 = arith.constant 1000 : i32
      %mul3A_272 = arith.muli %arg1, %mul3A_271 : i32
      %add3A_273 = arith.constant 480 : i32
      %add3A_274 = arith.addi %mul3A_272, %add3A_273 : i32
      "tpu.region"() ({
        %run_scoped3A_300 = tpu.sem_alloc : memref<!tpu.dma_semaphore, #tpu.memory_space<semaphore_mem>>
        %dma_start3A_301 = arith.constant 0 : i32
        %dma_start3A_302 = tpu.memref_slice %arg13[%add3A_274, %dma_start3A_301] : memref<10000x64xf32, #tpu.memory_space<vmem_shared>> -> memref<80x64xf32, #tpu.memory_space<vmem_shared>>
        %dma_start3A_303 = arith.constant 0 : i32
        %dma_start3A_304 = tpu.memref_slice %arg13[%add3A_274, %dma_start3A_303] : memref<10000x64xf32, #tpu.memory_space<vmem_shared>> -> memref<80x64xf32, #tpu.memory_space<vmem_shared>>
        tpu.enqueue_dma source(%arg7 : memref<80x64xf32, #tpu.memory_space<vmem>>) target(%dma_start3A_304 : memref<80x64xf32, #tpu.memory_space<vmem_shared>>) target_semaphore(%run_scoped3A_300 : memref<!tpu.dma_semaphore, #tpu.memory_space<semaphore_mem>>)
        %dma_wait3A_305 = arith.constant 0 : i32
        %dma_wait3A_306 = tpu.memref_slice %arg13[%add3A_274, %dma_wait3A_305] : memref<10000x64xf32, #tpu.memory_space<vmem_shared>> -> memref<80x64xf32, #tpu.memory_space<vmem_shared>>
        %dma_wait3A_307 = arith.constant 0 : i32
        %dma_wait3A_308 = tpu.memref_slice %arg13[%add3A_274, %dma_wait3A_307] : memref<10000x64xf32, #tpu.memory_space<vmem_shared>> -> memref<80x64xf32, #tpu.memory_space<vmem_shared>>
        tpu.wait_dma2 semaphore(%run_scoped3A_300 : memref<!tpu.dma_semaphore, #tpu.memory_space<semaphore_mem>>) src(%arg7 : memref<80x64xf32, #tpu.memory_space<vmem>>) dst(%dma_wait3A_308 : memref<80x64xf32, #tpu.memory_space<vmem_shared>>)
        tpu.yield
      }) : () -> ()
      %mul3A_275 = arith.constant 1000 : i32
      %mul3A_276 = arith.muli %arg1, %mul3A_275 : i32
      %add3A_277 = arith.constant 560 : i32
      %add3A_278 = arith.addi %mul3A_276, %add3A_277 : i32
      "tpu.region"() ({
        %run_scoped3A_300 = tpu.sem_alloc : memref<!tpu.dma_semaphore, #tpu.memory_space<semaphore_mem>>
        %dma_start3A_301 = arith.constant 0 : i32
        %dma_start3A_302 = tpu.memref_slice %arg13[%add3A_278, %dma_start3A_301] : memref<10000x64xf32, #tpu.memory_space<vmem_shared>> -> memref<80x64xf32, #tpu.memory_space<vmem_shared>>
        %dma_start3A_303 = arith.constant 0 : i32
        %dma_start3A_304 = tpu.memref_slice %arg13[%add3A_278, %dma_start3A_303] : memref<10000x64xf32, #tpu.memory_space<vmem_shared>> -> memref<80x64xf32, #tpu.memory_space<vmem_shared>>
        tpu.enqueue_dma source(%arg7 : memref<80x64xf32, #tpu.memory_space<vmem>>) target(%dma_start3A_304 : memref<80x64xf32, #tpu.memory_space<vmem_shared>>) target_semaphore(%run_scoped3A_300 : memref<!tpu.dma_semaphore, #tpu.memory_space<semaphore_mem>>)
        %dma_wait3A_305 = arith.constant 0 : i32
        %dma_wait3A_306 = tpu.memref_slice %arg13[%add3A_278, %dma_wait3A_305] : memref<10000x64xf32, #tpu.memory_space<vmem_shared>> -> memref<80x64xf32, #tpu.memory_space<vmem_shared>>
        %dma_wait3A_307 = arith.constant 0 : i32
        %dma_wait3A_308 = tpu.memref_slice %arg13[%add3A_278, %dma_wait3A_307] : memref<10000x64xf32, #tpu.memory_space<vmem_shared>> -> memref<80x64xf32, #tpu.memory_space<vmem_shared>>
        tpu.wait_dma2 semaphore(%run_scoped3A_300 : memref<!tpu.dma_semaphore, #tpu.memory_space<semaphore_mem>>) src(%arg7 : memref<80x64xf32, #tpu.memory_space<vmem>>) dst(%dma_wait3A_308 : memref<80x64xf32, #tpu.memory_space<vmem_shared>>)
        tpu.yield
      }) : () -> ()
      %mul3A_279 = arith.constant 1000 : i32
      %mul3A_280 = arith.muli %arg1, %mul3A_279 : i32
      %add3A_281 = arith.constant 640 : i32
      %add3A_282 = arith.addi %mul3A_280, %add3A_281 : i32
      "tpu.region"() ({
        %run_scoped3A_300 = tpu.sem_alloc : memref<!tpu.dma_semaphore, #tpu.memory_space<semaphore_mem>>
        %dma_start3A_301 = arith.constant 0 : i32
        %dma_start3A_302 = tpu.memref_slice %arg13[%add3A_282, %dma_start3A_301] : memref<10000x64xf32, #tpu.memory_space<vmem_shared>> -> memref<80x64xf32, #tpu.memory_space<vmem_shared>>
        %dma_start3A_303 = arith.constant 0 : i32
        %dma_start3A_304 = tpu.memref_slice %arg13[%add3A_282, %dma_start3A_303] : memref<10000x64xf32, #tpu.memory_space<vmem_shared>> -> memref<80x64xf32, #tpu.memory_space<vmem_shared>>
        tpu.enqueue_dma source(%arg7 : memref<80x64xf32, #tpu.memory_space<vmem>>) target(%dma_start3A_304 : memref<80x64xf32, #tpu.memory_space<vmem_shared>>) target_semaphore(%run_scoped3A_300 : memref<!tpu.dma_semaphore, #tpu.memory_space<semaphore_mem>>)
        %dma_wait3A_305 = arith.constant 0 : i32
        %dma_wait3A_306 = tpu.memref_slice %arg13[%add3A_282, %dma_wait3A_305] : memref<10000x64xf32, #tpu.memory_space<vmem_shared>> -> memref<80x64xf32, #tpu.memory_space<vmem_shared>>
        %dma_wait3A_307 = arith.constant 0 : i32
        %dma_wait3A_308 = tpu.memref_slice %arg13[%add3A_282, %dma_wait3A_307] : memref<10000x64xf32, #tpu.memory_space<vmem_shared>> -> memref<80x64xf32, #tpu.memory_space<vmem_shared>>
        tpu.wait_dma2 semaphore(%run_scoped3A_300 : memref<!tpu.dma_semaphore, #tpu.memory_space<semaphore_mem>>) src(%arg7 : memref<80x64xf32, #tpu.memory_space<vmem>>) dst(%dma_wait3A_308 : memref<80x64xf32, #tpu.memory_space<vmem_shared>>)
        tpu.yield
      }) : () -> ()
      %mul3A_283 = arith.constant 1000 : i32
      %mul3A_284 = arith.muli %arg1, %mul3A_283 : i32
      %add3A_285 = arith.constant 720 : i32
      %add3A_286 = arith.addi %mul3A_284, %add3A_285 : i32
      "tpu.region"() ({
        %run_scoped3A_300 = tpu.sem_alloc : memref<!tpu.dma_semaphore, #tpu.memory_space<semaphore_mem>>
        %dma_start3A_301 = arith.constant 0 : i32
        %dma_start3A_302 = tpu.memref_slice %arg13[%add3A_286, %dma_start3A_301] : memref<10000x64xf32, #tpu.memory_space<vmem_shared>> -> memref<80x64xf32, #tpu.memory_space<vmem_shared>>
        %dma_start3A_303 = arith.constant 0 : i32
        %dma_start3A_304 = tpu.memref_slice %arg13[%add3A_286, %dma_start3A_303] : memref<10000x64xf32, #tpu.memory_space<vmem_shared>> -> memref<80x64xf32, #tpu.memory_space<vmem_shared>>
        tpu.enqueue_dma source(%arg7 : memref<80x64xf32, #tpu.memory_space<vmem>>) target(%dma_start3A_304 : memref<80x64xf32, #tpu.memory_space<vmem_shared>>) target_semaphore(%run_scoped3A_300 : memref<!tpu.dma_semaphore, #tpu.memory_space<semaphore_mem>>)
        %dma_wait3A_305 = arith.constant 0 : i32
        %dma_wait3A_306 = tpu.memref_slice %arg13[%add3A_286, %dma_wait3A_305] : memref<10000x64xf32, #tpu.memory_space<vmem_shared>> -> memref<80x64xf32, #tpu.memory_space<vmem_shared>>
        %dma_wait3A_307 = arith.constant 0 : i32
        %dma_wait3A_308 = tpu.memref_slice %arg13[%add3A_286, %dma_wait3A_307] : memref<10000x64xf32, #tpu.memory_space<vmem_shared>> -> memref<80x64xf32, #tpu.memory_space<vmem_shared>>
        tpu.wait_dma2 semaphore(%run_scoped3A_300 : memref<!tpu.dma_semaphore, #tpu.memory_space<semaphore_mem>>) src(%arg7 : memref<80x64xf32, #tpu.memory_space<vmem>>) dst(%dma_wait3A_308 : memref<80x64xf32, #tpu.memory_space<vmem_shared>>)
        tpu.yield
      }) : () -> ()
      %mul3A_287 = arith.constant 1000 : i32
      %mul3A_288 = arith.muli %arg1, %mul3A_287 : i32
      %add3A_289 = arith.constant 800 : i32
      %add3A_290 = arith.addi %mul3A_288, %add3A_289 : i32
      "tpu.region"() ({
        %run_scoped3A_300 = tpu.sem_alloc : memref<!tpu.dma_semaphore, #tpu.memory_space<semaphore_mem>>
        %dma_start3A_301 = arith.constant 0 : i32
        %dma_start3A_302 = tpu.memref_slice %arg13[%add3A_290, %dma_start3A_301] : memref<10000x64xf32, #tpu.memory_space<vmem_shared>> -> memref<80x64xf32, #tpu.memory_space<vmem_shared>>
        %dma_start3A_303 = arith.constant 0 : i32
        %dma_start3A_304 = tpu.memref_slice %arg13[%add3A_290, %dma_start3A_303] : memref<10000x64xf32, #tpu.memory_space<vmem_shared>> -> memref<80x64xf32, #tpu.memory_space<vmem_shared>>
        tpu.enqueue_dma source(%arg7 : memref<80x64xf32, #tpu.memory_space<vmem>>) target(%dma_start3A_304 : memref<80x64xf32, #tpu.memory_space<vmem_shared>>) target_semaphore(%run_scoped3A_300 : memref<!tpu.dma_semaphore, #tpu.memory_space<semaphore_mem>>)
        %dma_wait3A_305 = arith.constant 0 : i32
        %dma_wait3A_306 = tpu.memref_slice %arg13[%add3A_290, %dma_wait3A_305] : memref<10000x64xf32, #tpu.memory_space<vmem_shared>> -> memref<80x64xf32, #tpu.memory_space<vmem_shared>>
        %dma_wait3A_307 = arith.constant 0 : i32
        %dma_wait3A_308 = tpu.memref_slice %arg13[%add3A_290, %dma_wait3A_307] : memref<10000x64xf32, #tpu.memory_space<vmem_shared>> -> memref<80x64xf32, #tpu.memory_space<vmem_shared>>
        tpu.wait_dma2 semaphore(%run_scoped3A_300 : memref<!tpu.dma_semaphore, #tpu.memory_space<semaphore_mem>>) src(%arg7 : memref<80x64xf32, #tpu.memory_space<vmem>>) dst(%dma_wait3A_308 : memref<80x64xf32, #tpu.memory_space<vmem_shared>>)
        tpu.yield
      }) : () -> ()
      %mul3A_291 = arith.constant 1000 : i32
      %mul3A_292 = arith.muli %arg1, %mul3A_291 : i32
      %add3A_293 = arith.constant 880 : i32
      %add3A_294 = arith.addi %mul3A_292, %add3A_293 : i32
      "tpu.region"() ({
        %run_scoped3A_300 = tpu.sem_alloc : memref<!tpu.dma_semaphore, #tpu.memory_space<semaphore_mem>>
        %dma_start3A_301 = arith.constant 0 : i32
        %dma_start3A_302 = tpu.memref_slice %arg13[%add3A_294, %dma_start3A_301] : memref<10000x64xf32, #tpu.memory_space<vmem_shared>> -> memref<80x64xf32, #tpu.memory_space<vmem_shared>>
        %dma_start3A_303 = arith.constant 0 : i32
        %dma_start3A_304 = tpu.memref_slice %arg13[%add3A_294, %dma_start3A_303] : memref<10000x64xf32, #tpu.memory_space<vmem_shared>> -> memref<80x64xf32, #tpu.memory_space<vmem_shared>>
        tpu.enqueue_dma source(%arg7 : memref<80x64xf32, #tpu.memory_space<vmem>>) target(%dma_start3A_304 : memref<80x64xf32, #tpu.memory_space<vmem_shared>>) target_semaphore(%run_scoped3A_300 : memref<!tpu.dma_semaphore, #tpu.memory_space<semaphore_mem>>)
        %dma_wait3A_305 = arith.constant 0 : i32
        %dma_wait3A_306 = tpu.memref_slice %arg13[%add3A_294, %dma_wait3A_305] : memref<10000x64xf32, #tpu.memory_space<vmem_shared>> -> memref<80x64xf32, #tpu.memory_space<vmem_shared>>
        %dma_wait3A_307 = arith.constant 0 : i32
        %dma_wait3A_308 = tpu.memref_slice %arg13[%add3A_294, %dma_wait3A_307] : memref<10000x64xf32, #tpu.memory_space<vmem_shared>> -> memref<80x64xf32, #tpu.memory_space<vmem_shared>>
        tpu.wait_dma2 semaphore(%run_scoped3A_300 : memref<!tpu.dma_semaphore, #tpu.memory_space<semaphore_mem>>) src(%arg7 : memref<80x64xf32, #tpu.memory_space<vmem>>) dst(%dma_wait3A_308 : memref<80x64xf32, #tpu.memory_space<vmem_shared>>)
        tpu.yield
      }) : () -> ()
      %mul3A_295 = arith.constant 1000 : i32
      %mul3A_296 = arith.muli %arg1, %mul3A_295 : i32
      %add3A_297 = arith.constant 1000 : i32
      %add3A_298 = arith.addi %mul3A_296, %add3A_297 : i32
      %sub3A = arith.constant 40 : i32
      %sub3A_299 = arith.subi %add3A_298, %sub3A : i32
      "tpu.region"() ({
        %run_scoped3A_300 = tpu.sem_alloc : memref<!tpu.dma_semaphore, #tpu.memory_space<semaphore_mem>>
        %dma_start3A_301 = arith.constant 0 : i32
        %dma_start3A_302 = arith.constant 0 : i32
        %dma_start3A_303 = tpu.memref_slice %arg7[%dma_start3A_301, %dma_start3A_302] : memref<80x64xf32, #tpu.memory_space<vmem>> -> memref<40x64xf32, #tpu.memory_space<vmem>>
        %dma_start3A_304 = arith.constant 0 : i32
        %dma_start3A_305 = tpu.memref_slice %arg13[%sub3A_299, %dma_start3A_304] : memref<10000x64xf32, #tpu.memory_space<vmem_shared>> -> memref<40x64xf32, #tpu.memory_space<vmem_shared>>
        %dma_start3A_306 = arith.constant 0 : i32
        %dma_start3A_307 = tpu.memref_slice %arg13[%sub3A_299, %dma_start3A_306] : memref<10000x64xf32, #tpu.memory_space<vmem_shared>> -> memref<40x64xf32, #tpu.memory_space<vmem_shared>>
        %dma_start3A_308 = arith.constant 0 : i32
        %dma_start3A_309 = arith.constant 0 : i32
        %dma_start3A_310 = tpu.memref_slice %arg7[%dma_start3A_308, %dma_start3A_309] : memref<80x64xf32, #tpu.memory_space<vmem>> -> memref<40x64xf32, #tpu.memory_space<vmem>>
        tpu.enqueue_dma source(%dma_start3A_310 : memref<40x64xf32, #tpu.memory_space<vmem>>) target(%dma_start3A_307 : memref<40x64xf32, #tpu.memory_space<vmem_shared>>) target_semaphore(%run_scoped3A_300 : memref<!tpu.dma_semaphore, #tpu.memory_space<semaphore_mem>>)
        %dma_wait3A_311 = arith.constant 0 : i32
        %dma_wait3A_312 = arith.constant 0 : i32
        %dma_wait3A_313 = tpu.memref_slice %arg7[%dma_wait3A_311, %dma_wait3A_312] : memref<80x64xf32, #tpu.memory_space<vmem>> -> memref<40x64xf32, #tpu.memory_space<vmem>>
        %dma_wait3A_314 = arith.constant 0 : i32
        %dma_wait3A_315 = tpu.memref_slice %arg13[%sub3A_299, %dma_wait3A_314] : memref<10000x64xf32, #tpu.memory_space<vmem_shared>> -> memref<40x64xf32, #tpu.memory_space<vmem_shared>>
        %dma_wait3A_316 = arith.constant 0 : i32
        %dma_wait3A_317 = tpu.memref_slice %arg13[%sub3A_299, %dma_wait3A_316] : memref<10000x64xf32, #tpu.memory_space<vmem_shared>> -> memref<40x64xf32, #tpu.memory_space<vmem_shared>>
        %dma_wait3A_318 = arith.constant 0 : i32
        %dma_wait3A_319 = arith.constant 0 : i32
        %dma_wait3A_320 = tpu.memref_slice %arg7[%dma_wait3A_318, %dma_wait3A_319] : memref<80x64xf32, #tpu.memory_space<vmem>> -> memref<40x64xf32, #tpu.memory_space<vmem>>
        tpu.wait_dma2 semaphore(%run_scoped3A_300 : memref<!tpu.dma_semaphore, #tpu.memory_space<semaphore_mem>>) src(%dma_wait3A_320 : memref<40x64xf32, #tpu.memory_space<vmem>>) dst(%dma_wait3A_317 : memref<40x64xf32, #tpu.memory_space<vmem_shared>>)
        tpu.yield
      }) : () -> ()
    } else {
    }
    %barrier3A = arith.constant 0 : index
    tpu.barrier barrier_id(%barrier3A)
    %run_scoped3A = arith.constant 0 : i32
    "tpu.region"() ({
      %run_scoped3A_249 = tpu.sem_alloc : memref<!tpu.dma_semaphore, #tpu.memory_space<semaphore_mem>>
      %dma_start3A_250 = arith.constant 0 : i32
      %dma_start3A_251 = arith.constant 0 : i32
      %dma_start3A_252 = tpu.memref_slice %arg3[%run_scoped3A, %arg1, %dma_start3A_250, %dma_start3A_251] : memref<2x16x250x80xi32, #tpu.memory_space<hbm>> -> memref<1x1x250x80xi32, #tpu.memory_space<hbm>>
      %dma_start3A_253 = tpu.memref_squeeze %dma_start3A_252 : memref<1x1x250x80xi32, #tpu.memory_space<hbm>> -> memref<250x80xi32, #tpu.memory_space<hbm>>
      %dma_start3A_254 = arith.constant 0 : i32
      %dma_start3A_255 = arith.constant 0 : i32
      %dma_start3A_256 = tpu.memref_slice %arg3[%run_scoped3A, %arg1, %dma_start3A_254, %dma_start3A_255] : memref<2x16x250x80xi32, #tpu.memory_space<hbm>> -> memref<1x1x250x80xi32, #tpu.memory_space<hbm>>
      %dma_start3A_257 = tpu.memref_squeeze %dma_start3A_256 : memref<1x1x250x80xi32, #tpu.memory_space<hbm>> -> memref<250x80xi32, #tpu.memory_space<hbm>>
      tpu.enqueue_dma source(%dma_start3A_257 : memref<250x80xi32, #tpu.memory_space<hbm>>) target(%arg5 : memref<250x80xi32, #tpu.memory_space<vmem>>) target_semaphore(%run_scoped3A_249 : memref<!tpu.dma_semaphore, #tpu.memory_space<semaphore_mem>>)
      %dma_wait3A_258 = arith.constant 0 : i32
      %dma_wait3A_259 = arith.constant 0 : i32
      %dma_wait3A_260 = tpu.memref_slice %arg3[%run_scoped3A, %arg1, %dma_wait3A_258, %dma_wait3A_259] : memref<2x16x250x80xi32, #tpu.memory_space<hbm>> -> memref<1x1x250x80xi32, #tpu.memory_space<hbm>>
      %dma_wait3A_261 = tpu.memref_squeeze %dma_wait3A_260 : memref<1x1x250x80xi32, #tpu.memory_space<hbm>> -> memref<250x80xi32, #tpu.memory_space<hbm>>
      %dma_wait3A_262 = arith.constant 0 : i32
      %dma_wait3A_263 = arith.constant 0 : i32
      %dma_wait3A_264 = tpu.memref_slice %arg3[%run_scoped3A, %arg1, %dma_wait3A_262, %dma_wait3A_263] : memref<2x16x250x80xi32, #tpu.memory_space<hbm>> -> memref<1x1x250x80xi32, #tpu.memory_space<hbm>>
      %dma_wait3A_265 = tpu.memref_squeeze %dma_wait3A_264 : memref<1x1x250x80xi32, #tpu.memory_space<hbm>> -> memref<250x80xi32, #tpu.memory_space<hbm>>
      tpu.wait_dma2 semaphore(%run_scoped3A_249 : memref<!tpu.dma_semaphore, #tpu.memory_space<semaphore_mem>>) src(%dma_wait3A_265 : memref<250x80xi32, #tpu.memory_space<hbm>>) dst(%arg5 : memref<250x80xi32, #tpu.memory_space<vmem>>)
      tpu.yield
    }) : () -> ()
    %run_scoped3A_8 = arith.constant 1 : i32
    "tpu.region"() ({
      %run_scoped3A_249 = tpu.sem_alloc : memref<!tpu.dma_semaphore, #tpu.memory_space<semaphore_mem>>
      %dma_start3A_250 = arith.constant 0 : i32
      %dma_start3A_251 = arith.constant 0 : i32
      %dma_start3A_252 = tpu.memref_slice %arg3[%run_scoped3A_8, %arg1, %dma_start3A_250, %dma_start3A_251] : memref<2x16x250x80xi32, #tpu.memory_space<hbm>> -> memref<1x1x250x80xi32, #tpu.memory_space<hbm>>
      %dma_start3A_253 = tpu.memref_squeeze %dma_start3A_252 : memref<1x1x250x80xi32, #tpu.memory_space<hbm>> -> memref<250x80xi32, #tpu.memory_space<hbm>>
      %dma_start3A_254 = arith.constant 0 : i32
      %dma_start3A_255 = arith.constant 0 : i32
      %dma_start3A_256 = tpu.memref_slice %arg3[%run_scoped3A_8, %arg1, %dma_start3A_254, %dma_start3A_255] : memref<2x16x250x80xi32, #tpu.memory_space<hbm>> -> memref<1x1x250x80xi32, #tpu.memory_space<hbm>>
      %dma_start3A_257 = tpu.memref_squeeze %dma_start3A_256 : memref<1x1x250x80xi32, #tpu.memory_space<hbm>> -> memref<250x80xi32, #tpu.memory_space<hbm>>
      tpu.enqueue_dma source(%dma_start3A_257 : memref<250x80xi32, #tpu.memory_space<hbm>>) target(%arg6 : memref<250x80xi32, #tpu.memory_space<vmem>>) target_semaphore(%run_scoped3A_249 : memref<!tpu.dma_semaphore, #tpu.memory_space<semaphore_mem>>)
      %dma_wait3A_258 = arith.constant 0 : i32
      %dma_wait3A_259 = arith.constant 0 : i32
      %dma_wait3A_260 = tpu.memref_slice %arg3[%run_scoped3A_8, %arg1, %dma_wait3A_258, %dma_wait3A_259] : memref<2x16x250x80xi32, #tpu.memory_space<hbm>> -> memref<1x1x250x80xi32, #tpu.memory_space<hbm>>
      %dma_wait3A_261 = tpu.memref_squeeze %dma_wait3A_260 : memref<1x1x250x80xi32, #tpu.memory_space<hbm>> -> memref<250x80xi32, #tpu.memory_space<hbm>>
      %dma_wait3A_262 = arith.constant 0 : i32
      %dma_wait3A_263 = arith.constant 0 : i32
      %dma_wait3A_264 = tpu.memref_slice %arg3[%run_scoped3A_8, %arg1, %dma_wait3A_262, %dma_wait3A_263] : memref<2x16x250x80xi32, #tpu.memory_space<hbm>> -> memref<1x1x250x80xi32, #tpu.memory_space<hbm>>
      %dma_wait3A_265 = tpu.memref_squeeze %dma_wait3A_264 : memref<1x1x250x80xi32, #tpu.memory_space<hbm>> -> memref<250x80xi32, #tpu.memory_space<hbm>>
      tpu.wait_dma2 semaphore(%run_scoped3A_249 : memref<!tpu.dma_semaphore, #tpu.memory_space<semaphore_mem>>) src(%dma_wait3A_265 : memref<250x80xi32, #tpu.memory_space<hbm>>) dst(%arg6 : memref<250x80xi32, #tpu.memory_space<vmem>>)
      tpu.yield
    }) : () -> ()
    %dma_start3A = arith.constant 0 : i32
    %dma_start3A_9 = arith.constant 0 : i32
    %dma_start3A_10 = tpu.memref_slice %arg5[%dma_start3A, %dma_start3A_9] : memref<250x80xi32, #tpu.memory_space<vmem>> -> memref<1x80xi32, #tpu.memory_space<vmem>>
    %dma_start3A_11 = tpu.memref_squeeze %dma_start3A_10 : memref<1x80xi32, #tpu.memory_space<vmem>> -> memref<80xi32, #tpu.memory_space<vmem>>
    %dma_start3A_12 = arith.constant 0 : i32
    %dma_start3A_13 = arith.constant 0 : i32
    %dma_start3A_14 = tpu.memref_slice %arg2[%arg0, %dma_start3A_12, %dma_start3A_13] : memref<2x10000x64xf32, #tpu.memory_space<hbm>> -> memref<1x10000x64xf32, #tpu.memory_space<hbm>>
    %dma_start3A_15 = tpu.memref_squeeze %dma_start3A_14 : memref<1x10000x64xf32, #tpu.memory_space<hbm>> -> memref<10000x64xf32, #tpu.memory_space<hbm>>
    %dma_start3A_16 = arith.constant 0 : i32
    %dma_start3A_17 = arith.constant 0 : i32
    %dma_start3A_18 = tpu.memref_slice %dma_start3A_15[%dma_start3A_16, %dma_start3A_17] : memref<10000x64xf32, #tpu.memory_space<hbm>> -> memref<10000x64xf32, #tpu.memory_space<hbm>>
    tpu.enqueue_indirect_dma source(%dma_start3A_18 : memref<10000x64xf32, #tpu.memory_space<hbm>>) target(%arg7 : memref<80x64xf32, #tpu.memory_space<vmem>>) offsets(%dma_start3A_11 : memref<80xi32, #tpu.memory_space<vmem>>) semaphore(%arg14 : memref<!tpu.dma_semaphore, #tpu.memory_space<semaphore_mem>>)
    %dma_start3A_19 = arith.constant 1 : i32
    %dma_start3A_20 = arith.constant 0 : i32
    %dma_start3A_21 = tpu.memref_slice %arg5[%dma_start3A_19, %dma_start3A_20] : memref<250x80xi32, #tpu.memory_space<vmem>> -> memref<1x80xi32, #tpu.memory_space<vmem>>
    %dma_start3A_22 = tpu.memref_squeeze %dma_start3A_21 : memref<1x80xi32, #tpu.memory_space<vmem>> -> memref<80xi32, #tpu.memory_space<vmem>>
    %dma_start3A_23 = arith.constant 0 : i32
    %dma_start3A_24 = arith.constant 0 : i32
    %dma_start3A_25 = tpu.memref_slice %arg2[%arg0, %dma_start3A_23, %dma_start3A_24] : memref<2x10000x64xf32, #tpu.memory_space<hbm>> -> memref<1x10000x64xf32, #tpu.memory_space<hbm>>
    %dma_start3A_26 = tpu.memref_squeeze %dma_start3A_25 : memref<1x10000x64xf32, #tpu.memory_space<hbm>> -> memref<10000x64xf32, #tpu.memory_space<hbm>>
    %dma_start3A_27 = arith.constant 0 : i32
    %dma_start3A_28 = arith.constant 0 : i32
    %dma_start3A_29 = tpu.memref_slice %dma_start3A_26[%dma_start3A_27, %dma_start3A_28] : memref<10000x64xf32, #tpu.memory_space<hbm>> -> memref<10000x64xf32, #tpu.memory_space<hbm>>
    tpu.enqueue_indirect_dma source(%dma_start3A_29 : memref<10000x64xf32, #tpu.memory_space<hbm>>) target(%arg8 : memref<80x64xf32, #tpu.memory_space<vmem>>) offsets(%dma_start3A_22 : memref<80xi32, #tpu.memory_space<vmem>>) semaphore(%arg15 : memref<!tpu.dma_semaphore, #tpu.memory_space<semaphore_mem>>)
    %dma_start3A_30 = arith.constant 2 : i32
    %dma_start3A_31 = arith.constant 0 : i32
    %dma_start3A_32 = tpu.memref_slice %arg5[%dma_start3A_30, %dma_start3A_31] : memref<250x80xi32, #tpu.memory_space<vmem>> -> memref<1x80xi32, #tpu.memory_space<vmem>>
    %dma_start3A_33 = tpu.memref_squeeze %dma_start3A_32 : memref<1x80xi32, #tpu.memory_space<vmem>> -> memref<80xi32, #tpu.memory_space<vmem>>
    %dma_start3A_34 = arith.constant 0 : i32
    %dma_start3A_35 = arith.constant 0 : i32
    %dma_start3A_36 = tpu.memref_slice %arg2[%arg0, %dma_start3A_34, %dma_start3A_35] : memref<2x10000x64xf32, #tpu.memory_space<hbm>> -> memref<1x10000x64xf32, #tpu.memory_space<hbm>>
    %dma_start3A_37 = tpu.memref_squeeze %dma_start3A_36 : memref<1x10000x64xf32, #tpu.memory_space<hbm>> -> memref<10000x64xf32, #tpu.memory_space<hbm>>
    %dma_start3A_38 = arith.constant 0 : i32
    %dma_start3A_39 = arith.constant 0 : i32
    %dma_start3A_40 = tpu.memref_slice %dma_start3A_37[%dma_start3A_38, %dma_start3A_39] : memref<10000x64xf32, #tpu.memory_space<hbm>> -> memref<10000x64xf32, #tpu.memory_space<hbm>>
    tpu.enqueue_indirect_dma source(%dma_start3A_40 : memref<10000x64xf32, #tpu.memory_space<hbm>>) target(%arg9 : memref<80x64xf32, #tpu.memory_space<vmem>>) offsets(%dma_start3A_33 : memref<80xi32, #tpu.memory_space<vmem>>) semaphore(%arg16 : memref<!tpu.dma_semaphore, #tpu.memory_space<semaphore_mem>>)
    %dma_start3A_41 = arith.constant 3 : i32
    %dma_start3A_42 = arith.constant 0 : i32
    %dma_start3A_43 = tpu.memref_slice %arg5[%dma_start3A_41, %dma_start3A_42] : memref<250x80xi32, #tpu.memory_space<vmem>> -> memref<1x80xi32, #tpu.memory_space<vmem>>
    %dma_start3A_44 = tpu.memref_squeeze %dma_start3A_43 : memref<1x80xi32, #tpu.memory_space<vmem>> -> memref<80xi32, #tpu.memory_space<vmem>>
    %dma_start3A_45 = arith.constant 0 : i32
    %dma_start3A_46 = arith.constant 0 : i32
    %dma_start3A_47 = tpu.memref_slice %arg2[%arg0, %dma_start3A_45, %dma_start3A_46] : memref<2x10000x64xf32, #tpu.memory_space<hbm>> -> memref<1x10000x64xf32, #tpu.memory_space<hbm>>
    %dma_start3A_48 = tpu.memref_squeeze %dma_start3A_47 : memref<1x10000x64xf32, #tpu.memory_space<hbm>> -> memref<10000x64xf32, #tpu.memory_space<hbm>>
    %dma_start3A_49 = arith.constant 0 : i32
    %dma_start3A_50 = arith.constant 0 : i32
    %dma_start3A_51 = tpu.memref_slice %dma_start3A_48[%dma_start3A_49, %dma_start3A_50] : memref<10000x64xf32, #tpu.memory_space<hbm>> -> memref<10000x64xf32, #tpu.memory_space<hbm>>
    tpu.enqueue_indirect_dma source(%dma_start3A_51 : memref<10000x64xf32, #tpu.memory_space<hbm>>) target(%arg10 : memref<80x64xf32, #tpu.memory_space<vmem>>) offsets(%dma_start3A_44 : memref<80xi32, #tpu.memory_space<vmem>>) semaphore(%arg17 : memref<!tpu.dma_semaphore, #tpu.memory_space<semaphore_mem>>)
    %dma_start3A_52 = arith.constant 4 : i32
    %dma_start3A_53 = arith.constant 0 : i32
    %dma_start3A_54 = tpu.memref_slice %arg5[%dma_start3A_52, %dma_start3A_53] : memref<250x80xi32, #tpu.memory_space<vmem>> -> memref<1x80xi32, #tpu.memory_space<vmem>>
    %dma_start3A_55 = tpu.memref_squeeze %dma_start3A_54 : memref<1x80xi32, #tpu.memory_space<vmem>> -> memref<80xi32, #tpu.memory_space<vmem>>
    %dma_start3A_56 = arith.constant 0 : i32
    %dma_start3A_57 = arith.constant 0 : i32
    %dma_start3A_58 = tpu.memref_slice %arg2[%arg0, %dma_start3A_56, %dma_start3A_57] : memref<2x10000x64xf32, #tpu.memory_space<hbm>> -> memref<1x10000x64xf32, #tpu.memory_space<hbm>>
    %dma_start3A_59 = tpu.memref_squeeze %dma_start3A_58 : memref<1x10000x64xf32, #tpu.memory_space<hbm>> -> memref<10000x64xf32, #tpu.memory_space<hbm>>
    %dma_start3A_60 = arith.constant 0 : i32
    %dma_start3A_61 = arith.constant 0 : i32
    %dma_start3A_62 = tpu.memref_slice %dma_start3A_59[%dma_start3A_60, %dma_start3A_61] : memref<10000x64xf32, #tpu.memory_space<hbm>> -> memref<10000x64xf32, #tpu.memory_space<hbm>>
    tpu.enqueue_indirect_dma source(%dma_start3A_62 : memref<10000x64xf32, #tpu.memory_space<hbm>>) target(%arg11 : memref<80x64xf32, #tpu.memory_space<vmem>>) offsets(%dma_start3A_55 : memref<80xi32, #tpu.memory_space<vmem>>) semaphore(%arg18 : memref<!tpu.dma_semaphore, #tpu.memory_space<semaphore_mem>>)
    %scan3A_63 = arith.constant 0 : i32
    %scan3A_64 = arith.constant 0 : i32
    %scan3A_65 = arith.constant 40 : i32
    %scan3A_66 = arith.addi %scan3A_64, %scan3A_65 : i32
    %scan3A_67 = arith.constant 1 : i32
    scf.for %scan3A_249 = %scan3A_64 to %scan3A_66 step %scan3A_67  : i32 {
      %mul3A = arith.constant 6 : i32
      %mul3A_250 = arith.muli %scan3A_249, %mul3A : i32
      %add3A = arith.constant 0 : i32
      %add3A_251 = arith.addi %mul3A_250, %add3A : i32
      %dma_wait3A_252 = arith.constant 0 : i32
      %dma_wait3A_253 = tpu.memref_slice %arg5[%add3A_251, %dma_wait3A_252] : memref<250x80xi32, #tpu.memory_space<vmem>> -> memref<1x80xi32, #tpu.memory_space<vmem>>
      %dma_wait3A_254 = tpu.memref_squeeze %dma_wait3A_253 : memref<1x80xi32, #tpu.memory_space<vmem>> -> memref<80xi32, #tpu.memory_space<vmem>>
      %dma_wait3A_255 = arith.constant 0 : i32
      %dma_wait3A_256 = arith.constant 0 : i32
      %dma_wait3A_257 = tpu.memref_slice %arg2[%arg0, %dma_wait3A_255, %dma_wait3A_256] : memref<2x10000x64xf32, #tpu.memory_space<hbm>> -> memref<1x10000x64xf32, #tpu.memory_space<hbm>>
      %dma_wait3A_258 = tpu.memref_squeeze %dma_wait3A_257 : memref<1x10000x64xf32, #tpu.memory_space<hbm>> -> memref<10000x64xf32, #tpu.memory_space<hbm>>
      %dma_wait3A_259 = arith.constant 0 : i32
      %dma_wait3A_260 = arith.constant 0 : i32
      %dma_wait3A_261 = tpu.memref_slice %dma_wait3A_258[%dma_wait3A_259, %dma_wait3A_260] : memref<10000x64xf32, #tpu.memory_space<hbm>> -> memref<10000x64xf32, #tpu.memory_space<hbm>>
      tpu.wait_indirect_dma semaphore(%arg14 : memref<!tpu.dma_semaphore, #tpu.memory_space<semaphore_mem>>) src(%dma_wait3A_261 : memref<10000x64xf32, #tpu.memory_space<hbm>>) dst(%arg7 : memref<80x64xf32, #tpu.memory_space<vmem>>)
      %add3A_262 = arith.constant 5 : i32
      %add3A_263 = arith.addi %add3A_251, %add3A_262 : i32
      %dma_start3A_264 = arith.constant 0 : i32
      %dma_start3A_265 = tpu.memref_slice %arg5[%add3A_263, %dma_start3A_264] : memref<250x80xi32, #tpu.memory_space<vmem>> -> memref<1x80xi32, #tpu.memory_space<vmem>>
      %dma_start3A_266 = tpu.memref_squeeze %dma_start3A_265 : memref<1x80xi32, #tpu.memory_space<vmem>> -> memref<80xi32, #tpu.memory_space<vmem>>
      %dma_start3A_267 = arith.constant 0 : i32
      %dma_start3A_268 = arith.constant 0 : i32
      %dma_start3A_269 = tpu.memref_slice %arg2[%arg0, %dma_start3A_267, %dma_start3A_268] : memref<2x10000x64xf32, #tpu.memory_space<hbm>> -> memref<1x10000x64xf32, #tpu.memory_space<hbm>>
      %dma_start3A_270 = tpu.memref_squeeze %dma_start3A_269 : memref<1x10000x64xf32, #tpu.memory_space<hbm>> -> memref<10000x64xf32, #tpu.memory_space<hbm>>
      %dma_start3A_271 = arith.constant 0 : i32
      %dma_start3A_272 = arith.constant 0 : i32
      %dma_start3A_273 = tpu.memref_slice %dma_start3A_270[%dma_start3A_271, %dma_start3A_272] : memref<10000x64xf32, #tpu.memory_space<hbm>> -> memref<10000x64xf32, #tpu.memory_space<hbm>>
      tpu.enqueue_indirect_dma source(%dma_start3A_273 : memref<10000x64xf32, #tpu.memory_space<hbm>>) target(%arg12 : memref<80x64xf32, #tpu.memory_space<vmem>>) offsets(%dma_start3A_266 : memref<80xi32, #tpu.memory_space<vmem>>) semaphore(%arg19 : memref<!tpu.dma_semaphore, #tpu.memory_space<semaphore_mem>>)
      "tpu.region"() ({
        %run_scoped3A_394 = tpu.sem_alloc : memref<!tpu.dma_semaphore, #tpu.memory_space<semaphore_mem>>
        %dma_start3A_395 = arith.constant 0 : i32
        %dma_start3A_396 = tpu.memref_slice %arg6[%add3A_251, %dma_start3A_395] : memref<250x80xi32, #tpu.memory_space<vmem>> -> memref<1x80xi32, #tpu.memory_space<vmem>>
        %dma_start3A_397 = tpu.memref_squeeze %dma_start3A_396 : memref<1x80xi32, #tpu.memory_space<vmem>> -> memref<80xi32, #tpu.memory_space<vmem>>
        %dma_start3A_398 = arith.constant 0 : i32
        %dma_start3A_399 = arith.constant 0 : i32
        %dma_start3A_400 = tpu.memref_slice %arg13[%dma_start3A_398, %dma_start3A_399] : memref<10000x64xf32, #tpu.memory_space<vmem_shared>> -> memref<10000x64xf32, #tpu.memory_space<vmem_shared>>
        tpu.enqueue_indirect_dma source(%arg7 : memref<80x64xf32, #tpu.memory_space<vmem>>) target(%dma_start3A_400 : memref<10000x64xf32, #tpu.memory_space<vmem_shared>>) offsets(%dma_start3A_397 : memref<80xi32, #tpu.memory_space<vmem>>) semaphore(%run_scoped3A_394 : memref<!tpu.dma_semaphore, #tpu.memory_space<semaphore_mem>>) {add = true}
        %dma_wait3A_401 = arith.constant 0 : i32
        %dma_wait3A_402 = tpu.memref_slice %arg6[%add3A_251, %dma_wait3A_401] : memref<250x80xi32, #tpu.memory_space<vmem>> -> memref<1x80xi32, #tpu.memory_space<vmem>>
        %dma_wait3A_403 = tpu.memref_squeeze %dma_wait3A_402 : memref<1x80xi32, #tpu.memory_space<vmem>> -> memref<80xi32, #tpu.memory_space<vmem>>
        %dma_wait3A_404 = arith.constant 0 : i32
        %dma_wait3A_405 = arith.constant 0 : i32
        %dma_wait3A_406 = tpu.memref_slice %arg13[%dma_wait3A_404, %dma_wait3A_405] : memref<10000x64xf32, #tpu.memory_space<vmem_shared>> -> memref<10000x64xf32, #tpu.memory_space<vmem_shared>>
        tpu.wait_indirect_dma semaphore(%run_scoped3A_394 : memref<!tpu.dma_semaphore, #tpu.memory_space<semaphore_mem>>) src(%arg7 : memref<80x64xf32, #tpu.memory_space<vmem>>) dst(%dma_wait3A_406 : memref<10000x64xf32, #tpu.memory_space<vmem_shared>>)
        tpu.yield
      }) : () -> ()
      %add3A_274 = arith.constant 1 : i32
      %add3A_275 = arith.addi %mul3A_250, %add3A_274 : i32
      %dma_wait3A_276 = arith.constant 0 : i32
      %dma_wait3A_277 = tpu.memref_slice %arg5[%add3A_275, %dma_wait3A_276] : memref<250x80xi32, #tpu.memory_space<vmem>> -> memref<1x80xi32, #tpu.memory_space<vmem>>
      %dma_wait3A_278 = tpu.memref_squeeze %dma_wait3A_277 : memref<1x80xi32, #tpu.memory_space<vmem>> -> memref<80xi32, #tpu.memory_space<vmem>>
      %dma_wait3A_279 = arith.constant 0 : i32
      %dma_wait3A_280 = arith.constant 0 : i32
      %dma_wait3A_281 = tpu.memref_slice %arg2[%arg0, %dma_wait3A_279, %dma_wait3A_280] : memref<2x10000x64xf32, #tpu.memory_space<hbm>> -> memref<1x10000x64xf32, #tpu.memory_space<hbm>>
      %dma_wait3A_282 = tpu.memref_squeeze %dma_wait3A_281 : memref<1x10000x64xf32, #tpu.memory_space<hbm>> -> memref<10000x64xf32, #tpu.memory_space<hbm>>
      %dma_wait3A_283 = arith.constant 0 : i32
      %dma_wait3A_284 = arith.constant 0 : i32
      %dma_wait3A_285 = tpu.memref_slice %dma_wait3A_282[%dma_wait3A_283, %dma_wait3A_284] : memref<10000x64xf32, #tpu.memory_space<hbm>> -> memref<10000x64xf32, #tpu.memory_space<hbm>>
      tpu.wait_indirect_dma semaphore(%arg15 : memref<!tpu.dma_semaphore, #tpu.memory_space<semaphore_mem>>) src(%dma_wait3A_285 : memref<10000x64xf32, #tpu.memory_space<hbm>>) dst(%arg8 : memref<80x64xf32, #tpu.memory_space<vmem>>)
      %add3A_286 = arith.constant 5 : i32
      %add3A_287 = arith.addi %add3A_275, %add3A_286 : i32
      %dma_start3A_288 = arith.constant 0 : i32
      %dma_start3A_289 = tpu.memref_slice %arg5[%add3A_287, %dma_start3A_288] : memref<250x80xi32, #tpu.memory_space<vmem>> -> memref<1x80xi32, #tpu.memory_space<vmem>>
      %dma_start3A_290 = tpu.memref_squeeze %dma_start3A_289 : memref<1x80xi32, #tpu.memory_space<vmem>> -> memref<80xi32, #tpu.memory_space<vmem>>
      %dma_start3A_291 = arith.constant 0 : i32
      %dma_start3A_292 = arith.constant 0 : i32
      %dma_start3A_293 = tpu.memref_slice %arg2[%arg0, %dma_start3A_291, %dma_start3A_292] : memref<2x10000x64xf32, #tpu.memory_space<hbm>> -> memref<1x10000x64xf32, #tpu.memory_space<hbm>>
      %dma_start3A_294 = tpu.memref_squeeze %dma_start3A_293 : memref<1x10000x64xf32, #tpu.memory_space<hbm>> -> memref<10000x64xf32, #tpu.memory_space<hbm>>
      %dma_start3A_295 = arith.constant 0 : i32
      %dma_start3A_296 = arith.constant 0 : i32
      %dma_start3A_297 = tpu.memref_slice %dma_start3A_294[%dma_start3A_295, %dma_start3A_296] : memref<10000x64xf32, #tpu.memory_space<hbm>> -> memref<10000x64xf32, #tpu.memory_space<hbm>>
      tpu.enqueue_indirect_dma source(%dma_start3A_297 : memref<10000x64xf32, #tpu.memory_space<hbm>>) target(%arg7 : memref<80x64xf32, #tpu.memory_space<vmem>>) offsets(%dma_start3A_290 : memref<80xi32, #tpu.memory_space<vmem>>) semaphore(%arg14 : memref<!tpu.dma_semaphore, #tpu.memory_space<semaphore_mem>>)
      "tpu.region"() ({
        %run_scoped3A_394 = tpu.sem_alloc : memref<!tpu.dma_semaphore, #tpu.memory_space<semaphore_mem>>
        %dma_start3A_395 = arith.constant 0 : i32
        %dma_start3A_396 = tpu.memref_slice %arg6[%add3A_275, %dma_start3A_395] : memref<250x80xi32, #tpu.memory_space<vmem>> -> memref<1x80xi32, #tpu.memory_space<vmem>>
        %dma_start3A_397 = tpu.memref_squeeze %dma_start3A_396 : memref<1x80xi32, #tpu.memory_space<vmem>> -> memref<80xi32, #tpu.memory_space<vmem>>
        %dma_start3A_398 = arith.constant 0 : i32
        %dma_start3A_399 = arith.constant 0 : i32
        %dma_start3A_400 = tpu.memref_slice %arg13[%dma_start3A_398, %dma_start3A_399] : memref<10000x64xf32, #tpu.memory_space<vmem_shared>> -> memref<10000x64xf32, #tpu.memory_space<vmem_shared>>
        tpu.enqueue_indirect_dma source(%arg8 : memref<80x64xf32, #tpu.memory_space<vmem>>) target(%dma_start3A_400 : memref<10000x64xf32, #tpu.memory_space<vmem_shared>>) offsets(%dma_start3A_397 : memref<80xi32, #tpu.memory_space<vmem>>) semaphore(%run_scoped3A_394 : memref<!tpu.dma_semaphore, #tpu.memory_space<semaphore_mem>>) {add = true}
        %dma_wait3A_401 = arith.constant 0 : i32
        %dma_wait3A_402 = tpu.memref_slice %arg6[%add3A_275, %dma_wait3A_401] : memref<250x80xi32, #tpu.memory_space<vmem>> -> memref<1x80xi32, #tpu.memory_space<vmem>>
        %dma_wait3A_403 = tpu.memref_squeeze %dma_wait3A_402 : memref<1x80xi32, #tpu.memory_space<vmem>> -> memref<80xi32, #tpu.memory_space<vmem>>
        %dma_wait3A_404 = arith.constant 0 : i32
        %dma_wait3A_405 = arith.constant 0 : i32
        %dma_wait3A_406 = tpu.memref_slice %arg13[%dma_wait3A_404, %dma_wait3A_405] : memref<10000x64xf32, #tpu.memory_space<vmem_shared>> -> memref<10000x64xf32, #tpu.memory_space<vmem_shared>>
        tpu.wait_indirect_dma semaphore(%run_scoped3A_394 : memref<!tpu.dma_semaphore, #tpu.memory_space<semaphore_mem>>) src(%arg8 : memref<80x64xf32, #tpu.memory_space<vmem>>) dst(%dma_wait3A_406 : memref<10000x64xf32, #tpu.memory_space<vmem_shared>>)
        tpu.yield
      }) : () -> ()
      %add3A_298 = arith.constant 2 : i32
      %add3A_299 = arith.addi %mul3A_250, %add3A_298 : i32
      %dma_wait3A_300 = arith.constant 0 : i32
      %dma_wait3A_301 = tpu.memref_slice %arg5[%add3A_299, %dma_wait3A_300] : memref<250x80xi32, #tpu.memory_space<vmem>> -> memref<1x80xi32, #tpu.memory_space<vmem>>
      %dma_wait3A_302 = tpu.memref_squeeze %dma_wait3A_301 : memref<1x80xi32, #tpu.memory_space<vmem>> -> memref<80xi32, #tpu.memory_space<vmem>>
      %dma_wait3A_303 = arith.constant 0 : i32
      %dma_wait3A_304 = arith.constant 0 : i32
      %dma_wait3A_305 = tpu.memref_slice %arg2[%arg0, %dma_wait3A_303, %dma_wait3A_304] : memref<2x10000x64xf32, #tpu.memory_space<hbm>> -> memref<1x10000x64xf32, #tpu.memory_space<hbm>>
      %dma_wait3A_306 = tpu.memref_squeeze %dma_wait3A_305 : memref<1x10000x64xf32, #tpu.memory_space<hbm>> -> memref<10000x64xf32, #tpu.memory_space<hbm>>
      %dma_wait3A_307 = arith.constant 0 : i32
      %dma_wait3A_308 = arith.constant 0 : i32
      %dma_wait3A_309 = tpu.memref_slice %dma_wait3A_306[%dma_wait3A_307, %dma_wait3A_308] : memref<10000x64xf32, #tpu.memory_space<hbm>> -> memref<10000x64xf32, #tpu.memory_space<hbm>>
      tpu.wait_indirect_dma semaphore(%arg16 : memref<!tpu.dma_semaphore, #tpu.memory_space<semaphore_mem>>) src(%dma_wait3A_309 : memref<10000x64xf32, #tpu.memory_space<hbm>>) dst(%arg9 : memref<80x64xf32, #tpu.memory_space<vmem>>)
      %add3A_310 = arith.constant 5 : i32
      %add3A_311 = arith.addi %add3A_299, %add3A_310 : i32
      %dma_start3A_312 = arith.constant 0 : i32
      %dma_start3A_313 = tpu.memref_slice %arg5[%add3A_311, %dma_start3A_312] : memref<250x80xi32, #tpu.memory_space<vmem>> -> memref<1x80xi32, #tpu.memory_space<vmem>>
      %dma_start3A_314 = tpu.memref_squeeze %dma_start3A_313 : memref<1x80xi32, #tpu.memory_space<vmem>> -> memref<80xi32, #tpu.memory_space<vmem>>
      %dma_start3A_315 = arith.constant 0 : i32
      %dma_start3A_316 = arith.constant 0 : i32
      %dma_start3A_317 = tpu.memref_slice %arg2[%arg0, %dma_start3A_315, %dma_start3A_316] : memref<2x10000x64xf32, #tpu.memory_space<hbm>> -> memref<1x10000x64xf32, #tpu.memory_space<hbm>>
      %dma_start3A_318 = tpu.memref_squeeze %dma_start3A_317 : memref<1x10000x64xf32, #tpu.memory_space<hbm>> -> memref<10000x64xf32, #tpu.memory_space<hbm>>
      %dma_start3A_319 = arith.constant 0 : i32
      %dma_start3A_320 = arith.constant 0 : i32
      %dma_start3A_321 = tpu.memref_slice %dma_start3A_318[%dma_start3A_319, %dma_start3A_320] : memref<10000x64xf32, #tpu.memory_space<hbm>> -> memref<10000x64xf32, #tpu.memory_space<hbm>>
      tpu.enqueue_indirect_dma source(%dma_start3A_321 : memref<10000x64xf32, #tpu.memory_space<hbm>>) target(%arg8 : memref<80x64xf32, #tpu.memory_space<vmem>>) offsets(%dma_start3A_314 : memref<80xi32, #tpu.memory_space<vmem>>) semaphore(%arg15 : memref<!tpu.dma_semaphore, #tpu.memory_space<semaphore_mem>>)
      "tpu.region"() ({
        %run_scoped3A_394 = tpu.sem_alloc : memref<!tpu.dma_semaphore, #tpu.memory_space<semaphore_mem>>
        %dma_start3A_395 = arith.constant 0 : i32
        %dma_start3A_396 = tpu.memref_slice %arg6[%add3A_299, %dma_start3A_395] : memref<250x80xi32, #tpu.memory_space<vmem>> -> memref<1x80xi32, #tpu.memory_space<vmem>>
        %dma_start3A_397 = tpu.memref_squeeze %dma_start3A_396 : memref<1x80xi32, #tpu.memory_space<vmem>> -> memref<80xi32, #tpu.memory_space<vmem>>
        %dma_start3A_398 = arith.constant 0 : i32
        %dma_start3A_399 = arith.constant 0 : i32
        %dma_start3A_400 = tpu.memref_slice %arg13[%dma_start3A_398, %dma_start3A_399] : memref<10000x64xf32, #tpu.memory_space<vmem_shared>> -> memref<10000x64xf32, #tpu.memory_space<vmem_shared>>
        tpu.enqueue_indirect_dma source(%arg9 : memref<80x64xf32, #tpu.memory_space<vmem>>) target(%dma_start3A_400 : memref<10000x64xf32, #tpu.memory_space<vmem_shared>>) offsets(%dma_start3A_397 : memref<80xi32, #tpu.memory_space<vmem>>) semaphore(%run_scoped3A_394 : memref<!tpu.dma_semaphore, #tpu.memory_space<semaphore_mem>>) {add = true}
        %dma_wait3A_401 = arith.constant 0 : i32
        %dma_wait3A_402 = tpu.memref_slice %arg6[%add3A_299, %dma_wait3A_401] : memref<250x80xi32, #tpu.memory_space<vmem>> -> memref<1x80xi32, #tpu.memory_space<vmem>>
        %dma_wait3A_403 = tpu.memref_squeeze %dma_wait3A_402 : memref<1x80xi32, #tpu.memory_space<vmem>> -> memref<80xi32, #tpu.memory_space<vmem>>
        %dma_wait3A_404 = arith.constant 0 : i32
        %dma_wait3A_405 = arith.constant 0 : i32
        %dma_wait3A_406 = tpu.memref_slice %arg13[%dma_wait3A_404, %dma_wait3A_405] : memref<10000x64xf32, #tpu.memory_space<vmem_shared>> -> memref<10000x64xf32, #tpu.memory_space<vmem_shared>>
        tpu.wait_indirect_dma semaphore(%run_scoped3A_394 : memref<!tpu.dma_semaphore, #tpu.memory_space<semaphore_mem>>) src(%arg9 : memref<80x64xf32, #tpu.memory_space<vmem>>) dst(%dma_wait3A_406 : memref<10000x64xf32, #tpu.memory_space<vmem_shared>>)
        tpu.yield
      }) : () -> ()
      %add3A_322 = arith.constant 3 : i32
      %add3A_323 = arith.addi %mul3A_250, %add3A_322 : i32
      %dma_wait3A_324 = arith.constant 0 : i32
      %dma_wait3A_325 = tpu.memref_slice %arg5[%add3A_323, %dma_wait3A_324] : memref<250x80xi32, #tpu.memory_space<vmem>> -> memref<1x80xi32, #tpu.memory_space<vmem>>
      %dma_wait3A_326 = tpu.memref_squeeze %dma_wait3A_325 : memref<1x80xi32, #tpu.memory_space<vmem>> -> memref<80xi32, #tpu.memory_space<vmem>>
      %dma_wait3A_327 = arith.constant 0 : i32
      %dma_wait3A_328 = arith.constant 0 : i32
      %dma_wait3A_329 = tpu.memref_slice %arg2[%arg0, %dma_wait3A_327, %dma_wait3A_328] : memref<2x10000x64xf32, #tpu.memory_space<hbm>> -> memref<1x10000x64xf32, #tpu.memory_space<hbm>>
      %dma_wait3A_330 = tpu.memref_squeeze %dma_wait3A_329 : memref<1x10000x64xf32, #tpu.memory_space<hbm>> -> memref<10000x64xf32, #tpu.memory_space<hbm>>
      %dma_wait3A_331 = arith.constant 0 : i32
      %dma_wait3A_332 = arith.constant 0 : i32
      %dma_wait3A_333 = tpu.memref_slice %dma_wait3A_330[%dma_wait3A_331, %dma_wait3A_332] : memref<10000x64xf32, #tpu.memory_space<hbm>> -> memref<10000x64xf32, #tpu.memory_space<hbm>>
      tpu.wait_indirect_dma semaphore(%arg17 : memref<!tpu.dma_semaphore, #tpu.memory_space<semaphore_mem>>) src(%dma_wait3A_333 : memref<10000x64xf32, #tpu.memory_space<hbm>>) dst(%arg10 : memref<80x64xf32, #tpu.memory_space<vmem>>)
      %add3A_334 = arith.constant 5 : i32
      %add3A_335 = arith.addi %add3A_323, %add3A_334 : i32
      %dma_start3A_336 = arith.constant 0 : i32
      %dma_start3A_337 = tpu.memref_slice %arg5[%add3A_335, %dma_start3A_336] : memref<250x80xi32, #tpu.memory_space<vmem>> -> memref<1x80xi32, #tpu.memory_space<vmem>>
      %dma_start3A_338 = tpu.memref_squeeze %dma_start3A_337 : memref<1x80xi32, #tpu.memory_space<vmem>> -> memref<80xi32, #tpu.memory_space<vmem>>
      %dma_start3A_339 = arith.constant 0 : i32
      %dma_start3A_340 = arith.constant 0 : i32
      %dma_start3A_341 = tpu.memref_slice %arg2[%arg0, %dma_start3A_339, %dma_start3A_340] : memref<2x10000x64xf32, #tpu.memory_space<hbm>> -> memref<1x10000x64xf32, #tpu.memory_space<hbm>>
      %dma_start3A_342 = tpu.memref_squeeze %dma_start3A_341 : memref<1x10000x64xf32, #tpu.memory_space<hbm>> -> memref<10000x64xf32, #tpu.memory_space<hbm>>
      %dma_start3A_343 = arith.constant 0 : i32
      %dma_start3A_344 = arith.constant 0 : i32
      %dma_start3A_345 = tpu.memref_slice %dma_start3A_342[%dma_start3A_343, %dma_start3A_344] : memref<10000x64xf32, #tpu.memory_space<hbm>> -> memref<10000x64xf32, #tpu.memory_space<hbm>>
      tpu.enqueue_indirect_dma source(%dma_start3A_345 : memref<10000x64xf32, #tpu.memory_space<hbm>>) target(%arg9 : memref<80x64xf32, #tpu.memory_space<vmem>>) offsets(%dma_start3A_338 : memref<80xi32, #tpu.memory_space<vmem>>) semaphore(%arg16 : memref<!tpu.dma_semaphore, #tpu.memory_space<semaphore_mem>>)
      "tpu.region"() ({
        %run_scoped3A_394 = tpu.sem_alloc : memref<!tpu.dma_semaphore, #tpu.memory_space<semaphore_mem>>
        %dma_start3A_395 = arith.constant 0 : i32
        %dma_start3A_396 = tpu.memref_slice %arg6[%add3A_323, %dma_start3A_395] : memref<250x80xi32, #tpu.memory_space<vmem>> -> memref<1x80xi32, #tpu.memory_space<vmem>>
        %dma_start3A_397 = tpu.memref_squeeze %dma_start3A_396 : memref<1x80xi32, #tpu.memory_space<vmem>> -> memref<80xi32, #tpu.memory_space<vmem>>
        %dma_start3A_398 = arith.constant 0 : i32
        %dma_start3A_399 = arith.constant 0 : i32
        %dma_start3A_400 = tpu.memref_slice %arg13[%dma_start3A_398, %dma_start3A_399] : memref<10000x64xf32, #tpu.memory_space<vmem_shared>> -> memref<10000x64xf32, #tpu.memory_space<vmem_shared>>
        tpu.enqueue_indirect_dma source(%arg10 : memref<80x64xf32, #tpu.memory_space<vmem>>) target(%dma_start3A_400 : memref<10000x64xf32, #tpu.memory_space<vmem_shared>>) offsets(%dma_start3A_397 : memref<80xi32, #tpu.memory_space<vmem>>) semaphore(%run_scoped3A_394 : memref<!tpu.dma_semaphore, #tpu.memory_space<semaphore_mem>>) {add = true}
        %dma_wait3A_401 = arith.constant 0 : i32
        %dma_wait3A_402 = tpu.memref_slice %arg6[%add3A_323, %dma_wait3A_401] : memref<250x80xi32, #tpu.memory_space<vmem>> -> memref<1x80xi32, #tpu.memory_space<vmem>>
        %dma_wait3A_403 = tpu.memref_squeeze %dma_wait3A_402 : memref<1x80xi32, #tpu.memory_space<vmem>> -> memref<80xi32, #tpu.memory_space<vmem>>
        %dma_wait3A_404 = arith.constant 0 : i32
        %dma_wait3A_405 = arith.constant 0 : i32
        %dma_wait3A_406 = tpu.memref_slice %arg13[%dma_wait3A_404, %dma_wait3A_405] : memref<10000x64xf32, #tpu.memory_space<vmem_shared>> -> memref<10000x64xf32, #tpu.memory_space<vmem_shared>>
        tpu.wait_indirect_dma semaphore(%run_scoped3A_394 : memref<!tpu.dma_semaphore, #tpu.memory_space<semaphore_mem>>) src(%arg10 : memref<80x64xf32, #tpu.memory_space<vmem>>) dst(%dma_wait3A_406 : memref<10000x64xf32, #tpu.memory_space<vmem_shared>>)
        tpu.yield
      }) : () -> ()
      %add3A_346 = arith.constant 4 : i32
      %add3A_347 = arith.addi %mul3A_250, %add3A_346 : i32
      %dma_wait3A_348 = arith.constant 0 : i32
      %dma_wait3A_349 = tpu.memref_slice %arg5[%add3A_347, %dma_wait3A_348] : memref<250x80xi32, #tpu.memory_space<vmem>> -> memref<1x80xi32, #tpu.memory_space<vmem>>
      %dma_wait3A_350 = tpu.memref_squeeze %dma_wait3A_349 : memref<1x80xi32, #tpu.memory_space<vmem>> -> memref<80xi32, #tpu.memory_space<vmem>>
      %dma_wait3A_351 = arith.constant 0 : i32
      %dma_wait3A_352 = arith.constant 0 : i32
      %dma_wait3A_353 = tpu.memref_slice %arg2[%arg0, %dma_wait3A_351, %dma_wait3A_352] : memref<2x10000x64xf32, #tpu.memory_space<hbm>> -> memref<1x10000x64xf32, #tpu.memory_space<hbm>>
      %dma_wait3A_354 = tpu.memref_squeeze %dma_wait3A_353 : memref<1x10000x64xf32, #tpu.memory_space<hbm>> -> memref<10000x64xf32, #tpu.memory_space<hbm>>
      %dma_wait3A_355 = arith.constant 0 : i32
      %dma_wait3A_356 = arith.constant 0 : i32
      %dma_wait3A_357 = tpu.memref_slice %dma_wait3A_354[%dma_wait3A_355, %dma_wait3A_356] : memref<10000x64xf32, #tpu.memory_space<hbm>> -> memref<10000x64xf32, #tpu.memory_space<hbm>>
      tpu.wait_indirect_dma semaphore(%arg18 : memref<!tpu.dma_semaphore, #tpu.memory_space<semaphore_mem>>) src(%dma_wait3A_357 : memref<10000x64xf32, #tpu.memory_space<hbm>>) dst(%arg11 : memref<80x64xf32, #tpu.memory_space<vmem>>)
      %add3A_358 = arith.constant 5 : i32
      %add3A_359 = arith.addi %add3A_347, %add3A_358 : i32
      %dma_start3A_360 = arith.constant 0 : i32
      %dma_start3A_361 = tpu.memref_slice %arg5[%add3A_359, %dma_start3A_360] : memref<250x80xi32, #tpu.memory_space<vmem>> -> memref<1x80xi32, #tpu.memory_space<vmem>>
      %dma_start3A_362 = tpu.memref_squeeze %dma_start3A_361 : memref<1x80xi32, #tpu.memory_space<vmem>> -> memref<80xi32, #tpu.memory_space<vmem>>
      %dma_start3A_363 = arith.constant 0 : i32
      %dma_start3A_364 = arith.constant 0 : i32
      %dma_start3A_365 = tpu.memref_slice %arg2[%arg0, %dma_start3A_363, %dma_start3A_364] : memref<2x10000x64xf32, #tpu.memory_space<hbm>> -> memref<1x10000x64xf32, #tpu.memory_space<hbm>>
      %dma_start3A_366 = tpu.memref_squeeze %dma_start3A_365 : memref<1x10000x64xf32, #tpu.memory_space<hbm>> -> memref<10000x64xf32, #tpu.memory_space<hbm>>
      %dma_start3A_367 = arith.constant 0 : i32
      %dma_start3A_368 = arith.constant 0 : i32
      %dma_start3A_369 = tpu.memref_slice %dma_start3A_366[%dma_start3A_367, %dma_start3A_368] : memref<10000x64xf32, #tpu.memory_space<hbm>> -> memref<10000x64xf32, #tpu.memory_space<hbm>>
      tpu.enqueue_indirect_dma source(%dma_start3A_369 : memref<10000x64xf32, #tpu.memory_space<hbm>>) target(%arg10 : memref<80x64xf32, #tpu.memory_space<vmem>>) offsets(%dma_start3A_362 : memref<80xi32, #tpu.memory_space<vmem>>) semaphore(%arg17 : memref<!tpu.dma_semaphore, #tpu.memory_space<semaphore_mem>>)
      "tpu.region"() ({
        %run_scoped3A_394 = tpu.sem_alloc : memref<!tpu.dma_semaphore, #tpu.memory_space<semaphore_mem>>
        %dma_start3A_395 = arith.constant 0 : i32
        %dma_start3A_396 = tpu.memref_slice %arg6[%add3A_347, %dma_start3A_395] : memref<250x80xi32, #tpu.memory_space<vmem>> -> memref<1x80xi32, #tpu.memory_space<vmem>>
        %dma_start3A_397 = tpu.memref_squeeze %dma_start3A_396 : memref<1x80xi32, #tpu.memory_space<vmem>> -> memref<80xi32, #tpu.memory_space<vmem>>
        %dma_start3A_398 = arith.constant 0 : i32
        %dma_start3A_399 = arith.constant 0 : i32
        %dma_start3A_400 = tpu.memref_slice %arg13[%dma_start3A_398, %dma_start3A_399] : memref<10000x64xf32, #tpu.memory_space<vmem_shared>> -> memref<10000x64xf32, #tpu.memory_space<vmem_shared>>
        tpu.enqueue_indirect_dma source(%arg11 : memref<80x64xf32, #tpu.memory_space<vmem>>) target(%dma_start3A_400 : memref<10000x64xf32, #tpu.memory_space<vmem_shared>>) offsets(%dma_start3A_397 : memref<80xi32, #tpu.memory_space<vmem>>) semaphore(%run_scoped3A_394 : memref<!tpu.dma_semaphore, #tpu.memory_space<semaphore_mem>>) {add = true}
        %dma_wait3A_401 = arith.constant 0 : i32
        %dma_wait3A_402 = tpu.memref_slice %arg6[%add3A_347, %dma_wait3A_401] : memref<250x80xi32, #tpu.memory_space<vmem>> -> memref<1x80xi32, #tpu.memory_space<vmem>>
        %dma_wait3A_403 = tpu.memref_squeeze %dma_wait3A_402 : memref<1x80xi32, #tpu.memory_space<vmem>> -> memref<80xi32, #tpu.memory_space<vmem>>
        %dma_wait3A_404 = arith.constant 0 : i32
        %dma_wait3A_405 = arith.constant 0 : i32
        %dma_wait3A_406 = tpu.memref_slice %arg13[%dma_wait3A_404, %dma_wait3A_405] : memref<10000x64xf32, #tpu.memory_space<vmem_shared>> -> memref<10000x64xf32, #tpu.memory_space<vmem_shared>>
        tpu.wait_indirect_dma semaphore(%run_scoped3A_394 : memref<!tpu.dma_semaphore, #tpu.memory_space<semaphore_mem>>) src(%arg11 : memref<80x64xf32, #tpu.memory_space<vmem>>) dst(%dma_wait3A_406 : memref<10000x64xf32, #tpu.memory_space<vmem_shared>>)
        tpu.yield
      }) : () -> ()
      %add3A_370 = arith.constant 5 : i32
      %add3A_371 = arith.addi %mul3A_250, %add3A_370 : i32
      %dma_wait3A_372 = arith.constant 0 : i32
      %dma_wait3A_373 = tpu.memref_slice %arg5[%add3A_371, %dma_wait3A_372] : memref<250x80xi32, #tpu.memory_space<vmem>> -> memref<1x80xi32, #tpu.memory_space<vmem>>
      %dma_wait3A_374 = tpu.memref_squeeze %dma_wait3A_373 : memref<1x80xi32, #tpu.memory_space<vmem>> -> memref<80xi32, #tpu.memory_space<vmem>>
      %dma_wait3A_375 = arith.constant 0 : i32
      %dma_wait3A_376 = arith.constant 0 : i32
      %dma_wait3A_377 = tpu.memref_slice %arg2[%arg0, %dma_wait3A_375, %dma_wait3A_376] : memref<2x10000x64xf32, #tpu.memory_space<hbm>> -> memref<1x10000x64xf32, #tpu.memory_space<hbm>>
      %dma_wait3A_378 = tpu.memref_squeeze %dma_wait3A_377 : memref<1x10000x64xf32, #tpu.memory_space<hbm>> -> memref<10000x64xf32, #tpu.memory_space<hbm>>
      %dma_wait3A_379 = arith.constant 0 : i32
      %dma_wait3A_380 = arith.constant 0 : i32
      %dma_wait3A_381 = tpu.memref_slice %dma_wait3A_378[%dma_wait3A_379, %dma_wait3A_380] : memref<10000x64xf32, #tpu.memory_space<hbm>> -> memref<10000x64xf32, #tpu.memory_space<hbm>>
      tpu.wait_indirect_dma semaphore(%arg19 : memref<!tpu.dma_semaphore, #tpu.memory_space<semaphore_mem>>) src(%dma_wait3A_381 : memref<10000x64xf32, #tpu.memory_space<hbm>>) dst(%arg12 : memref<80x64xf32, #tpu.memory_space<vmem>>)
      %add3A_382 = arith.constant 5 : i32
      %add3A_383 = arith.addi %add3A_371, %add3A_382 : i32
      %dma_start3A_384 = arith.constant 0 : i32
      %dma_start3A_385 = tpu.memref_slice %arg5[%add3A_383, %dma_start3A_384] : memref<250x80xi32, #tpu.memory_space<vmem>> -> memref<1x80xi32, #tpu.memory_space<vmem>>
      %dma_start3A_386 = tpu.memref_squeeze %dma_start3A_385 : memref<1x80xi32, #tpu.memory_space<vmem>> -> memref<80xi32, #tpu.memory_space<vmem>>
      %dma_start3A_387 = arith.constant 0 : i32
      %dma_start3A_388 = arith.constant 0 : i32
      %dma_start3A_389 = tpu.memref_slice %arg2[%arg0, %dma_start3A_387, %dma_start3A_388] : memref<2x10000x64xf32, #tpu.memory_space<hbm>> -> memref<1x10000x64xf32, #tpu.memory_space<hbm>>
      %dma_start3A_390 = tpu.memref_squeeze %dma_start3A_389 : memref<1x10000x64xf32, #tpu.memory_space<hbm>> -> memref<10000x64xf32, #tpu.memory_space<hbm>>
      %dma_start3A_391 = arith.constant 0 : i32
      %dma_start3A_392 = arith.constant 0 : i32
      %dma_start3A_393 = tpu.memref_slice %dma_start3A_390[%dma_start3A_391, %dma_start3A_392] : memref<10000x64xf32, #tpu.memory_space<hbm>> -> memref<10000x64xf32, #tpu.memory_space<hbm>>
      tpu.enqueue_indirect_dma source(%dma_start3A_393 : memref<10000x64xf32, #tpu.memory_space<hbm>>) target(%arg11 : memref<80x64xf32, #tpu.memory_space<vmem>>) offsets(%dma_start3A_386 : memref<80xi32, #tpu.memory_space<vmem>>) semaphore(%arg18 : memref<!tpu.dma_semaphore, #tpu.memory_space<semaphore_mem>>)
      "tpu.region"() ({
        %run_scoped3A_394 = tpu.sem_alloc : memref<!tpu.dma_semaphore, #tpu.memory_space<semaphore_mem>>
        %dma_start3A_395 = arith.constant 0 : i32
        %dma_start3A_396 = tpu.memref_slice %arg6[%add3A_371, %dma_start3A_395] : memref<250x80xi32, #tpu.memory_space<vmem>> -> memref<1x80xi32, #tpu.memory_space<vmem>>
        %dma_start3A_397 = tpu.memref_squeeze %dma_start3A_396 : memref<1x80xi32, #tpu.memory_space<vmem>> -> memref<80xi32, #tpu.memory_space<vmem>>
        %dma_start3A_398 = arith.constant 0 : i32
        %dma_start3A_399 = arith.constant 0 : i32
        %dma_start3A_400 = tpu.memref_slice %arg13[%dma_start3A_398, %dma_start3A_399] : memref<10000x64xf32, #tpu.memory_space<vmem_shared>> -> memref<10000x64xf32, #tpu.memory_space<vmem_shared>>
        tpu.enqueue_indirect_dma source(%arg12 : memref<80x64xf32, #tpu.memory_space<vmem>>) target(%dma_start3A_400 : memref<10000x64xf32, #tpu.memory_space<vmem_shared>>) offsets(%dma_start3A_397 : memref<80xi32, #tpu.memory_space<vmem>>) semaphore(%run_scoped3A_394 : memref<!tpu.dma_semaphore, #tpu.memory_space<semaphore_mem>>) {add = true}
        %dma_wait3A_401 = arith.constant 0 : i32
        %dma_wait3A_402 = tpu.memref_slice %arg6[%add3A_371, %dma_wait3A_401] : memref<250x80xi32, #tpu.memory_space<vmem>> -> memref<1x80xi32, #tpu.memory_space<vmem>>
        %dma_wait3A_403 = tpu.memref_squeeze %dma_wait3A_402 : memref<1x80xi32, #tpu.memory_space<vmem>> -> memref<80xi32, #tpu.memory_space<vmem>>
        %dma_wait3A_404 = arith.constant 0 : i32
        %dma_wait3A_405 = arith.constant 0 : i32
        %dma_wait3A_406 = tpu.memref_slice %arg13[%dma_wait3A_404, %dma_wait3A_405] : memref<10000x64xf32, #tpu.memory_space<vmem_shared>> -> memref<10000x64xf32, #tpu.memory_space<vmem_shared>>
        tpu.wait_indirect_dma semaphore(%run_scoped3A_394 : memref<!tpu.dma_semaphore, #tpu.memory_space<semaphore_mem>>) src(%arg12 : memref<80x64xf32, #tpu.memory_space<vmem>>) dst(%dma_wait3A_406 : memref<10000x64xf32, #tpu.memory_space<vmem_shared>>)
        tpu.yield
      }) : () -> ()
    }
    %scan3A_68 = arith.constant 40 : i32
    %dma_wait3A = arith.constant 240 : i32
    %dma_wait3A_69 = arith.constant 0 : i32
    %dma_wait3A_70 = tpu.memref_slice %arg5[%dma_wait3A, %dma_wait3A_69] : memref<250x80xi32, #tpu.memory_space<vmem>> -> memref<1x80xi32, #tpu.memory_space<vmem>>
    %dma_wait3A_71 = tpu.memref_squeeze %dma_wait3A_70 : memref<1x80xi32, #tpu.memory_space<vmem>> -> memref<80xi32, #tpu.memory_space<vmem>>
    %dma_wait3A_72 = arith.constant 0 : i32
    %dma_wait3A_73 = arith.constant 0 : i32
    %dma_wait3A_74 = tpu.memref_slice %arg2[%arg0, %dma_wait3A_72, %dma_wait3A_73] : memref<2x10000x64xf32, #tpu.memory_space<hbm>> -> memref<1x10000x64xf32, #tpu.memory_space<hbm>>
    %dma_wait3A_75 = tpu.memref_squeeze %dma_wait3A_74 : memref<1x10000x64xf32, #tpu.memory_space<hbm>> -> memref<10000x64xf32, #tpu.memory_space<hbm>>
    %dma_wait3A_76 = arith.constant 0 : i32
    %dma_wait3A_77 = arith.constant 0 : i32
    %dma_wait3A_78 = tpu.memref_slice %dma_wait3A_75[%dma_wait3A_76, %dma_wait3A_77] : memref<10000x64xf32, #tpu.memory_space<hbm>> -> memref<10000x64xf32, #tpu.memory_space<hbm>>
    tpu.wait_indirect_dma semaphore(%arg14 : memref<!tpu.dma_semaphore, #tpu.memory_space<semaphore_mem>>) src(%dma_wait3A_78 : memref<10000x64xf32, #tpu.memory_space<hbm>>) dst(%arg7 : memref<80x64xf32, #tpu.memory_space<vmem>>)
    %dma_start3A_79 = arith.constant 245 : i32
    %dma_start3A_80 = arith.constant 0 : i32
    %dma_start3A_81 = tpu.memref_slice %arg5[%dma_start3A_79, %dma_start3A_80] : memref<250x80xi32, #tpu.memory_space<vmem>> -> memref<1x80xi32, #tpu.memory_space<vmem>>
    %dma_start3A_82 = tpu.memref_squeeze %dma_start3A_81 : memref<1x80xi32, #tpu.memory_space<vmem>> -> memref<80xi32, #tpu.memory_space<vmem>>
    %dma_start3A_83 = arith.constant 0 : i32
    %dma_start3A_84 = arith.constant 0 : i32
    %dma_start3A_85 = tpu.memref_slice %arg2[%arg0, %dma_start3A_83, %dma_start3A_84] : memref<2x10000x64xf32, #tpu.memory_space<hbm>> -> memref<1x10000x64xf32, #tpu.memory_space<hbm>>
    %dma_start3A_86 = tpu.memref_squeeze %dma_start3A_85 : memref<1x10000x64xf32, #tpu.memory_space<hbm>> -> memref<10000x64xf32, #tpu.memory_space<hbm>>
    %dma_start3A_87 = arith.constant 0 : i32
    %dma_start3A_88 = arith.constant 0 : i32
    %dma_start3A_89 = tpu.memref_slice %dma_start3A_86[%dma_start3A_87, %dma_start3A_88] : memref<10000x64xf32, #tpu.memory_space<hbm>> -> memref<10000x64xf32, #tpu.memory_space<hbm>>
    tpu.enqueue_indirect_dma source(%dma_start3A_89 : memref<10000x64xf32, #tpu.memory_space<hbm>>) target(%arg12 : memref<80x64xf32, #tpu.memory_space<vmem>>) offsets(%dma_start3A_82 : memref<80xi32, #tpu.memory_space<vmem>>) semaphore(%arg19 : memref<!tpu.dma_semaphore, #tpu.memory_space<semaphore_mem>>)
    %run_scoped3A_90 = arith.constant 240 : i32
    "tpu.region"() ({
      %run_scoped3A_249 = tpu.sem_alloc : memref<!tpu.dma_semaphore, #tpu.memory_space<semaphore_mem>>
      %dma_start3A_250 = arith.constant 0 : i32
      %dma_start3A_251 = tpu.memref_slice %arg6[%run_scoped3A_90, %dma_start3A_250] : memref<250x80xi32, #tpu.memory_space<vmem>> -> memref<1x80xi32, #tpu.memory_space<vmem>>
      %dma_start3A_252 = tpu.memref_squeeze %dma_start3A_251 : memref<1x80xi32, #tpu.memory_space<vmem>> -> memref<80xi32, #tpu.memory_space<vmem>>
      %dma_start3A_253 = arith.constant 0 : i32
      %dma_start3A_254 = arith.constant 0 : i32
      %dma_start3A_255 = tpu.memref_slice %arg13[%dma_start3A_253, %dma_start3A_254] : memref<10000x64xf32, #tpu.memory_space<vmem_shared>> -> memref<10000x64xf32, #tpu.memory_space<vmem_shared>>
      tpu.enqueue_indirect_dma source(%arg7 : memref<80x64xf32, #tpu.memory_space<vmem>>) target(%dma_start3A_255 : memref<10000x64xf32, #tpu.memory_space<vmem_shared>>) offsets(%dma_start3A_252 : memref<80xi32, #tpu.memory_space<vmem>>) semaphore(%run_scoped3A_249 : memref<!tpu.dma_semaphore, #tpu.memory_space<semaphore_mem>>) {add = true}
      %dma_wait3A_256 = arith.constant 0 : i32
      %dma_wait3A_257 = tpu.memref_slice %arg6[%run_scoped3A_90, %dma_wait3A_256] : memref<250x80xi32, #tpu.memory_space<vmem>> -> memref<1x80xi32, #tpu.memory_space<vmem>>
      %dma_wait3A_258 = tpu.memref_squeeze %dma_wait3A_257 : memref<1x80xi32, #tpu.memory_space<vmem>> -> memref<80xi32, #tpu.memory_space<vmem>>
      %dma_wait3A_259 = arith.constant 0 : i32
      %dma_wait3A_260 = arith.constant 0 : i32
      %dma_wait3A_261 = tpu.memref_slice %arg13[%dma_wait3A_259, %dma_wait3A_260] : memref<10000x64xf32, #tpu.memory_space<vmem_shared>> -> memref<10000x64xf32, #tpu.memory_space<vmem_shared>>
      tpu.wait_indirect_dma semaphore(%run_scoped3A_249 : memref<!tpu.dma_semaphore, #tpu.memory_space<semaphore_mem>>) src(%arg7 : memref<80x64xf32, #tpu.memory_space<vmem>>) dst(%dma_wait3A_261 : memref<10000x64xf32, #tpu.memory_space<vmem_shared>>)
      tpu.yield
    }) : () -> ()
    %dma_wait3A_91 = arith.constant 241 : i32
    %dma_wait3A_92 = arith.constant 0 : i32
    %dma_wait3A_93 = tpu.memref_slice %arg5[%dma_wait3A_91, %dma_wait3A_92] : memref<250x80xi32, #tpu.memory_space<vmem>> -> memref<1x80xi32, #tpu.memory_space<vmem>>
    %dma_wait3A_94 = tpu.memref_squeeze %dma_wait3A_93 : memref<1x80xi32, #tpu.memory_space<vmem>> -> memref<80xi32, #tpu.memory_space<vmem>>
    %dma_wait3A_95 = arith.constant 0 : i32
    %dma_wait3A_96 = arith.constant 0 : i32
    %dma_wait3A_97 = tpu.memref_slice %arg2[%arg0, %dma_wait3A_95, %dma_wait3A_96] : memref<2x10000x64xf32, #tpu.memory_space<hbm>> -> memref<1x10000x64xf32, #tpu.memory_space<hbm>>
    %dma_wait3A_98 = tpu.memref_squeeze %dma_wait3A_97 : memref<1x10000x64xf32, #tpu.memory_space<hbm>> -> memref<10000x64xf32, #tpu.memory_space<hbm>>
    %dma_wait3A_99 = arith.constant 0 : i32
    %dma_wait3A_100 = arith.constant 0 : i32
    %dma_wait3A_101 = tpu.memref_slice %dma_wait3A_98[%dma_wait3A_99, %dma_wait3A_100] : memref<10000x64xf32, #tpu.memory_space<hbm>> -> memref<10000x64xf32, #tpu.memory_space<hbm>>
    tpu.wait_indirect_dma semaphore(%arg15 : memref<!tpu.dma_semaphore, #tpu.memory_space<semaphore_mem>>) src(%dma_wait3A_101 : memref<10000x64xf32, #tpu.memory_space<hbm>>) dst(%arg8 : memref<80x64xf32, #tpu.memory_space<vmem>>)
    %dma_start3A_102 = arith.constant 246 : i32
    %dma_start3A_103 = arith.constant 0 : i32
    %dma_start3A_104 = tpu.memref_slice %arg5[%dma_start3A_102, %dma_start3A_103] : memref<250x80xi32, #tpu.memory_space<vmem>> -> memref<1x80xi32, #tpu.memory_space<vmem>>
    %dma_start3A_105 = tpu.memref_squeeze %dma_start3A_104 : memref<1x80xi32, #tpu.memory_space<vmem>> -> memref<80xi32, #tpu.memory_space<vmem>>
    %dma_start3A_106 = arith.constant 0 : i32
    %dma_start3A_107 = arith.constant 0 : i32
    %dma_start3A_108 = tpu.memref_slice %arg2[%arg0, %dma_start3A_106, %dma_start3A_107] : memref<2x10000x64xf32, #tpu.memory_space<hbm>> -> memref<1x10000x64xf32, #tpu.memory_space<hbm>>
    %dma_start3A_109 = tpu.memref_squeeze %dma_start3A_108 : memref<1x10000x64xf32, #tpu.memory_space<hbm>> -> memref<10000x64xf32, #tpu.memory_space<hbm>>
    %dma_start3A_110 = arith.constant 0 : i32
    %dma_start3A_111 = arith.constant 0 : i32
    %dma_start3A_112 = tpu.memref_slice %dma_start3A_109[%dma_start3A_110, %dma_start3A_111] : memref<10000x64xf32, #tpu.memory_space<hbm>> -> memref<10000x64xf32, #tpu.memory_space<hbm>>
    tpu.enqueue_indirect_dma source(%dma_start3A_112 : memref<10000x64xf32, #tpu.memory_space<hbm>>) target(%arg7 : memref<80x64xf32, #tpu.memory_space<vmem>>) offsets(%dma_start3A_105 : memref<80xi32, #tpu.memory_space<vmem>>) semaphore(%arg14 : memref<!tpu.dma_semaphore, #tpu.memory_space<semaphore_mem>>)
    %run_scoped3A_113 = arith.constant 241 : i32
    "tpu.region"() ({
      %run_scoped3A_249 = tpu.sem_alloc : memref<!tpu.dma_semaphore, #tpu.memory_space<semaphore_mem>>
      %dma_start3A_250 = arith.constant 0 : i32
      %dma_start3A_251 = tpu.memref_slice %arg6[%run_scoped3A_113, %dma_start3A_250] : memref<250x80xi32, #tpu.memory_space<vmem>> -> memref<1x80xi32, #tpu.memory_space<vmem>>
      %dma_start3A_252 = tpu.memref_squeeze %dma_start3A_251 : memref<1x80xi32, #tpu.memory_space<vmem>> -> memref<80xi32, #tpu.memory_space<vmem>>
      %dma_start3A_253 = arith.constant 0 : i32
      %dma_start3A_254 = arith.constant 0 : i32
      %dma_start3A_255 = tpu.memref_slice %arg13[%dma_start3A_253, %dma_start3A_254] : memref<10000x64xf32, #tpu.memory_space<vmem_shared>> -> memref<10000x64xf32, #tpu.memory_space<vmem_shared>>
      tpu.enqueue_indirect_dma source(%arg8 : memref<80x64xf32, #tpu.memory_space<vmem>>) target(%dma_start3A_255 : memref<10000x64xf32, #tpu.memory_space<vmem_shared>>) offsets(%dma_start3A_252 : memref<80xi32, #tpu.memory_space<vmem>>) semaphore(%run_scoped3A_249 : memref<!tpu.dma_semaphore, #tpu.memory_space<semaphore_mem>>) {add = true}
      %dma_wait3A_256 = arith.constant 0 : i32
      %dma_wait3A_257 = tpu.memref_slice %arg6[%run_scoped3A_113, %dma_wait3A_256] : memref<250x80xi32, #tpu.memory_space<vmem>> -> memref<1x80xi32, #tpu.memory_space<vmem>>
      %dma_wait3A_258 = tpu.memref_squeeze %dma_wait3A_257 : memref<1x80xi32, #tpu.memory_space<vmem>> -> memref<80xi32, #tpu.memory_space<vmem>>
      %dma_wait3A_259 = arith.constant 0 : i32
      %dma_wait3A_260 = arith.constant 0 : i32
      %dma_wait3A_261 = tpu.memref_slice %arg13[%dma_wait3A_259, %dma_wait3A_260] : memref<10000x64xf32, #tpu.memory_space<vmem_shared>> -> memref<10000x64xf32, #tpu.memory_space<vmem_shared>>
      tpu.wait_indirect_dma semaphore(%run_scoped3A_249 : memref<!tpu.dma_semaphore, #tpu.memory_space<semaphore_mem>>) src(%arg8 : memref<80x64xf32, #tpu.memory_space<vmem>>) dst(%dma_wait3A_261 : memref<10000x64xf32, #tpu.memory_space<vmem_shared>>)
      tpu.yield
    }) : () -> ()
    %dma_wait3A_114 = arith.constant 242 : i32
    %dma_wait3A_115 = arith.constant 0 : i32
    %dma_wait3A_116 = tpu.memref_slice %arg5[%dma_wait3A_114, %dma_wait3A_115] : memref<250x80xi32, #tpu.memory_space<vmem>> -> memref<1x80xi32, #tpu.memory_space<vmem>>
    %dma_wait3A_117 = tpu.memref_squeeze %dma_wait3A_116 : memref<1x80xi32, #tpu.memory_space<vmem>> -> memref<80xi32, #tpu.memory_space<vmem>>
    %dma_wait3A_118 = arith.constant 0 : i32
    %dma_wait3A_119 = arith.constant 0 : i32
    %dma_wait3A_120 = tpu.memref_slice %arg2[%arg0, %dma_wait3A_118, %dma_wait3A_119] : memref<2x10000x64xf32, #tpu.memory_space<hbm>> -> memref<1x10000x64xf32, #tpu.memory_space<hbm>>
    %dma_wait3A_121 = tpu.memref_squeeze %dma_wait3A_120 : memref<1x10000x64xf32, #tpu.memory_space<hbm>> -> memref<10000x64xf32, #tpu.memory_space<hbm>>
    %dma_wait3A_122 = arith.constant 0 : i32
    %dma_wait3A_123 = arith.constant 0 : i32
    %dma_wait3A_124 = tpu.memref_slice %dma_wait3A_121[%dma_wait3A_122, %dma_wait3A_123] : memref<10000x64xf32, #tpu.memory_space<hbm>> -> memref<10000x64xf32, #tpu.memory_space<hbm>>
    tpu.wait_indirect_dma semaphore(%arg16 : memref<!tpu.dma_semaphore, #tpu.memory_space<semaphore_mem>>) src(%dma_wait3A_124 : memref<10000x64xf32, #tpu.memory_space<hbm>>) dst(%arg9 : memref<80x64xf32, #tpu.memory_space<vmem>>)
    %dma_start3A_125 = arith.constant 247 : i32
    %dma_start3A_126 = arith.constant 0 : i32
    %dma_start3A_127 = tpu.memref_slice %arg5[%dma_start3A_125, %dma_start3A_126] : memref<250x80xi32, #tpu.memory_space<vmem>> -> memref<1x80xi32, #tpu.memory_space<vmem>>
    %dma_start3A_128 = tpu.memref_squeeze %dma_start3A_127 : memref<1x80xi32, #tpu.memory_space<vmem>> -> memref<80xi32, #tpu.memory_space<vmem>>
    %dma_start3A_129 = arith.constant 0 : i32
    %dma_start3A_130 = arith.constant 0 : i32
    %dma_start3A_131 = tpu.memref_slice %arg2[%arg0, %dma_start3A_129, %dma_start3A_130] : memref<2x10000x64xf32, #tpu.memory_space<hbm>> -> memref<1x10000x64xf32, #tpu.memory_space<hbm>>
    %dma_start3A_132 = tpu.memref_squeeze %dma_start3A_131 : memref<1x10000x64xf32, #tpu.memory_space<hbm>> -> memref<10000x64xf32, #tpu.memory_space<hbm>>
    %dma_start3A_133 = arith.constant 0 : i32
    %dma_start3A_134 = arith.constant 0 : i32
    %dma_start3A_135 = tpu.memref_slice %dma_start3A_132[%dma_start3A_133, %dma_start3A_134] : memref<10000x64xf32, #tpu.memory_space<hbm>> -> memref<10000x64xf32, #tpu.memory_space<hbm>>
    tpu.enqueue_indirect_dma source(%dma_start3A_135 : memref<10000x64xf32, #tpu.memory_space<hbm>>) target(%arg8 : memref<80x64xf32, #tpu.memory_space<vmem>>) offsets(%dma_start3A_128 : memref<80xi32, #tpu.memory_space<vmem>>) semaphore(%arg15 : memref<!tpu.dma_semaphore, #tpu.memory_space<semaphore_mem>>)
    %run_scoped3A_136 = arith.constant 242 : i32
    "tpu.region"() ({
      %run_scoped3A_249 = tpu.sem_alloc : memref<!tpu.dma_semaphore, #tpu.memory_space<semaphore_mem>>
      %dma_start3A_250 = arith.constant 0 : i32
      %dma_start3A_251 = tpu.memref_slice %arg6[%run_scoped3A_136, %dma_start3A_250] : memref<250x80xi32, #tpu.memory_space<vmem>> -> memref<1x80xi32, #tpu.memory_space<vmem>>
      %dma_start3A_252 = tpu.memref_squeeze %dma_start3A_251 : memref<1x80xi32, #tpu.memory_space<vmem>> -> memref<80xi32, #tpu.memory_space<vmem>>
      %dma_start3A_253 = arith.constant 0 : i32
      %dma_start3A_254 = arith.constant 0 : i32
      %dma_start3A_255 = tpu.memref_slice %arg13[%dma_start3A_253, %dma_start3A_254] : memref<10000x64xf32, #tpu.memory_space<vmem_shared>> -> memref<10000x64xf32, #tpu.memory_space<vmem_shared>>
      tpu.enqueue_indirect_dma source(%arg9 : memref<80x64xf32, #tpu.memory_space<vmem>>) target(%dma_start3A_255 : memref<10000x64xf32, #tpu.memory_space<vmem_shared>>) offsets(%dma_start3A_252 : memref<80xi32, #tpu.memory_space<vmem>>) semaphore(%run_scoped3A_249 : memref<!tpu.dma_semaphore, #tpu.memory_space<semaphore_mem>>) {add = true}
      %dma_wait3A_256 = arith.constant 0 : i32
      %dma_wait3A_257 = tpu.memref_slice %arg6[%run_scoped3A_136, %dma_wait3A_256] : memref<250x80xi32, #tpu.memory_space<vmem>> -> memref<1x80xi32, #tpu.memory_space<vmem>>
      %dma_wait3A_258 = tpu.memref_squeeze %dma_wait3A_257 : memref<1x80xi32, #tpu.memory_space<vmem>> -> memref<80xi32, #tpu.memory_space<vmem>>
      %dma_wait3A_259 = arith.constant 0 : i32
      %dma_wait3A_260 = arith.constant 0 : i32
      %dma_wait3A_261 = tpu.memref_slice %arg13[%dma_wait3A_259, %dma_wait3A_260] : memref<10000x64xf32, #tpu.memory_space<vmem_shared>> -> memref<10000x64xf32, #tpu.memory_space<vmem_shared>>
      tpu.wait_indirect_dma semaphore(%run_scoped3A_249 : memref<!tpu.dma_semaphore, #tpu.memory_space<semaphore_mem>>) src(%arg9 : memref<80x64xf32, #tpu.memory_space<vmem>>) dst(%dma_wait3A_261 : memref<10000x64xf32, #tpu.memory_space<vmem_shared>>)
      tpu.yield
    }) : () -> ()
    %dma_wait3A_137 = arith.constant 243 : i32
    %dma_wait3A_138 = arith.constant 0 : i32
    %dma_wait3A_139 = tpu.memref_slice %arg5[%dma_wait3A_137, %dma_wait3A_138] : memref<250x80xi32, #tpu.memory_space<vmem>> -> memref<1x80xi32, #tpu.memory_space<vmem>>
    %dma_wait3A_140 = tpu.memref_squeeze %dma_wait3A_139 : memref<1x80xi32, #tpu.memory_space<vmem>> -> memref<80xi32, #tpu.memory_space<vmem>>
    %dma_wait3A_141 = arith.constant 0 : i32
    %dma_wait3A_142 = arith.constant 0 : i32
    %dma_wait3A_143 = tpu.memref_slice %arg2[%arg0, %dma_wait3A_141, %dma_wait3A_142] : memref<2x10000x64xf32, #tpu.memory_space<hbm>> -> memref<1x10000x64xf32, #tpu.memory_space<hbm>>
    %dma_wait3A_144 = tpu.memref_squeeze %dma_wait3A_143 : memref<1x10000x64xf32, #tpu.memory_space<hbm>> -> memref<10000x64xf32, #tpu.memory_space<hbm>>
    %dma_wait3A_145 = arith.constant 0 : i32
    %dma_wait3A_146 = arith.constant 0 : i32
    %dma_wait3A_147 = tpu.memref_slice %dma_wait3A_144[%dma_wait3A_145, %dma_wait3A_146] : memref<10000x64xf32, #tpu.memory_space<hbm>> -> memref<10000x64xf32, #tpu.memory_space<hbm>>
    tpu.wait_indirect_dma semaphore(%arg17 : memref<!tpu.dma_semaphore, #tpu.memory_space<semaphore_mem>>) src(%dma_wait3A_147 : memref<10000x64xf32, #tpu.memory_space<hbm>>) dst(%arg10 : memref<80x64xf32, #tpu.memory_space<vmem>>)
    %dma_start3A_148 = arith.constant 248 : i32
    %dma_start3A_149 = arith.constant 0 : i32
    %dma_start3A_150 = tpu.memref_slice %arg5[%dma_start3A_148, %dma_start3A_149] : memref<250x80xi32, #tpu.memory_space<vmem>> -> memref<1x80xi32, #tpu.memory_space<vmem>>
    %dma_start3A_151 = tpu.memref_squeeze %dma_start3A_150 : memref<1x80xi32, #tpu.memory_space<vmem>> -> memref<80xi32, #tpu.memory_space<vmem>>
    %dma_start3A_152 = arith.constant 0 : i32
    %dma_start3A_153 = arith.constant 0 : i32
    %dma_start3A_154 = tpu.memref_slice %arg2[%arg0, %dma_start3A_152, %dma_start3A_153] : memref<2x10000x64xf32, #tpu.memory_space<hbm>> -> memref<1x10000x64xf32, #tpu.memory_space<hbm>>
    %dma_start3A_155 = tpu.memref_squeeze %dma_start3A_154 : memref<1x10000x64xf32, #tpu.memory_space<hbm>> -> memref<10000x64xf32, #tpu.memory_space<hbm>>
    %dma_start3A_156 = arith.constant 0 : i32
    %dma_start3A_157 = arith.constant 0 : i32
    %dma_start3A_158 = tpu.memref_slice %dma_start3A_155[%dma_start3A_156, %dma_start3A_157] : memref<10000x64xf32, #tpu.memory_space<hbm>> -> memref<10000x64xf32, #tpu.memory_space<hbm>>
    tpu.enqueue_indirect_dma source(%dma_start3A_158 : memref<10000x64xf32, #tpu.memory_space<hbm>>) target(%arg9 : memref<80x64xf32, #tpu.memory_space<vmem>>) offsets(%dma_start3A_151 : memref<80xi32, #tpu.memory_space<vmem>>) semaphore(%arg16 : memref<!tpu.dma_semaphore, #tpu.memory_space<semaphore_mem>>)
    %run_scoped3A_159 = arith.constant 243 : i32
    "tpu.region"() ({
      %run_scoped3A_249 = tpu.sem_alloc : memref<!tpu.dma_semaphore, #tpu.memory_space<semaphore_mem>>
      %dma_start3A_250 = arith.constant 0 : i32
      %dma_start3A_251 = tpu.memref_slice %arg6[%run_scoped3A_159, %dma_start3A_250] : memref<250x80xi32, #tpu.memory_space<vmem>> -> memref<1x80xi32, #tpu.memory_space<vmem>>
      %dma_start3A_252 = tpu.memref_squeeze %dma_start3A_251 : memref<1x80xi32, #tpu.memory_space<vmem>> -> memref<80xi32, #tpu.memory_space<vmem>>
      %dma_start3A_253 = arith.constant 0 : i32
      %dma_start3A_254 = arith.constant 0 : i32
      %dma_start3A_255 = tpu.memref_slice %arg13[%dma_start3A_253, %dma_start3A_254] : memref<10000x64xf32, #tpu.memory_space<vmem_shared>> -> memref<10000x64xf32, #tpu.memory_space<vmem_shared>>
      tpu.enqueue_indirect_dma source(%arg10 : memref<80x64xf32, #tpu.memory_space<vmem>>) target(%dma_start3A_255 : memref<10000x64xf32, #tpu.memory_space<vmem_shared>>) offsets(%dma_start3A_252 : memref<80xi32, #tpu.memory_space<vmem>>) semaphore(%run_scoped3A_249 : memref<!tpu.dma_semaphore, #tpu.memory_space<semaphore_mem>>) {add = true}
      %dma_wait3A_256 = arith.constant 0 : i32
      %dma_wait3A_257 = tpu.memref_slice %arg6[%run_scoped3A_159, %dma_wait3A_256] : memref<250x80xi32, #tpu.memory_space<vmem>> -> memref<1x80xi32, #tpu.memory_space<vmem>>
      %dma_wait3A_258 = tpu.memref_squeeze %dma_wait3A_257 : memref<1x80xi32, #tpu.memory_space<vmem>> -> memref<80xi32, #tpu.memory_space<vmem>>
      %dma_wait3A_259 = arith.constant 0 : i32
      %dma_wait3A_260 = arith.constant 0 : i32
      %dma_wait3A_261 = tpu.memref_slice %arg13[%dma_wait3A_259, %dma_wait3A_260] : memref<10000x64xf32, #tpu.memory_space<vmem_shared>> -> memref<10000x64xf32, #tpu.memory_space<vmem_shared>>
      tpu.wait_indirect_dma semaphore(%run_scoped3A_249 : memref<!tpu.dma_semaphore, #tpu.memory_space<semaphore_mem>>) src(%arg10 : memref<80x64xf32, #tpu.memory_space<vmem>>) dst(%dma_wait3A_261 : memref<10000x64xf32, #tpu.memory_space<vmem_shared>>)
      tpu.yield
    }) : () -> ()
    %dma_wait3A_160 = arith.constant 244 : i32
    %dma_wait3A_161 = arith.constant 0 : i32
    %dma_wait3A_162 = tpu.memref_slice %arg5[%dma_wait3A_160, %dma_wait3A_161] : memref<250x80xi32, #tpu.memory_space<vmem>> -> memref<1x80xi32, #tpu.memory_space<vmem>>
    %dma_wait3A_163 = tpu.memref_squeeze %dma_wait3A_162 : memref<1x80xi32, #tpu.memory_space<vmem>> -> memref<80xi32, #tpu.memory_space<vmem>>
    %dma_wait3A_164 = arith.constant 0 : i32
    %dma_wait3A_165 = arith.constant 0 : i32
    %dma_wait3A_166 = tpu.memref_slice %arg2[%arg0, %dma_wait3A_164, %dma_wait3A_165] : memref<2x10000x64xf32, #tpu.memory_space<hbm>> -> memref<1x10000x64xf32, #tpu.memory_space<hbm>>
    %dma_wait3A_167 = tpu.memref_squeeze %dma_wait3A_166 : memref<1x10000x64xf32, #tpu.memory_space<hbm>> -> memref<10000x64xf32, #tpu.memory_space<hbm>>
    %dma_wait3A_168 = arith.constant 0 : i32
    %dma_wait3A_169 = arith.constant 0 : i32
    %dma_wait3A_170 = tpu.memref_slice %dma_wait3A_167[%dma_wait3A_168, %dma_wait3A_169] : memref<10000x64xf32, #tpu.memory_space<hbm>> -> memref<10000x64xf32, #tpu.memory_space<hbm>>
    tpu.wait_indirect_dma semaphore(%arg18 : memref<!tpu.dma_semaphore, #tpu.memory_space<semaphore_mem>>) src(%dma_wait3A_170 : memref<10000x64xf32, #tpu.memory_space<hbm>>) dst(%arg11 : memref<80x64xf32, #tpu.memory_space<vmem>>)
    %dma_start3A_171 = arith.constant 249 : i32
    %dma_start3A_172 = arith.constant 0 : i32
    %dma_start3A_173 = tpu.memref_slice %arg5[%dma_start3A_171, %dma_start3A_172] : memref<250x80xi32, #tpu.memory_space<vmem>> -> memref<1x80xi32, #tpu.memory_space<vmem>>
    %dma_start3A_174 = tpu.memref_squeeze %dma_start3A_173 : memref<1x80xi32, #tpu.memory_space<vmem>> -> memref<80xi32, #tpu.memory_space<vmem>>
    %dma_start3A_175 = arith.constant 0 : i32
    %dma_start3A_176 = arith.constant 0 : i32
    %dma_start3A_177 = tpu.memref_slice %arg2[%arg0, %dma_start3A_175, %dma_start3A_176] : memref<2x10000x64xf32, #tpu.memory_space<hbm>> -> memref<1x10000x64xf32, #tpu.memory_space<hbm>>
    %dma_start3A_178 = tpu.memref_squeeze %dma_start3A_177 : memref<1x10000x64xf32, #tpu.memory_space<hbm>> -> memref<10000x64xf32, #tpu.memory_space<hbm>>
    %dma_start3A_179 = arith.constant 0 : i32
    %dma_start3A_180 = arith.constant 0 : i32
    %dma_start3A_181 = tpu.memref_slice %dma_start3A_178[%dma_start3A_179, %dma_start3A_180] : memref<10000x64xf32, #tpu.memory_space<hbm>> -> memref<10000x64xf32, #tpu.memory_space<hbm>>
    tpu.enqueue_indirect_dma source(%dma_start3A_181 : memref<10000x64xf32, #tpu.memory_space<hbm>>) target(%arg10 : memref<80x64xf32, #tpu.memory_space<vmem>>) offsets(%dma_start3A_174 : memref<80xi32, #tpu.memory_space<vmem>>) semaphore(%arg17 : memref<!tpu.dma_semaphore, #tpu.memory_space<semaphore_mem>>)
    %run_scoped3A_182 = arith.constant 244 : i32
    "tpu.region"() ({
      %run_scoped3A_249 = tpu.sem_alloc : memref<!tpu.dma_semaphore, #tpu.memory_space<semaphore_mem>>
      %dma_start3A_250 = arith.constant 0 : i32
      %dma_start3A_251 = tpu.memref_slice %arg6[%run_scoped3A_182, %dma_start3A_250] : memref<250x80xi32, #tpu.memory_space<vmem>> -> memref<1x80xi32, #tpu.memory_space<vmem>>
      %dma_start3A_252 = tpu.memref_squeeze %dma_start3A_251 : memref<1x80xi32, #tpu.memory_space<vmem>> -> memref<80xi32, #tpu.memory_space<vmem>>
      %dma_start3A_253 = arith.constant 0 : i32
      %dma_start3A_254 = arith.constant 0 : i32
      %dma_start3A_255 = tpu.memref_slice %arg13[%dma_start3A_253, %dma_start3A_254] : memref<10000x64xf32, #tpu.memory_space<vmem_shared>> -> memref<10000x64xf32, #tpu.memory_space<vmem_shared>>
      tpu.enqueue_indirect_dma source(%arg11 : memref<80x64xf32, #tpu.memory_space<vmem>>) target(%dma_start3A_255 : memref<10000x64xf32, #tpu.memory_space<vmem_shared>>) offsets(%dma_start3A_252 : memref<80xi32, #tpu.memory_space<vmem>>) semaphore(%run_scoped3A_249 : memref<!tpu.dma_semaphore, #tpu.memory_space<semaphore_mem>>) {add = true}
      %dma_wait3A_256 = arith.constant 0 : i32
      %dma_wait3A_257 = tpu.memref_slice %arg6[%run_scoped3A_182, %dma_wait3A_256] : memref<250x80xi32, #tpu.memory_space<vmem>> -> memref<1x80xi32, #tpu.memory_space<vmem>>
      %dma_wait3A_258 = tpu.memref_squeeze %dma_wait3A_257 : memref<1x80xi32, #tpu.memory_space<vmem>> -> memref<80xi32, #tpu.memory_space<vmem>>
      %dma_wait3A_259 = arith.constant 0 : i32
      %dma_wait3A_260 = arith.constant 0 : i32
      %dma_wait3A_261 = tpu.memref_slice %arg13[%dma_wait3A_259, %dma_wait3A_260] : memref<10000x64xf32, #tpu.memory_space<vmem_shared>> -> memref<10000x64xf32, #tpu.memory_space<vmem_shared>>
      tpu.wait_indirect_dma semaphore(%run_scoped3A_249 : memref<!tpu.dma_semaphore, #tpu.memory_space<semaphore_mem>>) src(%arg11 : memref<80x64xf32, #tpu.memory_space<vmem>>) dst(%dma_wait3A_261 : memref<10000x64xf32, #tpu.memory_space<vmem_shared>>)
      tpu.yield
    }) : () -> ()
    %dma_wait3A_183 = arith.constant 245 : i32
    %dma_wait3A_184 = arith.constant 0 : i32
    %dma_wait3A_185 = tpu.memref_slice %arg5[%dma_wait3A_183, %dma_wait3A_184] : memref<250x80xi32, #tpu.memory_space<vmem>> -> memref<1x80xi32, #tpu.memory_space<vmem>>
    %dma_wait3A_186 = tpu.memref_squeeze %dma_wait3A_185 : memref<1x80xi32, #tpu.memory_space<vmem>> -> memref<80xi32, #tpu.memory_space<vmem>>
    %dma_wait3A_187 = arith.constant 0 : i32
    %dma_wait3A_188 = arith.constant 0 : i32
    %dma_wait3A_189 = tpu.memref_slice %arg2[%arg0, %dma_wait3A_187, %dma_wait3A_188] : memref<2x10000x64xf32, #tpu.memory_space<hbm>> -> memref<1x10000x64xf32, #tpu.memory_space<hbm>>
    %dma_wait3A_190 = tpu.memref_squeeze %dma_wait3A_189 : memref<1x10000x64xf32, #tpu.memory_space<hbm>> -> memref<10000x64xf32, #tpu.memory_space<hbm>>
    %dma_wait3A_191 = arith.constant 0 : i32
    %dma_wait3A_192 = arith.constant 0 : i32
    %dma_wait3A_193 = tpu.memref_slice %dma_wait3A_190[%dma_wait3A_191, %dma_wait3A_192] : memref<10000x64xf32, #tpu.memory_space<hbm>> -> memref<10000x64xf32, #tpu.memory_space<hbm>>
    tpu.wait_indirect_dma semaphore(%arg19 : memref<!tpu.dma_semaphore, #tpu.memory_space<semaphore_mem>>) src(%dma_wait3A_193 : memref<10000x64xf32, #tpu.memory_space<hbm>>) dst(%arg12 : memref<80x64xf32, #tpu.memory_space<vmem>>)
    %run_scoped3A_194 = arith.constant 245 : i32
    "tpu.region"() ({
      %run_scoped3A_249 = tpu.sem_alloc : memref<!tpu.dma_semaphore, #tpu.memory_space<semaphore_mem>>
      %dma_start3A_250 = arith.constant 0 : i32
      %dma_start3A_251 = tpu.memref_slice %arg6[%run_scoped3A_194, %dma_start3A_250] : memref<250x80xi32, #tpu.memory_space<vmem>> -> memref<1x80xi32, #tpu.memory_space<vmem>>
      %dma_start3A_252 = tpu.memref_squeeze %dma_start3A_251 : memref<1x80xi32, #tpu.memory_space<vmem>> -> memref<80xi32, #tpu.memory_space<vmem>>
      %dma_start3A_253 = arith.constant 0 : i32
      %dma_start3A_254 = arith.constant 0 : i32
      %dma_start3A_255 = tpu.memref_slice %arg13[%dma_start3A_253, %dma_start3A_254] : memref<10000x64xf32, #tpu.memory_space<vmem_shared>> -> memref<10000x64xf32, #tpu.memory_space<vmem_shared>>
      tpu.enqueue_indirect_dma source(%arg12 : memref<80x64xf32, #tpu.memory_space<vmem>>) target(%dma_start3A_255 : memref<10000x64xf32, #tpu.memory_space<vmem_shared>>) offsets(%dma_start3A_252 : memref<80xi32, #tpu.memory_space<vmem>>) semaphore(%run_scoped3A_249 : memref<!tpu.dma_semaphore, #tpu.memory_space<semaphore_mem>>) {add = true}
      %dma_wait3A_256 = arith.constant 0 : i32
      %dma_wait3A_257 = tpu.memref_slice %arg6[%run_scoped3A_194, %dma_wait3A_256] : memref<250x80xi32, #tpu.memory_space<vmem>> -> memref<1x80xi32, #tpu.memory_space<vmem>>
      %dma_wait3A_258 = tpu.memref_squeeze %dma_wait3A_257 : memref<1x80xi32, #tpu.memory_space<vmem>> -> memref<80xi32, #tpu.memory_space<vmem>>
      %dma_wait3A_259 = arith.constant 0 : i32
      %dma_wait3A_260 = arith.constant 0 : i32
      %dma_wait3A_261 = tpu.memref_slice %arg13[%dma_wait3A_259, %dma_wait3A_260] : memref<10000x64xf32, #tpu.memory_space<vmem_shared>> -> memref<10000x64xf32, #tpu.memory_space<vmem_shared>>
      tpu.wait_indirect_dma semaphore(%run_scoped3A_249 : memref<!tpu.dma_semaphore, #tpu.memory_space<semaphore_mem>>) src(%arg12 : memref<80x64xf32, #tpu.memory_space<vmem>>) dst(%dma_wait3A_261 : memref<10000x64xf32, #tpu.memory_space<vmem_shared>>)
      tpu.yield
    }) : () -> ()
    %dma_wait3A_195 = arith.constant 246 : i32
    %dma_wait3A_196 = arith.constant 0 : i32
    %dma_wait3A_197 = tpu.memref_slice %arg5[%dma_wait3A_195, %dma_wait3A_196] : memref<250x80xi32, #tpu.memory_space<vmem>> -> memref<1x80xi32, #tpu.memory_space<vmem>>
    %dma_wait3A_198 = tpu.memref_squeeze %dma_wait3A_197 : memref<1x80xi32, #tpu.memory_space<vmem>> -> memref<80xi32, #tpu.memory_space<vmem>>
    %dma_wait3A_199 = arith.constant 0 : i32
    %dma_wait3A_200 = arith.constant 0 : i32
    %dma_wait3A_201 = tpu.memref_slice %arg2[%arg0, %dma_wait3A_199, %dma_wait3A_200] : memref<2x10000x64xf32, #tpu.memory_space<hbm>> -> memref<1x10000x64xf32, #tpu.memory_space<hbm>>
    %dma_wait3A_202 = tpu.memref_squeeze %dma_wait3A_201 : memref<1x10000x64xf32, #tpu.memory_space<hbm>> -> memref<10000x64xf32, #tpu.memory_space<hbm>>
    %dma_wait3A_203 = arith.constant 0 : i32
    %dma_wait3A_204 = arith.constant 0 : i32
    %dma_wait3A_205 = tpu.memref_slice %dma_wait3A_202[%dma_wait3A_203, %dma_wait3A_204] : memref<10000x64xf32, #tpu.memory_space<hbm>> -> memref<10000x64xf32, #tpu.memory_space<hbm>>
    tpu.wait_indirect_dma semaphore(%arg14 : memref<!tpu.dma_semaphore, #tpu.memory_space<semaphore_mem>>) src(%dma_wait3A_205 : memref<10000x64xf32, #tpu.memory_space<hbm>>) dst(%arg7 : memref<80x64xf32, #tpu.memory_space<vmem>>)
    %run_scoped3A_206 = arith.constant 246 : i32
    "tpu.region"() ({
      %run_scoped3A_249 = tpu.sem_alloc : memref<!tpu.dma_semaphore, #tpu.memory_space<semaphore_mem>>
      %dma_start3A_250 = arith.constant 0 : i32
      %dma_start3A_251 = tpu.memref_slice %arg6[%run_scoped3A_206, %dma_start3A_250] : memref<250x80xi32, #tpu.memory_space<vmem>> -> memref<1x80xi32, #tpu.memory_space<vmem>>
      %dma_start3A_252 = tpu.memref_squeeze %dma_start3A_251 : memref<1x80xi32, #tpu.memory_space<vmem>> -> memref<80xi32, #tpu.memory_space<vmem>>
      %dma_start3A_253 = arith.constant 0 : i32
      %dma_start3A_254 = arith.constant 0 : i32
      %dma_start3A_255 = tpu.memref_slice %arg13[%dma_start3A_253, %dma_start3A_254] : memref<10000x64xf32, #tpu.memory_space<vmem_shared>> -> memref<10000x64xf32, #tpu.memory_space<vmem_shared>>
      tpu.enqueue_indirect_dma source(%arg7 : memref<80x64xf32, #tpu.memory_space<vmem>>) target(%dma_start3A_255 : memref<10000x64xf32, #tpu.memory_space<vmem_shared>>) offsets(%dma_start3A_252 : memref<80xi32, #tpu.memory_space<vmem>>) semaphore(%run_scoped3A_249 : memref<!tpu.dma_semaphore, #tpu.memory_space<semaphore_mem>>) {add = true}
      %dma_wait3A_256 = arith.constant 0 : i32
      %dma_wait3A_257 = tpu.memref_slice %arg6[%run_scoped3A_206, %dma_wait3A_256] : memref<250x80xi32, #tpu.memory_space<vmem>> -> memref<1x80xi32, #tpu.memory_space<vmem>>
      %dma_wait3A_258 = tpu.memref_squeeze %dma_wait3A_257 : memref<1x80xi32, #tpu.memory_space<vmem>> -> memref<80xi32, #tpu.memory_space<vmem>>
      %dma_wait3A_259 = arith.constant 0 : i32
      %dma_wait3A_260 = arith.constant 0 : i32
      %dma_wait3A_261 = tpu.memref_slice %arg13[%dma_wait3A_259, %dma_wait3A_260] : memref<10000x64xf32, #tpu.memory_space<vmem_shared>> -> memref<10000x64xf32, #tpu.memory_space<vmem_shared>>
      tpu.wait_indirect_dma semaphore(%run_scoped3A_249 : memref<!tpu.dma_semaphore, #tpu.memory_space<semaphore_mem>>) src(%arg7 : memref<80x64xf32, #tpu.memory_space<vmem>>) dst(%dma_wait3A_261 : memref<10000x64xf32, #tpu.memory_space<vmem_shared>>)
      tpu.yield
    }) : () -> ()
    %dma_wait3A_207 = arith.constant 247 : i32
    %dma_wait3A_208 = arith.constant 0 : i32
    %dma_wait3A_209 = tpu.memref_slice %arg5[%dma_wait3A_207, %dma_wait3A_208] : memref<250x80xi32, #tpu.memory_space<vmem>> -> memref<1x80xi32, #tpu.memory_space<vmem>>
    %dma_wait3A_210 = tpu.memref_squeeze %dma_wait3A_209 : memref<1x80xi32, #tpu.memory_space<vmem>> -> memref<80xi32, #tpu.memory_space<vmem>>
    %dma_wait3A_211 = arith.constant 0 : i32
    %dma_wait3A_212 = arith.constant 0 : i32
    %dma_wait3A_213 = tpu.memref_slice %arg2[%arg0, %dma_wait3A_211, %dma_wait3A_212] : memref<2x10000x64xf32, #tpu.memory_space<hbm>> -> memref<1x10000x64xf32, #tpu.memory_space<hbm>>
    %dma_wait3A_214 = tpu.memref_squeeze %dma_wait3A_213 : memref<1x10000x64xf32, #tpu.memory_space<hbm>> -> memref<10000x64xf32, #tpu.memory_space<hbm>>
    %dma_wait3A_215 = arith.constant 0 : i32
    %dma_wait3A_216 = arith.constant 0 : i32
    %dma_wait3A_217 = tpu.memref_slice %dma_wait3A_214[%dma_wait3A_215, %dma_wait3A_216] : memref<10000x64xf32, #tpu.memory_space<hbm>> -> memref<10000x64xf32, #tpu.memory_space<hbm>>
    tpu.wait_indirect_dma semaphore(%arg15 : memref<!tpu.dma_semaphore, #tpu.memory_space<semaphore_mem>>) src(%dma_wait3A_217 : memref<10000x64xf32, #tpu.memory_space<hbm>>) dst(%arg8 : memref<80x64xf32, #tpu.memory_space<vmem>>)
    %run_scoped3A_218 = arith.constant 247 : i32
    "tpu.region"() ({
      %run_scoped3A_249 = tpu.sem_alloc : memref<!tpu.dma_semaphore, #tpu.memory_space<semaphore_mem>>
      %dma_start3A_250 = arith.constant 0 : i32
      %dma_start3A_251 = tpu.memref_slice %arg6[%run_scoped3A_218, %dma_start3A_250] : memref<250x80xi32, #tpu.memory_space<vmem>> -> memref<1x80xi32, #tpu.memory_space<vmem>>
      %dma_start3A_252 = tpu.memref_squeeze %dma_start3A_251 : memref<1x80xi32, #tpu.memory_space<vmem>> -> memref<80xi32, #tpu.memory_space<vmem>>
      %dma_start3A_253 = arith.constant 0 : i32
      %dma_start3A_254 = arith.constant 0 : i32
      %dma_start3A_255 = tpu.memref_slice %arg13[%dma_start3A_253, %dma_start3A_254] : memref<10000x64xf32, #tpu.memory_space<vmem_shared>> -> memref<10000x64xf32, #tpu.memory_space<vmem_shared>>
      tpu.enqueue_indirect_dma source(%arg8 : memref<80x64xf32, #tpu.memory_space<vmem>>) target(%dma_start3A_255 : memref<10000x64xf32, #tpu.memory_space<vmem_shared>>) offsets(%dma_start3A_252 : memref<80xi32, #tpu.memory_space<vmem>>) semaphore(%run_scoped3A_249 : memref<!tpu.dma_semaphore, #tpu.memory_space<semaphore_mem>>) {add = true}
      %dma_wait3A_256 = arith.constant 0 : i32
      %dma_wait3A_257 = tpu.memref_slice %arg6[%run_scoped3A_218, %dma_wait3A_256] : memref<250x80xi32, #tpu.memory_space<vmem>> -> memref<1x80xi32, #tpu.memory_space<vmem>>
      %dma_wait3A_258 = tpu.memref_squeeze %dma_wait3A_257 : memref<1x80xi32, #tpu.memory_space<vmem>> -> memref<80xi32, #tpu.memory_space<vmem>>
      %dma_wait3A_259 = arith.constant 0 : i32
      %dma_wait3A_260 = arith.constant 0 : i32
      %dma_wait3A_261 = tpu.memref_slice %arg13[%dma_wait3A_259, %dma_wait3A_260] : memref<10000x64xf32, #tpu.memory_space<vmem_shared>> -> memref<10000x64xf32, #tpu.memory_space<vmem_shared>>
      tpu.wait_indirect_dma semaphore(%run_scoped3A_249 : memref<!tpu.dma_semaphore, #tpu.memory_space<semaphore_mem>>) src(%arg8 : memref<80x64xf32, #tpu.memory_space<vmem>>) dst(%dma_wait3A_261 : memref<10000x64xf32, #tpu.memory_space<vmem_shared>>)
      tpu.yield
    }) : () -> ()
    %dma_wait3A_219 = arith.constant 248 : i32
    %dma_wait3A_220 = arith.constant 0 : i32
    %dma_wait3A_221 = tpu.memref_slice %arg5[%dma_wait3A_219, %dma_wait3A_220] : memref<250x80xi32, #tpu.memory_space<vmem>> -> memref<1x80xi32, #tpu.memory_space<vmem>>
    %dma_wait3A_222 = tpu.memref_squeeze %dma_wait3A_221 : memref<1x80xi32, #tpu.memory_space<vmem>> -> memref<80xi32, #tpu.memory_space<vmem>>
    %dma_wait3A_223 = arith.constant 0 : i32
    %dma_wait3A_224 = arith.constant 0 : i32
    %dma_wait3A_225 = tpu.memref_slice %arg2[%arg0, %dma_wait3A_223, %dma_wait3A_224] : memref<2x10000x64xf32, #tpu.memory_space<hbm>> -> memref<1x10000x64xf32, #tpu.memory_space<hbm>>
    %dma_wait3A_226 = tpu.memref_squeeze %dma_wait3A_225 : memref<1x10000x64xf32, #tpu.memory_space<hbm>> -> memref<10000x64xf32, #tpu.memory_space<hbm>>
    %dma_wait3A_227 = arith.constant 0 : i32
    %dma_wait3A_228 = arith.constant 0 : i32
    %dma_wait3A_229 = tpu.memref_slice %dma_wait3A_226[%dma_wait3A_227, %dma_wait3A_228] : memref<10000x64xf32, #tpu.memory_space<hbm>> -> memref<10000x64xf32, #tpu.memory_space<hbm>>
    tpu.wait_indirect_dma semaphore(%arg16 : memref<!tpu.dma_semaphore, #tpu.memory_space<semaphore_mem>>) src(%dma_wait3A_229 : memref<10000x64xf32, #tpu.memory_space<hbm>>) dst(%arg9 : memref<80x64xf32, #tpu.memory_space<vmem>>)
    %run_scoped3A_230 = arith.constant 248 : i32
    "tpu.region"() ({
      %run_scoped3A_249 = tpu.sem_alloc : memref<!tpu.dma_semaphore, #tpu.memory_space<semaphore_mem>>
      %dma_start3A_250 = arith.constant 0 : i32
      %dma_start3A_251 = tpu.memref_slice %arg6[%run_scoped3A_230, %dma_start3A_250] : memref<250x80xi32, #tpu.memory_space<vmem>> -> memref<1x80xi32, #tpu.memory_space<vmem>>
      %dma_start3A_252 = tpu.memref_squeeze %dma_start3A_251 : memref<1x80xi32, #tpu.memory_space<vmem>> -> memref<80xi32, #tpu.memory_space<vmem>>
      %dma_start3A_253 = arith.constant 0 : i32
      %dma_start3A_254 = arith.constant 0 : i32
      %dma_start3A_255 = tpu.memref_slice %arg13[%dma_start3A_253, %dma_start3A_254] : memref<10000x64xf32, #tpu.memory_space<vmem_shared>> -> memref<10000x64xf32, #tpu.memory_space<vmem_shared>>
      tpu.enqueue_indirect_dma source(%arg9 : memref<80x64xf32, #tpu.memory_space<vmem>>) target(%dma_start3A_255 : memref<10000x64xf32, #tpu.memory_space<vmem_shared>>) offsets(%dma_start3A_252 : memref<80xi32, #tpu.memory_space<vmem>>) semaphore(%run_scoped3A_249 : memref<!tpu.dma_semaphore, #tpu.memory_space<semaphore_mem>>) {add = true}
      %dma_wait3A_256 = arith.constant 0 : i32
      %dma_wait3A_257 = tpu.memref_slice %arg6[%run_scoped3A_230, %dma_wait3A_256] : memref<250x80xi32, #tpu.memory_space<vmem>> -> memref<1x80xi32, #tpu.memory_space<vmem>>
      %dma_wait3A_258 = tpu.memref_squeeze %dma_wait3A_257 : memref<1x80xi32, #tpu.memory_space<vmem>> -> memref<80xi32, #tpu.memory_space<vmem>>
      %dma_wait3A_259 = arith.constant 0 : i32
      %dma_wait3A_260 = arith.constant 0 : i32
      %dma_wait3A_261 = tpu.memref_slice %arg13[%dma_wait3A_259, %dma_wait3A_260] : memref<10000x64xf32, #tpu.memory_space<vmem_shared>> -> memref<10000x64xf32, #tpu.memory_space<vmem_shared>>
      tpu.wait_indirect_dma semaphore(%run_scoped3A_249 : memref<!tpu.dma_semaphore, #tpu.memory_space<semaphore_mem>>) src(%arg9 : memref<80x64xf32, #tpu.memory_space<vmem>>) dst(%dma_wait3A_261 : memref<10000x64xf32, #tpu.memory_space<vmem_shared>>)
      tpu.yield
    }) : () -> ()
    %dma_wait3A_231 = arith.constant 249 : i32
    %dma_wait3A_232 = arith.constant 0 : i32
    %dma_wait3A_233 = tpu.memref_slice %arg5[%dma_wait3A_231, %dma_wait3A_232] : memref<250x80xi32, #tpu.memory_space<vmem>> -> memref<1x80xi32, #tpu.memory_space<vmem>>
    %dma_wait3A_234 = tpu.memref_squeeze %dma_wait3A_233 : memref<1x80xi32, #tpu.memory_space<vmem>> -> memref<80xi32, #tpu.memory_space<vmem>>
    %dma_wait3A_235 = arith.constant 0 : i32
    %dma_wait3A_236 = arith.constant 0 : i32
    %dma_wait3A_237 = tpu.memref_slice %arg2[%arg0, %dma_wait3A_235, %dma_wait3A_236] : memref<2x10000x64xf32, #tpu.memory_space<hbm>> -> memref<1x10000x64xf32, #tpu.memory_space<hbm>>
    %dma_wait3A_238 = tpu.memref_squeeze %dma_wait3A_237 : memref<1x10000x64xf32, #tpu.memory_space<hbm>> -> memref<10000x64xf32, #tpu.memory_space<hbm>>
    %dma_wait3A_239 = arith.constant 0 : i32
    %dma_wait3A_240 = arith.constant 0 : i32
    %dma_wait3A_241 = tpu.memref_slice %dma_wait3A_238[%dma_wait3A_239, %dma_wait3A_240] : memref<10000x64xf32, #tpu.memory_space<hbm>> -> memref<10000x64xf32, #tpu.memory_space<hbm>>
    tpu.wait_indirect_dma semaphore(%arg17 : memref<!tpu.dma_semaphore, #tpu.memory_space<semaphore_mem>>) src(%dma_wait3A_241 : memref<10000x64xf32, #tpu.memory_space<hbm>>) dst(%arg10 : memref<80x64xf32, #tpu.memory_space<vmem>>)
    %run_scoped3A_242 = arith.constant 249 : i32
    "tpu.region"() ({
      %run_scoped3A_249 = tpu.sem_alloc : memref<!tpu.dma_semaphore, #tpu.memory_space<semaphore_mem>>
      %dma_start3A_250 = arith.constant 0 : i32
      %dma_start3A_251 = tpu.memref_slice %arg6[%run_scoped3A_242, %dma_start3A_250] : memref<250x80xi32, #tpu.memory_space<vmem>> -> memref<1x80xi32, #tpu.memory_space<vmem>>
      %dma_start3A_252 = tpu.memref_squeeze %dma_start3A_251 : memref<1x80xi32, #tpu.memory_space<vmem>> -> memref<80xi32, #tpu.memory_space<vmem>>
      %dma_start3A_253 = arith.constant 0 : i32
      %dma_start3A_254 = arith.constant 0 : i32
      %dma_start3A_255 = tpu.memref_slice %arg13[%dma_start3A_253, %dma_start3A_254] : memref<10000x64xf32, #tpu.memory_space<vmem_shared>> -> memref<10000x64xf32, #tpu.memory_space<vmem_shared>>
      tpu.enqueue_indirect_dma source(%arg10 : memref<80x64xf32, #tpu.memory_space<vmem>>) target(%dma_start3A_255 : memref<10000x64xf32, #tpu.memory_space<vmem_shared>>) offsets(%dma_start3A_252 : memref<80xi32, #tpu.memory_space<vmem>>) semaphore(%run_scoped3A_249 : memref<!tpu.dma_semaphore, #tpu.memory_space<semaphore_mem>>) {add = true}
      %dma_wait3A_256 = arith.constant 0 : i32
      %dma_wait3A_257 = tpu.memref_slice %arg6[%run_scoped3A_242, %dma_wait3A_256] : memref<250x80xi32, #tpu.memory_space<vmem>> -> memref<1x80xi32, #tpu.memory_space<vmem>>
      %dma_wait3A_258 = tpu.memref_squeeze %dma_wait3A_257 : memref<1x80xi32, #tpu.memory_space<vmem>> -> memref<80xi32, #tpu.memory_space<vmem>>
      %dma_wait3A_259 = arith.constant 0 : i32
      %dma_wait3A_260 = arith.constant 0 : i32
      %dma_wait3A_261 = tpu.memref_slice %arg13[%dma_wait3A_259, %dma_wait3A_260] : memref<10000x64xf32, #tpu.memory_space<vmem_shared>> -> memref<10000x64xf32, #tpu.memory_space<vmem_shared>>
      tpu.wait_indirect_dma semaphore(%run_scoped3A_249 : memref<!tpu.dma_semaphore, #tpu.memory_space<semaphore_mem>>) src(%arg10 : memref<80x64xf32, #tpu.memory_space<vmem>>) dst(%dma_wait3A_261 : memref<10000x64xf32, #tpu.memory_space<vmem_shared>>)
      tpu.yield
    }) : () -> ()
    %barrier3A_243 = arith.constant 0 : index
    tpu.barrier barrier_id(%barrier3A_243)
    %lt3A_244 = arith.constant 10 : i32
    %lt3A_245 = arith.cmpi slt, %arg1, %lt3A_244 : i32
    %convert_element_type3A_246 = arith.extui %lt3A_245 : i1 to i32
    %cond3A_247 = arith.constant 0 : i32
    %cond3A_248 = arith.cmpi ne, %convert_element_type3A_246, %cond3A_247 : i32
    scf.if %cond3A_248 {
      %mul3A = arith.constant 1000 : i32
      %mul3A_249 = arith.muli %arg1, %mul3A : i32
      %mul3A_250 = arith.constant 1000 : i32
      %mul3A_251 = arith.muli %arg1, %mul3A_250 : i32
      "tpu.region"() ({
        %run_scoped3A_252 = tpu.sem_alloc : memref<!tpu.dma_semaphore, #tpu.memory_space<semaphore_mem>>
        %dma_start3A_253 = arith.constant 0 : i32
        %dma_start3A_254 = tpu.memref_slice %arg4[%arg0, %mul3A_251, %dma_start3A_253] : memref<2x10000x64xf32, #tpu.memory_space<hbm>> -> memref<1x1000x64xf32, #tpu.memory_space<hbm>>
        %dma_start3A_255 = tpu.memref_squeeze %dma_start3A_254 : memref<1x1000x64xf32, #tpu.memory_space<hbm>> -> memref<1000x64xf32, #tpu.memory_space<hbm>>
        %dma_start3A_256 = arith.constant 0 : i32
        %dma_start3A_257 = tpu.memref_slice %arg13[%mul3A_249, %dma_start3A_256] : memref<10000x64xf32, #tpu.memory_space<vmem_shared>> -> memref<1000x64xf32, #tpu.memory_space<vmem_shared>>
        tpu.enqueue_dma source(%dma_start3A_257 : memref<1000x64xf32, #tpu.memory_space<vmem_shared>>) target(%dma_start3A_255 : memref<1000x64xf32, #tpu.memory_space<hbm>>) target_semaphore(%run_scoped3A_252 : memref<!tpu.dma_semaphore, #tpu.memory_space<semaphore_mem>>)
        %dma_wait3A_258 = arith.constant 0 : i32
        %dma_wait3A_259 = tpu.memref_slice %arg4[%arg0, %mul3A_251, %dma_wait3A_258] : memref<2x10000x64xf32, #tpu.memory_space<hbm>> -> memref<1x1000x64xf32, #tpu.memory_space<hbm>>
        %dma_wait3A_260 = tpu.memref_squeeze %dma_wait3A_259 : memref<1x1000x64xf32, #tpu.memory_space<hbm>> -> memref<1000x64xf32, #tpu.memory_space<hbm>>
        %dma_wait3A_261 = arith.constant 0 : i32
        %dma_wait3A_262 = tpu.memref_slice %arg13[%mul3A_249, %dma_wait3A_261] : memref<10000x64xf32, #tpu.memory_space<vmem_shared>> -> memref<1000x64xf32, #tpu.memory_space<vmem_shared>>
        tpu.wait_dma2 semaphore(%run_scoped3A_252 : memref<!tpu.dma_semaphore, #tpu.memory_space<semaphore_mem>>) src(%dma_wait3A_262 : memref<1000x64xf32, #tpu.memory_space<vmem_shared>>) dst(%dma_wait3A_260 : memref<1000x64xf32, #tpu.memory_space<hbm>>)
        tpu.yield
      }) : () -> ()
    } else {
    }
    return
  }
}

module attributes {stable_mosaic.version = 14 : i64} {
  func.func @_mm1_body(%arg0: i32, %arg1: memref<1x32x2000xf32, #tpu.memory_space<vmem>>, %arg2: memref<2000x128xf32, #tpu.memory_space<vmem>>, %arg3: memref<128x128xf32, #tpu.memory_space<vmem>>, %arg4: memref<2x2000x64xf32, #tpu.memory_space<vmem>>) attributes {dimension_semantics = [#tpu.dimension_semantics<arbitrary>], iteration_bounds = array<i64: 5>, scalar_prefetch = 0 : i64, scratch_operands = 0 : i64, tpu.core_type = #tpu.core_type<tc>, window_params = [{transform_indices = @transform_0, window_bounds = array<i64: 1, 32, 2000>}, {transform_indices = @transform_1, window_bounds = array<i64: 2000, 128>}, {pipeline_mode = #tpu.pipeline_mode<synchronous>, transform_indices = @transform_2, window_bounds = array<i64: 128, 128>}, {transform_indices = @transform_3, window_bounds = array<i64: 2, 2000, 64>}]} {
    %get3A = arith.constant 0 : index
    %get3A_0 = arith.constant 0 : index
    %get3A_1 = arith.constant 0 : index
    %get3A_2 = vector.load %arg1[%get3A, %get3A_0, %get3A_1] : memref<1x32x2000xf32, #tpu.memory_space<vmem>>, vector<1x32x2000xf32>
    %get3A_3 = vector.shape_cast %get3A_2 : vector<1x32x2000xf32> to vector<32x2000xf32>
    %reduce_sum3A = arith.constant dense<0.000000e+00> : vector<2000xf32>
    %reduce_sum3A_4 = vector.multi_reduction <add>, %get3A_3, %reduce_sum3A [0] : vector<32x2000xf32> to vector<2000xf32>
    %max3A = arith.constant 1.000000e+00 : f32
    %max3A_5 = vector.broadcast %max3A : f32 to vector<2000xf32>
    %max3A_6 = arith.maximumf %reduce_sum3A_4, %max3A_5 : vector<2000xf32>
    %rsqrt3A = math.rsqrt %max3A_6 : vector<2000xf32>
    %get3A_7 = arith.constant 0 : index
    %get3A_8 = arith.constant 0 : index
    %get3A_9 = vector.load %arg2[%get3A_7, %get3A_8] : memref<2000x128xf32, #tpu.memory_space<vmem>>, vector<2000x128xf32>
    %broadcast_in_dim3A = vector.shape_cast %rsqrt3A : vector<2000xf32> to vector<2000x1xf32>
    %mul3A = vector.broadcast %broadcast_in_dim3A : vector<2000x1xf32> to vector<2000x128xf32>
    %mul3A_10 = arith.mulf %get3A_9, %mul3A : vector<2000x128xf32>
    %get3A_11 = arith.constant 0 : index
    %get3A_12 = arith.constant 0 : index
    %get3A_13 = vector.load %arg3[%get3A_11, %get3A_12] : memref<128x128xf32, #tpu.memory_space<vmem>>, vector<128x128xf32>
    %dot_general3A = arith.constant dense<0.000000e+00> : vector<2000x128xf32>
    %dot_general3A_14 = tpu.matmul %mul3A_10, %get3A_13, %dot_general3A {dimension_numbers = #tpu.dot_dimension_numbers<[1], [0], [0], [1], [0, 0, 1, 1], [], []>, transpose_lhs_hint = false} : vector<2000x128xf32>, vector<128x128xf32>, vector<2000x128xf32> -> vector<2000x128xf32>
    %slice3A = vector.extract_strided_slice %dot_general3A_14 {offsets = [0, 0], sizes = [2000, 64], strides = [1, 1]} : vector<2000x128xf32> to vector<2000x64xf32>
    %swap3A = arith.constant 0 : index
    %swap3A_15 = arith.constant 0 : index
    %swap3A_16 = arith.constant 0 : index
    %swap3A_17 = vector.load %arg4[%swap3A, %swap3A_15, %swap3A_16] : memref<2x2000x64xf32, #tpu.memory_space<vmem>>, vector<1x2000x64xf32>
    %swap3A_18 = vector.shape_cast %swap3A_17 : vector<1x2000x64xf32> to vector<2000x64xf32>
    %swap3A_19 = vector.shape_cast %slice3A : vector<2000x64xf32> to vector<1x2000x64xf32>
    tpu.vector_store %arg4[%swap3A, %swap3A_15, %swap3A_16], %swap3A_19 {strides = array<i32>} : memref<2x2000x64xf32, #tpu.memory_space<vmem>>, vector<1x2000x64xf32>,
    %slice3A_20 = vector.extract_strided_slice %dot_general3A_14 {offsets = [0, 64], sizes = [2000, 64], strides = [1, 1]} : vector<2000x128xf32> to vector<2000x64xf32>
    %swap3A_21 = arith.constant 1 : index
    %swap3A_22 = arith.constant 0 : index
    %swap3A_23 = arith.constant 0 : index
    %swap3A_24 = vector.load %arg4[%swap3A_21, %swap3A_22, %swap3A_23] : memref<2x2000x64xf32, #tpu.memory_space<vmem>>, vector<1x2000x64xf32>
    %swap3A_25 = vector.shape_cast %swap3A_24 : vector<1x2000x64xf32> to vector<2000x64xf32>
    %swap3A_26 = vector.shape_cast %slice3A_20 : vector<2000x64xf32> to vector<1x2000x64xf32>
    tpu.vector_store %arg4[%swap3A_21, %swap3A_22, %swap3A_23], %swap3A_26 {strides = array<i32>} : memref<2x2000x64xf32, #tpu.memory_space<vmem>>, vector<1x2000x64xf32>,
    return
  }
  func.func @transform_0(%arg0: i32) -> (i32, i32, i32) {
    %c0_i32 = arith.constant 0 : i32
    %c0_i32_0 = arith.constant 0 : i32
    %c0_i32_1 = arith.constant 0 : i32
    return %arg0, %c0_i32, %c0_i32_0 : i32, i32, i32
  }
  func.func @transform_1(%arg0: i32) -> (i32, i32) {
    %c0_i32 = arith.constant 0 : i32
    %c0_i32_0 = arith.constant 0 : i32
    return %arg0, %c0_i32 : i32, i32
  }
  func.func @transform_2(%arg0: i32) -> (i32, i32) {
    %c0_i32 = arith.constant 0 : i32
    %c0_i32_0 = arith.constant 0 : i32
    %c0_i32_1 = arith.constant 0 : i32
    return %c0_i32, %c0_i32_0 : i32, i32
  }
  func.func @transform_3(%arg0: i32) -> (i32, i32, i32) {
    %c0_i32 = arith.constant 0 : i32
    %c0_i32_0 = arith.constant 0 : i32
    %c0_i32_1 = arith.constant 0 : i32
    return %c0_i32, %arg0, %c0_i32_0 : i32, i32, i32
  }
}

module attributes {stable_mosaic.version = 14 : i64} {
  func.func @_mlp_body(%arg0: i32, %arg1: memref<2x2000x64xf32, #tpu.memory_space<vmem>>, %arg2: memref<1x32x2000xf32, #tpu.memory_space<vmem>>, %arg3: memref<1x128xf32, #tpu.memory_space<vmem>>, %arg4: memref<128x128xf32, #tpu.memory_space<vmem>>, %arg5: memref<1x128xf32, #tpu.memory_space<vmem>>, %arg6: memref<128x128xf32, #tpu.memory_space<vmem>>, %arg7: memref<1x128xf32, #tpu.memory_space<vmem>>, %arg8: memref<2000x128xf32, #tpu.memory_space<vmem>>) attributes {dimension_semantics = [#tpu.dimension_semantics<arbitrary>], iteration_bounds = array<i64: 5>, scalar_prefetch = 0 : i64, scratch_operands = 0 : i64, tpu.core_type = #tpu.core_type<tc>, window_params = [{transform_indices = @transform_0, window_bounds = array<i64: 2, 2000, 64>}, {transform_indices = @transform_1, window_bounds = array<i64: 1, 32, 2000>}, {pipeline_mode = #tpu.pipeline_mode<synchronous>, transform_indices = @transform_2, window_bounds = array<i64: 1, 128>}, {pipeline_mode = #tpu.pipeline_mode<synchronous>, transform_indices = @transform_3, window_bounds = array<i64: 128, 128>}, {pipeline_mode = #tpu.pipeline_mode<synchronous>, transform_indices = @transform_4, window_bounds = array<i64: 1, 128>}, {pipeline_mode = #tpu.pipeline_mode<synchronous>, transform_indices = @transform_5, window_bounds = array<i64: 128, 128>}, {pipeline_mode = #tpu.pipeline_mode<synchronous>, transform_indices = @transform_6, window_bounds = array<i64: 1, 128>}, {transform_indices = @transform_7, window_bounds = array<i64: 2000, 128>}]} {
    %get3A = arith.constant 0 : index
    %get3A_0 = arith.constant 0 : index
    %get3A_1 = arith.constant 0 : index
    %get3A_2 = vector.load %arg1[%get3A, %get3A_0, %get3A_1] : memref<2x2000x64xf32, #tpu.memory_space<vmem>>, vector<1x2000x64xf32>
    %get3A_3 = vector.shape_cast %get3A_2 : vector<1x2000x64xf32> to vector<2000x64xf32>
    %get3A_4 = arith.constant 1 : index
    %get3A_5 = arith.constant 0 : index
    %get3A_6 = arith.constant 0 : index
    %get3A_7 = vector.load %arg1[%get3A_4, %get3A_5, %get3A_6] : memref<2x2000x64xf32, #tpu.memory_space<vmem>>, vector<1x2000x64xf32>
    %get3A_8 = vector.shape_cast %get3A_7 : vector<1x2000x64xf32> to vector<2000x64xf32>
    %concatenate3A = tpu.concatenate %get3A_3, %get3A_8 in 1 : vector<2000x64xf32>, vector<2000x64xf32> -> vector<2000x128xf32>
    %get3A_9 = arith.constant 0 : index
    %get3A_10 = arith.constant 0 : index
    %get3A_11 = arith.constant 0 : index
    %get3A_12 = vector.load %arg2[%get3A_9, %get3A_10, %get3A_11] : memref<1x32x2000xf32, #tpu.memory_space<vmem>>, vector<1x32x2000xf32>
    %get3A_13 = vector.shape_cast %get3A_12 : vector<1x32x2000xf32> to vector<32x2000xf32>
    %reduce_sum3A = arith.constant dense<0.000000e+00> : vector<2000xf32>
    %reduce_sum3A_14 = vector.multi_reduction <add>, %get3A_13, %reduce_sum3A [0] : vector<32x2000xf32> to vector<2000xf32>
    %max3A = arith.constant 1.000000e+00 : f32
    %max3A_15 = vector.broadcast %max3A : f32 to vector<2000xf32>
    %max3A_16 = arith.maximumf %reduce_sum3A_14, %max3A_15 : vector<2000xf32>
    %rsqrt3A = math.rsqrt %max3A_16 : vector<2000xf32>
    %broadcast_in_dim3A = vector.shape_cast %rsqrt3A : vector<2000xf32> to vector<2000x1xf32>
    %mul3A = vector.broadcast %broadcast_in_dim3A : vector<2000x1xf32> to vector<2000x128xf32>
    %mul3A_17 = arith.mulf %concatenate3A, %mul3A : vector<2000x128xf32>
    %get3A_18 = arith.constant 0 : index
    %get3A_19 = arith.constant 0 : index
    %get3A_20 = vector.load %arg3[%get3A_18, %get3A_19] : memref<1x128xf32, #tpu.memory_space<vmem>>, vector<1x128xf32>
    %add3A = vector.broadcast %get3A_20 : vector<1x128xf32> to vector<2000x128xf32>
    %add3A_21 = arith.addf %mul3A_17, %add3A : vector<2000x128xf32>
    %max3A_22 = arith.constant 0.000000e+00 : f32
    %max3A_23 = vector.broadcast %max3A_22 : f32 to vector<2000x128xf32>
    %max3A_24 = arith.maximumf %add3A_21, %max3A_23 : vector<2000x128xf32>
    %get3A_25 = arith.constant 0 : index
    %get3A_26 = arith.constant 0 : index
    %get3A_27 = vector.load %arg4[%get3A_25, %get3A_26] : memref<128x128xf32, #tpu.memory_space<vmem>>, vector<128x128xf32>
    %dot_general3A = arith.constant dense<0.000000e+00> : vector<2000x128xf32>
    %dot_general3A_28 = tpu.matmul %max3A_24, %get3A_27, %dot_general3A {dimension_numbers = #tpu.dot_dimension_numbers<[1], [0], [0], [1], [0, 0, 1, 1], [], []>, transpose_lhs_hint = false} : vector<2000x128xf32>, vector<128x128xf32>, vector<2000x128xf32> -> vector<2000x128xf32>
    %get3A_29 = arith.constant 0 : index
    %get3A_30 = arith.constant 0 : index
    %get3A_31 = vector.load %arg5[%get3A_29, %get3A_30] : memref<1x128xf32, #tpu.memory_space<vmem>>, vector<1x128xf32>
    %add3A_32 = vector.broadcast %get3A_31 : vector<1x128xf32> to vector<2000x128xf32>
    %add3A_33 = arith.addf %dot_general3A_28, %add3A_32 : vector<2000x128xf32>
    %max3A_34 = arith.constant 0.000000e+00 : f32
    %max3A_35 = vector.broadcast %max3A_34 : f32 to vector<2000x128xf32>
    %max3A_36 = arith.maximumf %add3A_33, %max3A_35 : vector<2000x128xf32>
    %get3A_37 = arith.constant 0 : index
    %get3A_38 = arith.constant 0 : index
    %get3A_39 = vector.load %arg6[%get3A_37, %get3A_38] : memref<128x128xf32, #tpu.memory_space<vmem>>, vector<128x128xf32>
    %dot_general3A_40 = arith.constant dense<0.000000e+00> : vector<2000x128xf32>
    %dot_general3A_41 = tpu.matmul %max3A_36, %get3A_39, %dot_general3A_40 {dimension_numbers = #tpu.dot_dimension_numbers<[1], [0], [0], [1], [0, 0, 1, 1], [], []>, transpose_lhs_hint = false} : vector<2000x128xf32>, vector<128x128xf32>, vector<2000x128xf32> -> vector<2000x128xf32>
    %get3A_42 = arith.constant 0 : index
    %get3A_43 = arith.constant 0 : index
    %get3A_44 = vector.load %arg7[%get3A_42, %get3A_43] : memref<1x128xf32, #tpu.memory_space<vmem>>, vector<1x128xf32>
    %add3A_45 = vector.broadcast %get3A_44 : vector<1x128xf32> to vector<2000x128xf32>
    %add3A_46 = arith.addf %dot_general3A_41, %add3A_45 : vector<2000x128xf32>
    %swap3A = arith.constant 0 : index
    %swap3A_47 = arith.constant 0 : index
    %swap3A_48 = vector.load %arg8[%swap3A, %swap3A_47] : memref<2000x128xf32, #tpu.memory_space<vmem>>, vector<2000x128xf32>
    tpu.vector_store %arg8[%swap3A, %swap3A_47], %add3A_46 {strides = array<i32>} : memref<2000x128xf32, #tpu.memory_space<vmem>>, vector<2000x128xf32>,
    return
  }
  func.func @transform_0(%arg0: i32) -> (i32, i32, i32) {
    %c0_i32 = arith.constant 0 : i32
    %c0_i32_0 = arith.constant 0 : i32
    %c0_i32_1 = arith.constant 0 : i32
    return %c0_i32, %arg0, %c0_i32_0 : i32, i32, i32
  }
  func.func @transform_1(%arg0: i32) -> (i32, i32, i32) {
    %c0_i32 = arith.constant 0 : i32
    %c0_i32_0 = arith.constant 0 : i32
    %c0_i32_1 = arith.constant 0 : i32
    return %arg0, %c0_i32, %c0_i32_0 : i32, i32, i32
  }
  func.func @transform_2(%arg0: i32) -> (i32, i32) {
    %c0_i32 = arith.constant 0 : i32
    %c0_i32_0 = arith.constant 0 : i32
    %c0_i32_1 = arith.constant 0 : i32
    return %c0_i32, %c0_i32_0 : i32, i32
  }
  func.func @transform_3(%arg0: i32) -> (i32, i32) {
    %c0_i32 = arith.constant 0 : i32
    %c0_i32_0 = arith.constant 0 : i32
    %c0_i32_1 = arith.constant 0 : i32
    return %c0_i32, %c0_i32_0 : i32, i32
  }
  func.func @transform_4(%arg0: i32) -> (i32, i32) {
    %c0_i32 = arith.constant 0 : i32
    %c0_i32_0 = arith.constant 0 : i32
    %c0_i32_1 = arith.constant 0 : i32
    return %c0_i32, %c0_i32_0 : i32, i32
  }
  func.func @transform_5(%arg0: i32) -> (i32, i32) {
    %c0_i32 = arith.constant 0 : i32
    %c0_i32_0 = arith.constant 0 : i32
    %c0_i32_1 = arith.constant 0 : i32
    return %c0_i32, %c0_i32_0 : i32, i32
  }
  func.func @transform_6(%arg0: i32) -> (i32, i32) {
    %c0_i32 = arith.constant 0 : i32
    %c0_i32_0 = arith.constant 0 : i32
    %c0_i32_1 = arith.constant 0 : i32
    return %c0_i32, %c0_i32_0 : i32, i32
  }
  func.func @transform_7(%arg0: i32) -> (i32, i32) {
    %c0_i32 = arith.constant 0 : i32
    %c0_i32_0 = arith.constant 0 : i32
    return %arg0, %c0_i32 : i32, i32
  }
}

</mosaic_0001>

<sc_bundles>
// kernel: kernel.6.cloned.1.call-start
scs
__scs_entry_jumppad:
0x0: {  	(pc) =	sbr.rel $0x88, $3  }
0x1: {  	(tag) =	ssettag $0x0;
	lr =	simm.s32 $0x1  }
0x2: {  	[smem:$0x3F99] =	sst lr;
	_ =	strace $0xD0000000  }
0x3: {  	_ = 	snop  }
0x4: {  	_ = 	snop  }
0x5: {  	_ = 	snop  }
0x6: {  	_ = 	snop  }
0x7: {  	_ = 	snop  }
__scs_overlays_trampoline_lowered:
0x8: {  	[smem:$0x3FA8] =	sst s0  }
0x9: {  	[smem:$0x3FA9] =	sst s1  }
0xa: {  	[smem:$0x3FAA] =	sst s2  }
0xb: {  	[smem:$0x3FAB] =	sst s3  }
0xc: {  	[smem:$0x3FAC] =	sst s4  }
0xd: {  	[smem:$0x3FAD] =	sst s5  }
0xe: {  	[smem:$0x3FAE] =	sst s6  }
0xf: {  	[smem:$0x3FAF] =	sst s7  }
0x10: {  	[smem:$0x3FB0] =	sst s8  }
0x11: {  	[smem:$0x3FB1] =	sst s9;
	s0 =	simm.s32 @!p0 $0x0  }
0x12: {  	s1 =	sld [smem:$0x3F97];
	s0 =	simm.s32 @p0 $0x1  }
0x13: {  	[smem:$0x3FB2] =	sst s0;
	s0 =	simm.s32 @!p1 $0x0  }
0x14: {  	s2 =	sld [smem:$0x3F96];
	s0 =	simm.s32 @p1 $0x1  }
0x15: {  	[smem:$0x3FB3] =	sst s0;
	s0 =	simm.s32 @!p2 $0x0  }
0x16: {  	s3 =	sld [smem:$0x3FDB];
	s0 =	simm.s32 @p2 $0x1  }
0x17: {  	s4 =	simm.s32 $0x1BF5;
	[smem:$0x3FB5] =	sst s0  }
0x18: {  	s0 =	sld [smem:$0x3F98];
	_ =	swait.ge [sflag:s4], $0x0  }
0x19: {  	s7 =	sld [smem:$0x3F99]  }
0x1a: {  	s8 =	sadd.s32 $0xFFFFE003, lr  }
0x1b: {  	s9 =	sadd.s32 $0xFFFFFEF7, lr;
	s5 =	simm.s32 $0xFFFFFFFF;
	p2 =	slt.u32 s8, $0xFFFFF086  }
0x1c: {  	p1 =	slt.u32 s9, $0xF7A;
	s5 =	simm.s32 @!p2 $0x0  }
0x1d: {  	s5 =	simm.s32 @p1 $0x1;
	p0 =	seq.s32 s7, s2  }
0x1e: {  	s7 =	smul.u32 @!p0 $0xF7A, s2;
	p2 =	seq.s32 @!p0 s5, $0x0  }
0x1f: {  	s9 =	smul.u32 $0xF7A, s1;
	s8 =	simm.s32 @!p0 $0x1BF5;
	p2 =	por !p2, p0  }
0x20: {  	[sflag:s8] =	ssyncset.s32 @!p0 $0xFFFFF086;
	s6 =	sadd.s32 @!p0 s3, s7;
	s7 =	simm.s32 @!p0 $0x108  }
0x21: {  	s3 =	sadd.s32 s3, s9;
	s6 =	sadd.s32 @!p0 $0x88, s6;
	s7 =	simm.s32 @p2 $0x1082  }
0x22: {  	[simem:s7], [sflag:s8] =	dma.local @!p0 [hbm:s6], $0xF7A  }
0x23: {  	s9 =	sor.u32 $0xD0000000, s2;
	s6 =	simm.s32 $0x108;
	_ =	swait.ge @!p0 [sflag:s8], $0x0  }
0x24: {  	s3 =	sadd.s32 $0x88, s3;
	s6 =	simm.s32 @!p1 $0x1082;
	[sflag:s4] =	ssyncset.s32 $0xFFFFF086  }
0x25: {  	[simem:s6], [sflag:s4] =	dma.local [hbm:s3], $0xF7A  }
0x26: {  	[smem:$0x3F99] =	sst s1;
	(tag) =	ssettag s2;
	_ =	strace s9  }
0x27: {  	s1 =	sld [smem:$0x3FA9]  }
0x28: {  	s2 =	sld [smem:$0x3FAA]  }
0x29: {  	s4 =	sld [smem:$0x3FAC]  }
0x2a: {  	p0 =	seq.s32 s5, $0x0;
	s5 =	sld [smem:$0x3FAD]  }
0x2b: {  	s6 =	sld [smem:$0x3FAE]  }
0x2c: {  	s7 =	sld [smem:$0x3FAF]  }
0x2d: {  	s3 =	simm.s32 $0x108;
	s8 =	sld [smem:$0x3FB0]  }
0x2e: {  	s3 =	simm.s32 @!p0 $0x1082;
	s9 =	sld [smem:$0x3FB1]  }
0x2f: {  	lr =	sadd.s32 s0, s3;
	s0 =	sld [smem:$0x3FA8]  }
0x30: {  	s3 =	sld [smem:$0x3FAB]  }
0x31: {  	[smem:$0x3FB4] =	sst s10  }
0x32: {  	s10 =	sld [smem:$0x3FB2];
	_ =	sdelay $0x3  }
0x33: {  	p0 =	seq.s32 s10, $0x1;
	s10 =	sld [smem:$0x3FB4];
	_ =	sdelay $0x3  }
0x34: {  	[smem:$0x3FB4] =	sst s10  }
0x35: {  	s10 =	sld [smem:$0x3FB3];
	_ =	sdelay $0x3  }
0x36: {  	p1 =	seq.s32 s10, $0x1;
	s10 =	sld [smem:$0x3FB4];
	_ =	sdelay $0x3  }
0x37: {  	[smem:$0x3FB4] =	sst s10  }
0x38: {  	s10 =	sld [smem:$0x3FB5]  }
0x39: {  	_ = 	snop;
	(pc) =	sbr.ind lr, $3  }
0x3a: {  	_ = 	snop  }
0x3b: {  	_ = 	snop  }
0x3c: {  	p2 =	seq.s32 s10, $0x1;
	s10 =	sld [smem:$0x3FB4]  }
0x3d: {  	_ =	shalt  }
0x3e: {  	_ =	shalt  }
0x3f: {  	_ =	shalt  }
0x40: {  	_ =	shalt  }
0x41: {  	_ =	shalt  }
0x42: {  	_ =	shalt  }
0x43: {  	_ =	shalt  }
0x44: {  	_ =	shalt  }
0x45: {  	_ =	shalt  }
0x46: {  	_ =	shalt  }
0x47: {  	_ =	shalt  }
0x48: {  	_ =	shalt  }
0x49: {  	_ =	shalt  }
0x4a: {  	_ =	shalt  }
0x4b: {  	_ =	shalt  }
0x4c: {  	_ =	shalt  }
0x4d: {  	_ =	shalt  }
0x4e: {  	_ =	shalt  }
0x4f: {  	_ =	shalt  }
0x50: {  	_ =	shalt  }
0x51: {  	_ =	shalt  }
0x52: {  	_ =	shalt  }
0x53: {  	_ =	shalt  }
0x54: {  	_ =	shalt  }
0x55: {  	_ =	shalt  }
0x56: {  	_ =	shalt  }
0x57: {  	_ =	shalt  }
0x58: {  	_ =	shalt  }
0x59: {  	_ =	shalt  }
0x5a: {  	_ =	shalt  }
0x5b: {  	_ =	shalt  }
0x5c: {  	_ =	shalt  }
0x5d: {  	_ =	shalt  }
0x5e: {  	_ =	shalt  }
0x5f: {  	_ =	shalt  }
0x60: {  	_ =	shalt  }
0x61: {  	_ =	shalt  }
0x62: {  	_ =	shalt  }
0x63: {  	_ =	shalt  }
0x64: {  	_ =	shalt  }
0x65: {  	_ =	shalt  }
0x66: {  	_ =	shalt  }
0x67: {  	_ =	shalt  }
0x68: {  	_ =	shalt  }
0x69: {  	_ =	shalt  }
0x6a: {  	_ =	shalt  }
0x6b: {  	_ =	shalt  }
0x6c: {  	_ =	shalt  }
0x6d: {  	_ =	shalt  }
0x6e: {  	_ =	shalt  }
0x6f: {  	_ =	shalt  }
0x70: {  	_ =	shalt  }
0x71: {  	_ =	shalt  }
0x72: {  	_ =	shalt  }
0x73: {  	_ =	shalt  }
0x74: {  	_ =	shalt  }
0x75: {  	_ =	shalt  }
0x76: {  	_ =	shalt  }
0x77: {  	_ =	shalt  }
0x78: {  	_ =	shalt  }
0x79: {  	_ =	shalt  }
0x7a: {  	_ =	shalt  }
0x7b: {  	_ =	shalt  }
0x7c: {  	_ =	shalt  }
0x7d: {  	_ =	shalt  }
0x7e: {  	_ =	shalt  }
0x7f: {  	_ =	shalt  }
0x80: {  	_ =	shalt  }
0x81: {  	_ =	shalt  }
0x82: {  	_ =	shalt  }
0x83: {  	_ =	shalt  }
0x84: {  	_ =	shalt  }
0x85: {  	_ =	shalt  }
0x86: {  	_ =	shalt  }
0x87: {  	_ =	shalt  }
.Lfunc_end0:
.L_simem_size_0:
called_computation_lowered:
.L_overlay_start_0:
0x88: {  	s2 =	sld [smem:$0x3FD9]  }
0x89: {  	s3 =	sld [smem:$0x3FFE];
	_ =	sdelay $0x1  }
0x8a: {  	s1 =	srdreg.scid  }
0x8b: {  	s0 =	sand.u32 $0x1, s1  }
0x8c: {  	s17 =	sshll.u32 s0, $0xA;
	s2 =	sadd.s32 s3, s2  }
0x8d: {  	s2 =	sadd.s32 s2, s17  }
0x8e: {  	[smem:$0x3FC0] =	sst s2  }
0x8f: {  	_ = 	snop  }
0x90: {  	s2 =	sld [smem:$0x3FD0];
	(tm) =	ssettm $0x1  }
0x91: {  	s18 =	sld [smem:$0x3FFB];
	_ =	sdelay $0x3  }
0x92: {  	_ =	strace s18  }
0x93: {  	s3 =	sld [smem:$0x3FFC];
	_ =	sdelay $0x3  }
0x94: {  	_ =	strace s3  }
0x95: {  	s3 =	sld [smem:$0x3FFD];
	_ =	sdelay $0x3  }
0x96: {  	_ =	strace s3  }
0x97: {  	_ =	strace $0x8FFFFFFF  }
0x98: {  	s19 =	sld [smem:$0x3FDB];
	_ =	sdelay $0x1  }
0x99: {  	s4 =	simm.s32 $_scs_section_size  }
0x9a: {  	s5 =	simm.s32 $_size__tile_overlayer_lowered;
	s6 =	simm.s32 $_tile_overlayer_lowered  }
0x9b: {  	s22 =	simm.s32 $0x1BFF;
	s21 =	sshll.u32 s6, $0x1;
	s3 =	sadd.s32 s4, s19  }
0x9c: {  	s7 =	simm.s32 $0x0;
	s20 =	sshll.u32 s5, $0x1;
	s5 =	sadd.s32 s21, s3  }
0x9d: {  	[timem:s7], [sflag:s22] =	dma.local [hbm:s5], s20  }
0x9e: {  	_ =	swait.ge [sflag:s22], s20  }
0x9f: {  	s4 =	ssub.s32 $0x0, s20;
	[sflag:s22] =	ssyncset.done $0x0  }
0xa0: {  	[sflag:s22] =	ssyncadd.s32 s4;
	_ =	sdelay $0x1  }
0xa1: {  	s23 =	simm.s32 $0x1B8B  }
0xa2: {  	_ =	swait.ge [sflag:s23], $0x1  }
0xa3: {  	[sflag:s23] =	ssyncset.done $0x0  }
0xa4: {  	s25 =	simm.s32 $0x1B8E;
	s24 =	sld [smem:$0x3FFE];
	[sflag:s23] =	ssyncadd.s32 $0xFFFFFFFF  }
0xa5: {  	s26 =	simm.s32 $execute0_lowered;
	[smem:$0x3FD2] =	sst s25  }
0xa6: {  	s5 =	sshll.u32 s26, $0x1;
	_ =	strace $0x80000046;
	[dreg:$0x1] =	wrdreg $0xFFFFFFFF  }
0xa7: {  	s28 =	simm.s32 $_size_execute0_lowered;
	s3 =	sadd.s32 s3, s5;
	[dreg:$0x0] =	wrdreg $0x0  }
0xa8: {  	s5 =	sshll.u32 s28, $0x1;
	[dreg:$0x2] =	wrdreg s3  }
0xa9: {  	[dreg:$0x3] =	wrdreg s5  }
0xaa: {  	[dreg:$0x4] =	wrdreg $0xC0  }
0xab: {  	_ =	task [dreg:s7], $0x5FFFF  }
0xac: {  	[dreg:$0x1] =	wrdreg $0xFFFFFFFF  }
0xad: {  	[dreg:$0x0] =	wrdreg $0x60  }
0xae: {  	[dreg:$0x2] =	wrdreg s24  }
0xaf: {  	[dreg:$0x3] =	wrdreg s2  }
0xb0: {  	[dreg:$0x4] =	wrdreg $0x9  }
0xb1: {  	_ =	task.clear_ibuf [dreg:s7], $0x5FFFF;
	_ =	strace $0x90000046  }
0xb2: {  	s29 =	simm.s32 $0x9;
	_ =	strace $0x80000048  }
0xb3: {  	_ =	swait.ge [sflag:s29], $0x1  }
0xb4: {  	[sflag:s29] =	ssyncadd.s32 $0xFFFFFFFF  }
0xb5: {  	_ =	strace $0x90000048  }
0xb6: {  	_ =	sfence  }
0xb7: {  	s30 =	sld [smem:$0x0];
	_ =	sdelay $0x2  }
0xb8: {  	s31 =	sshll.u32 s1, $0xD;
	s1 =	sshrl.u32 s1, $0x2  }
0xb9: {  	s3 =	sand.u32 $0x4000, s31;
	s1 =	sadd.s32 s1, s30  }
0xba: {  	s0 =	sor.u32 s3, s0;
	s1 =	sshll.u32 s1, $0x11  }
0xbb: {  	s0 =	sor.u32 s1, s0  }
0xbc: {  	s0 =	sadd.s32 $0x8F2B, s0  }
0xbd: {  	[sflag:s0] =	ssyncadd.remote.s32 $0x1  }
0xbe: {  	_ =	sfence.sel $0xFFFF  }
0xbf: {  	[dreg:$0x0] =	wrdreg $0xFFFFFFFF;
	(pc) =	sbr.abs _section_cstart, $3  }
0xc0: {  	[dreg:$0x1] =	wrdreg $0xFFFFFFFF  }
0xc1: {  	_ =	task.clear_ibuf [dreg:s7], $0x2FFFF;
	_ =	strace $0x9FFFFFFF  }
0xc2: {  	(tm) =	ssettm $0x7FFFFFFF  }
0xc3: {  	_ =	shalt  }
tec
execute0_lowered:
.L_overlay_start_1:
0x0: {  	(tag) =	ssettag $0x1  }
0x1: {  	s0 =	srdreg.scid;
	s4 =	rddreg [dreg:$0x0]  }
0x2: {  	s13 =	rddreg [dreg:$0x1];
	s2 =	simm.s32 $0x0;
	s17 =	simm.s32 $0x2710  }
0x3: {  	s18 =	simm.s32 $0x4E20;
	s19 =	simm.s32 $0x7530;
	s20 =	simm.s32 $0x55F0  }
0x4: {  	s21 =	simm.s32 $0x7D00;
	s22 =	simm.s32 $0x5DC0;
	s23 =	simm.s32 $0x84D0  }
0x5: {  	s24 =	simm.s32 $0x6590;
	s25 =	simm.s32 $0x8CA0;
	s3 =	sand.u32 $0x1, s0  }
0x6: {  	s26 =	simm.s32 $0x6D60;
	s0 =	stileid.u32;
	s1 =	sshll.u32 s3, $0x4  }
0x7: {  	s28 =	simm.s32 $0x9470;
	s29 =	simm.s32 $0x0;
	s5 =	sor.u32 s0, s1  }
0x8: {  	[smem:$0x7FF] =	sst s2;
	s3 =	ssub.s32 $0x2, s3;
	s6 =	smul.u32 $0x2710, s5  }
0x9: {  	s14 =	sadd.s32 $0x15C00, s4;
	s7 =	sshrl.u32 s3, $0x1;
	s5 =	smul.u32 $0x7D0, s5  }
0xa: {  	s1 =	rddreg [dreg:$0x2];
	_ =	strace $0x80000047;
	s15 =	ssub.s32 s3, s7  }
0xb: {  	s15 =	smax.u32 s15, $0x1;
	s6 =	sshrl.u32 s6, $0x3;
	s11 =	sshrl.u32 s5, $0x3  }
0xc: {  	s6 =	sadd.s32 s6, s4;
	s5 =	sadd.s32 s13, s11;
	s8 =	sadd.s32 $0x1F40, s11  }
0xd: {  	s10 =	sadd.s32 $0x3E80, s11;
	s12 =	sadd.s32 $0x5DC0, s11;
	s16 =	sadd.s32 $0x7D00, s11  }
0xe: {  	s3 =	sadd.s32 $0x2200, s6;
	s4 =	sadd.s32 $0xBE40, s6;
	s6 =	sadd.s32 s14, s11  }
0xf: {  	s7 =	sadd.s32 s13, s8;
	s8 =	sadd.s32 s14, s8;
	s9 =	sadd.s32 s13, s10  }
0x10: {  	s10 =	sadd.s32 s14, s10;
	s11 =	sadd.s32 s13, s12;
	s12 =	sadd.s32 s14, s12  }
0x11: {  	v0 =	vimm.f32 $0.0e+00;
	v1 =	vimm.f32 $1.000000000e+00;
	s13 =	sadd.s32 s13, s16;
	s14 =	sadd.s32 s14, s16;
	s16 =	simm.s32 $0x1  }
.LBB2_1:
0x12: {  	[tilespmem:s2], [sflag:$0x1] =	stream.linear.gather [hbm4b:s3+s2], $0x2710, $0x38;
	[tilespmem:$0x9C40] =	vst v63  }
0x13: {  	_ =	swait.ge [sflag:s16], $0x2710  }
0x14: {  	[sflag:s16] =	ssyncset.done $0x0  }
0x15: {  	[sflag:s16] =	ssyncadd.s32 $0xFFFFD8F0  }
0x16: {  	[tilespmem:s17], [sflag:$0x1] =	stream.linear.gather [hbm4b:s4+s2], $0x2710, $0x38;
	[tilespmem:$0x9C40] =	vst v63  }
0x17: {  	_ =	swait.ge [sflag:s16], $0x2710  }
0x18: {  	[sflag:s16] =	ssyncset.done $0x0  }
0x19: {  	s30 =	simm.s32 $0x0;
	[sflag:s16] =	ssyncadd.s32 $0xFFFFD8F0  }
.LBB2_2:
0x1a: {  	p0 =	sne.s32 s30, $0x9C00  }
.Ltmp0:
0x1b: {  	_ = 	snop;
	(pc) =	sbr.rel @p0 .LBB2_2-.Ltmp0, $4  }
0x1c: {  	_ = 	snop  }
0x1d: {  	s31 =	sshra.s32 s30, $0x2  }
0x1e: {  	[tilespmem:s31+$0x4E20] =	vst v0  }
0x1f: {  	s30 =	sadd.s32 $0x40, s30;
	[tilespmem:s31+$0x7530] =	vst v0  }
0x20: {  	s31 =	simm.s32 $0x0;
	s30 =	simm.s32 $0x40  }
.LBB2_4:
0x21: {  	p0 =	sne.s32 s30, $0x9C00;
	v2 =	vld [tilespmem:s31+$0x0];
	_ =	sdelay $0x7  }
0x22: {  	[tilespmem:v2+s18+$0x0] =	vst.idx.add.f32.msk $0xffff, v1  }
0x23: {  	v2 =	vld [tilespmem:s31+$0x2710];
	_ =	sdelay $0x3  }
.Ltmp1:
0x24: {  	(pc) =	sbr.rel @p0 .LBB2_4-.Ltmp1, $2  }
0x25: {  	_ =	sdelay $0x2  }
0x26: {  	s31 =	sshra.s32 s30, $0x2;
	s30 =	sadd.s32 $0x40, s30;
	[tilespmem:v2+s19+$0x0] =	vst.idx.add.f32.msk $0xffff, v1  }
0x27: {  	v2 =	vld [tilespmem:s31+$0x0];
	_ =	sdelay $0x7  }
0x28: {  	[tilespmem:v2+s18+$0x0] =	vst.idx.add.f32.msk $0xffff, v1  }
0x29: {  	v2 =	vld [tilespmem:s31+$0x2710];
	_ =	sdelay $0x7  }
0x2a: {  	[tilespmem:v2+s19+$0x0] =	vst.idx.add.f32.msk $0xffff, v1  }
0x2b: {  	[hbm4b:s5+s2] =	stream.linear.scatter [tilespmem:s18], [sflag:$0x1], $0x7D0, $0x38;
	[tilespmem:$0x9C40] =	vst v63  }
0x2c: {  	_ =	swait.ge [sflag:s16], $0x7D0  }
0x2d: {  	[sflag:s16] =	ssyncset.done $0x0  }
0x2e: {  	[sflag:s16] =	ssyncadd.s32 $0xFFFFF830  }
0x2f: {  	[hbm4b:s6+s2] =	stream.linear.scatter [tilespmem:s19], [sflag:$0x1], $0x7D0, $0x38;
	[tilespmem:$0x9C40] =	vst v63  }
0x30: {  	_ =	swait.ge [sflag:s16], $0x7D0  }
0x31: {  	[sflag:s16] =	ssyncset.done $0x0  }
0x32: {  	[sflag:s16] =	ssyncadd.s32 $0xFFFFF830  }
0x33: {  	[hbm4b:s7+s2] =	stream.linear.scatter [tilespmem:s20], [sflag:$0x1], $0x7D0, $0x38;
	[tilespmem:$0x9C40] =	vst v63  }
0x34: {  	_ =	swait.ge [sflag:s16], $0x7D0  }
0x35: {  	[sflag:s16] =	ssyncset.done $0x0  }
0x36: {  	[sflag:s16] =	ssyncadd.s32 $0xFFFFF830  }
0x37: {  	[hbm4b:s8+s2] =	stream.linear.scatter [tilespmem:s21], [sflag:$0x1], $0x7D0, $0x38;
	[tilespmem:$0x9C40] =	vst v63  }
0x38: {  	_ =	swait.ge [sflag:s16], $0x7D0  }
0x39: {  	[sflag:s16] =	ssyncset.done $0x0  }
0x3a: {  	[sflag:s16] =	ssyncadd.s32 $0xFFFFF830  }
0x3b: {  	[hbm4b:s9+s2] =	stream.linear.scatter [tilespmem:s22], [sflag:$0x1], $0x7D0, $0x38;
	[tilespmem:$0x9C40] =	vst v63  }
0x3c: {  	_ =	swait.ge [sflag:s16], $0x7D0  }
0x3d: {  	[sflag:s16] =	ssyncset.done $0x0  }
0x3e: {  	[sflag:s16] =	ssyncadd.s32 $0xFFFFF830  }
0x3f: {  	[hbm4b:s10+s2] =	stream.linear.scatter [tilespmem:s23], [sflag:$0x1], $0x7D0, $0x38;
	[tilespmem:$0x9C40] =	vst v63  }
0x40: {  	_ =	swait.ge [sflag:s16], $0x7D0  }
0x41: {  	[sflag:s16] =	ssyncset.done $0x0  }
0x42: {  	[sflag:s16] =	ssyncadd.s32 $0xFFFFF830  }
0x43: {  	[hbm4b:s11+s2] =	stream.linear.scatter [tilespmem:s24], [sflag:$0x1], $0x7D0, $0x38;
	[tilespmem:$0x9C40] =	vst v63  }
0x44: {  	_ =	swait.ge [sflag:s16], $0x7D0  }
0x45: {  	[sflag:s16] =	ssyncset.done $0x0  }
0x46: {  	[sflag:s16] =	ssyncadd.s32 $0xFFFFF830  }
0x47: {  	[hbm4b:s12+s2] =	stream.linear.scatter [tilespmem:s25], [sflag:$0x1], $0x7D0, $0x38;
	[tilespmem:$0x9C40] =	vst v63  }
0x48: {  	_ =	swait.ge [sflag:s16], $0x7D0  }
0x49: {  	[sflag:s16] =	ssyncset.done $0x0  }
0x4a: {  	[sflag:s16] =	ssyncadd.s32 $0xFFFFF830  }
0x4b: {  	[hbm4b:s13+s2] =	stream.linear.scatter [tilespmem:s26], [sflag:$0x1], $0x7D0, $0x38;
	[tilespmem:$0x9C40] =	vst v63  }
0x4c: {  	s29 =	sadd.s32 $0x1, s29;
	_ =	swait.ge [sflag:s16], $0x7D0  }
0x4d: {  	p0 =	sne.s32 s29, s15;
	[sflag:s16] =	ssyncset.done $0x0  }
.Ltmp2:
0x4e: {  	[sflag:s16] =	ssyncadd.s32 $0xFFFFF830;
	(pc) =	sbr.rel @p0 .LBB2_1-.Ltmp2, $4  }
0x4f: {  	[hbm4b:s14+s2] =	stream.linear.scatter [tilespmem:s28], [sflag:$0x1], $0x7D0, $0x38;
	[tilespmem:$0x9C40] =	vst v63  }
0x50: {  	_ =	swait.ge [sflag:s16], $0x7D0  }
0x51: {  	[sflag:s16] =	ssyncset.done $0x0  }
0x52: {  	[sflag:s16] =	ssyncadd.s32 $0xFFFFF830  }
0x53: {  	_ =	sfence.sel $0x180000  }
0x54: {  	[bflag:$0x0] =	sbarrier.arrive $0xFFFF  }
0x55: {  	p0 =	sne.s32 s0, $0x0;
	_ =	strace $0x90000047  }
0x56: {  	s0 =	sadd.s32 @!p0 $0x100000, s1;
	[bflag:$0x2] =	sbarrier.arrive $0xFFFF  }
0x57: {  	[sflag:s0] =	ssyncadd.tile.s32 @!p0 $0x1;
	_ =	shalt  }
.Lfunc_end2:
_tile_overlayer_lowered:
.L_overlay_start_2:
0x58: {  	(tag) =	ssettag $0x2  }
0x59: {  	s0 =	rddreg [dreg:$0x0];
	s2 =	stileid.u32  }
0x5a: {  	s1 =	rddreg [dreg:$0x1];
	p0 =	sne.s32 s2, $0x0  }
0x5b: {  	s3 =	rddreg [dreg:$0x2];
	[bflag:$0x3] =	sbarrier.arrive $0xFFFF;
	s2 =	simm.s32 @!p0 $0x1C01  }
0x5c: {  	[timem:s3], [sflag:s2] =	dma.local @!p0 [hbm:s0], s1  }
0x5d: {  	s0 =	simm.s32 @!p0 $0x1  }
0x5e: {  	_ =	swait.ge @!p0 [sflag:s0], s1  }
0x5f: {  	s1 =	ssub.s32 @!p0 $0x0, s1;
	[sflag:s0] =	ssyncset.done @!p0 $0x0  }
0x60: {  	[sflag:s0] =	ssyncadd.s32 @!p0 s1  }
0x61: {  	[bflag:$0x3] =	sbarrier.arrive $0xFFFF  }
0x62: {  	_ =	shalt  }

// kernel: kernel.9.cloned.1.call-start
scs
__scs_entry_jumppad:
0x0: {  	(pc) =	sbr.rel $0x88, $3  }
0x1: {  	(tag) =	ssettag $0x0;
	lr =	simm.s32 $0x1  }
0x2: {  	[smem:$0x3F99] =	sst lr;
	_ =	strace $0xD0000000  }
0x3: {  	_ = 	snop  }
0x4: {  	_ = 	snop  }
0x5: {  	_ = 	snop  }
0x6: {  	_ = 	snop  }
0x7: {  	_ = 	snop  }
__scs_overlays_trampoline_lowered:
0x8: {  	[smem:$0x3FA8] =	sst s0  }
0x9: {  	[smem:$0x3FA9] =	sst s1  }
0xa: {  	[smem:$0x3FAA] =	sst s2  }
0xb: {  	[smem:$0x3FAB] =	sst s3  }
0xc: {  	[smem:$0x3FAC] =	sst s4  }
0xd: {  	[smem:$0x3FAD] =	sst s5  }
0xe: {  	[smem:$0x3FAE] =	sst s6  }
0xf: {  	[smem:$0x3FAF] =	sst s7  }
0x10: {  	[smem:$0x3FB0] =	sst s8  }
0x11: {  	[smem:$0x3FB1] =	sst s9;
	s0 =	simm.s32 @!p0 $0x0  }
0x12: {  	s1 =	sld [smem:$0x3F97];
	s0 =	simm.s32 @p0 $0x1  }
0x13: {  	[smem:$0x3FB2] =	sst s0;
	s0 =	simm.s32 @!p1 $0x0  }
0x14: {  	s2 =	sld [smem:$0x3F96];
	s0 =	simm.s32 @p1 $0x1  }
0x15: {  	[smem:$0x3FB3] =	sst s0;
	s0 =	simm.s32 @!p2 $0x0  }
0x16: {  	s3 =	sld [smem:$0x3FDB];
	s0 =	simm.s32 @p2 $0x1  }
0x17: {  	s4 =	simm.s32 $0x1BF5;
	[smem:$0x3FB5] =	sst s0  }
0x18: {  	s0 =	sld [smem:$0x3F98];
	_ =	swait.ge [sflag:s4], $0x0  }
0x19: {  	s7 =	sld [smem:$0x3F99]  }
0x1a: {  	s8 =	sadd.s32 $0xFFFFE003, lr  }
0x1b: {  	s9 =	sadd.s32 $0xFFFFFEF7, lr;
	s5 =	simm.s32 $0xFFFFFFFF;
	p2 =	slt.u32 s8, $0xFFFFF086  }
0x1c: {  	p1 =	slt.u32 s9, $0xF7A;
	s5 =	simm.s32 @!p2 $0x0  }
0x1d: {  	s5 =	simm.s32 @p1 $0x1;
	p0 =	seq.s32 s7, s2  }
0x1e: {  	s7 =	smul.u32 @!p0 $0xF7A, s2;
	p2 =	seq.s32 @!p0 s5, $0x0  }
0x1f: {  	s9 =	smul.u32 $0xF7A, s1;
	s8 =	simm.s32 @!p0 $0x1BF5;
	p2 =	por !p2, p0  }
0x20: {  	[sflag:s8] =	ssyncset.s32 @!p0 $0xFFFFF086;
	s6 =	sadd.s32 @!p0 s3, s7;
	s7 =	simm.s32 @!p0 $0x108  }
0x21: {  	s3 =	sadd.s32 s3, s9;
	s6 =	sadd.s32 @!p0 $0x88, s6;
	s7 =	simm.s32 @p2 $0x1082  }
0x22: {  	[simem:s7], [sflag:s8] =	dma.local @!p0 [hbm:s6], $0xF7A  }
0x23: {  	s9 =	sor.u32 $0xD0000000, s2;
	s6 =	simm.s32 $0x108;
	_ =	swait.ge @!p0 [sflag:s8], $0x0  }
0x24: {  	s3 =	sadd.s32 $0x88, s3;
	s6 =	simm.s32 @!p1 $0x1082;
	[sflag:s4] =	ssyncset.s32 $0xFFFFF086  }
0x25: {  	[simem:s6], [sflag:s4] =	dma.local [hbm:s3], $0xF7A  }
0x26: {  	[smem:$0x3F99] =	sst s1;
	(tag) =	ssettag s2;
	_ =	strace s9  }
0x27: {  	s1 =	sld [smem:$0x3FA9]  }
0x28: {  	s2 =	sld [smem:$0x3FAA]  }
0x29: {  	s4 =	sld [smem:$0x3FAC]  }
0x2a: {  	p0 =	seq.s32 s5, $0x0;
	s5 =	sld [smem:$0x3FAD]  }
0x2b: {  	s6 =	sld [smem:$0x3FAE]  }
0x2c: {  	s7 =	sld [smem:$0x3FAF]  }
0x2d: {  	s3 =	simm.s32 $0x108;
	s8 =	sld [smem:$0x3FB0]  }
0x2e: {  	s3 =	simm.s32 @!p0 $0x1082;
	s9 =	sld [smem:$0x3FB1]  }
0x2f: {  	lr =	sadd.s32 s0, s3;
	s0 =	sld [smem:$0x3FA8]  }
0x30: {  	s3 =	sld [smem:$0x3FAB]  }
0x31: {  	[smem:$0x3FB4] =	sst s10  }
0x32: {  	s10 =	sld [smem:$0x3FB2];
	_ =	sdelay $0x3  }
0x33: {  	p0 =	seq.s32 s10, $0x1;
	s10 =	sld [smem:$0x3FB4];
	_ =	sdelay $0x3  }
0x34: {  	[smem:$0x3FB4] =	sst s10  }
0x35: {  	s10 =	sld [smem:$0x3FB3];
	_ =	sdelay $0x3  }
0x36: {  	p1 =	seq.s32 s10, $0x1;
	s10 =	sld [smem:$0x3FB4];
	_ =	sdelay $0x3  }
0x37: {  	[smem:$0x3FB4] =	sst s10  }
0x38: {  	s10 =	sld [smem:$0x3FB5]  }
0x39: {  	_ = 	snop;
	(pc) =	sbr.ind lr, $3  }
0x3a: {  	_ = 	snop  }
0x3b: {  	_ = 	snop  }
0x3c: {  	p2 =	seq.s32 s10, $0x1;
	s10 =	sld [smem:$0x3FB4]  }
0x3d: {  	_ =	shalt  }
0x3e: {  	_ =	shalt  }
0x3f: {  	_ =	shalt  }
0x40: {  	_ =	shalt  }
0x41: {  	_ =	shalt  }
0x42: {  	_ =	shalt  }
0x43: {  	_ =	shalt  }
0x44: {  	_ =	shalt  }
0x45: {  	_ =	shalt  }
0x46: {  	_ =	shalt  }
0x47: {  	_ =	shalt  }
0x48: {  	_ =	shalt  }
0x49: {  	_ =	shalt  }
0x4a: {  	_ =	shalt  }
0x4b: {  	_ =	shalt  }
0x4c: {  	_ =	shalt  }
0x4d: {  	_ =	shalt  }
0x4e: {  	_ =	shalt  }
0x4f: {  	_ =	shalt  }
0x50: {  	_ =	shalt  }
0x51: {  	_ =	shalt  }
0x52: {  	_ =	shalt  }
0x53: {  	_ =	shalt  }
0x54: {  	_ =	shalt  }
0x55: {  	_ =	shalt  }
0x56: {  	_ =	shalt  }
0x57: {  	_ =	shalt  }
0x58: {  	_ =	shalt  }
0x59: {  	_ =	shalt  }
0x5a: {  	_ =	shalt  }
0x5b: {  	_ =	shalt  }
0x5c: {  	_ =	shalt  }
0x5d: {  	_ =	shalt  }
0x5e: {  	_ =	shalt  }
0x5f: {  	_ =	shalt  }
0x60: {  	_ =	shalt  }
0x61: {  	_ =	shalt  }
0x62: {  	_ =	shalt  }
0x63: {  	_ =	shalt  }
0x64: {  	_ =	shalt  }
0x65: {  	_ =	shalt  }
0x66: {  	_ =	shalt  }
0x67: {  	_ =	shalt  }
0x68: {  	_ =	shalt  }
0x69: {  	_ =	shalt  }
0x6a: {  	_ =	shalt  }
0x6b: {  	_ =	shalt  }
0x6c: {  	_ =	shalt  }
0x6d: {  	_ =	shalt  }
0x6e: {  	_ =	shalt  }
0x6f: {  	_ =	shalt  }
0x70: {  	_ =	shalt  }
0x71: {  	_ =	shalt  }
0x72: {  	_ =	shalt  }
0x73: {  	_ =	shalt  }
0x74: {  	_ =	shalt  }
0x75: {  	_ =	shalt  }
0x76: {  	_ =	shalt  }
0x77: {  	_ =	shalt  }
0x78: {  	_ =	shalt  }
0x79: {  	_ =	shalt  }
0x7a: {  	_ =	shalt  }
0x7b: {  	_ =	shalt  }
0x7c: {  	_ =	shalt  }
0x7d: {  	_ =	shalt  }
0x7e: {  	_ =	shalt  }
0x7f: {  	_ =	shalt  }
0x80: {  	_ =	shalt  }
0x81: {  	_ =	shalt  }
0x82: {  	_ =	shalt  }
0x83: {  	_ =	shalt  }
0x84: {  	_ =	shalt  }
0x85: {  	_ =	shalt  }
0x86: {  	_ =	shalt  }
0x87: {  	_ =	shalt  }
.Lfunc_end0:
.L_simem_size_0:
called_computation.1_lowered:
.L_overlay_start_0:
0x88: {  	s2 =	sld [smem:$0x3FD9]  }
0x89: {  	s3 =	sld [smem:$0x3FFE];
	_ =	sdelay $0x1  }
0x8a: {  	s1 =	srdreg.scid  }
0x8b: {  	s0 =	sand.u32 $0x1, s1  }
0x8c: {  	s17 =	sshll.u32 s0, $0xA;
	s2 =	sadd.s32 s3, s2  }
0x8d: {  	s2 =	sadd.s32 s2, s17  }
0x8e: {  	[smem:$0x3FC0] =	sst s2  }
0x8f: {  	_ = 	snop  }
0x90: {  	s2 =	sld [smem:$0x3FD0];
	(tm) =	ssettm $0x1  }
0x91: {  	s18 =	sld [smem:$0x3FFB];
	_ =	sdelay $0x3  }
0x92: {  	_ =	strace s18  }
0x93: {  	s3 =	sld [smem:$0x3FFC];
	_ =	sdelay $0x3  }
0x94: {  	_ =	strace s3  }
0x95: {  	s3 =	sld [smem:$0x3FFD];
	_ =	sdelay $0x3  }
0x96: {  	_ =	strace s3  }
0x97: {  	_ =	strace $0x8FFFFFFF  }
0x98: {  	s19 =	sld [smem:$0x3FDB];
	_ =	sdelay $0x1  }
0x99: {  	s4 =	simm.s32 $_scs_section_size  }
0x9a: {  	s5 =	simm.s32 $_size__tile_overlayer_lowered;
	s6 =	simm.s32 $_tile_overlayer_lowered  }
0x9b: {  	s22 =	simm.s32 $0x1BFF;
	s21 =	sshll.u32 s6, $0x1;
	s3 =	sadd.s32 s4, s19  }
0x9c: {  	s7 =	simm.s32 $0x0;
	s20 =	sshll.u32 s5, $0x1;
	s5 =	sadd.s32 s21, s3  }
0x9d: {  	[timem:s7], [sflag:s22] =	dma.local [hbm:s5], s20  }
0x9e: {  	_ =	swait.ge [sflag:s22], s20  }
0x9f: {  	s4 =	ssub.s32 $0x0, s20;
	[sflag:s22] =	ssyncset.done $0x0  }
0xa0: {  	[sflag:s22] =	ssyncadd.s32 s4;
	_ =	sdelay $0x1  }
0xa1: {  	s23 =	simm.s32 $0x1B8B  }
0xa2: {  	_ =	swait.ge [sflag:s23], $0x1  }
0xa3: {  	[sflag:s23] =	ssyncset.done $0x0  }
0xa4: {  	s25 =	simm.s32 $0x1B8E;
	s24 =	sld [smem:$0x3FFE];
	[sflag:s23] =	ssyncadd.s32 $0xFFFFFFFF  }
0xa5: {  	s26 =	simm.s32 $execute0_lowered;
	[smem:$0x3FD2] =	sst s25  }
0xa6: {  	s5 =	sshll.u32 s26, $0x1;
	_ =	strace $0x80000049;
	[dreg:$0x1] =	wrdreg $0xFFFFFFFF  }
0xa7: {  	s28 =	simm.s32 $_size_execute0_lowered;
	s3 =	sadd.s32 s3, s5;
	[dreg:$0x0] =	wrdreg $0x0  }
0xa8: {  	s5 =	sshll.u32 s28, $0x1;
	[dreg:$0x2] =	wrdreg s3  }
0xa9: {  	[dreg:$0x3] =	wrdreg s5  }
0xaa: {  	[dreg:$0x4] =	wrdreg $0xC0  }
0xab: {  	_ =	task [dreg:s7], $0x5FFFF  }
0xac: {  	[dreg:$0x1] =	wrdreg $0xFFFFFFFF  }
0xad: {  	[dreg:$0x0] =	wrdreg $0x60  }
0xae: {  	[dreg:$0x2] =	wrdreg s2  }
0xaf: {  	[dreg:$0x3] =	wrdreg s24  }
0xb0: {  	[dreg:$0x4] =	wrdreg $0x114400  }
0xb1: {  	[dreg:$0x5] =	wrdreg $0x9  }
0xb2: {  	_ =	task.clear_ibuf [dreg:s7], $0x6FFFF;
	_ =	strace $0x90000049  }
0xb3: {  	s29 =	simm.s32 $0x9;
	_ =	strace $0x8000004B  }
0xb4: {  	_ =	swait.ge [sflag:s29], $0x1  }
0xb5: {  	[sflag:s29] =	ssyncadd.s32 $0xFFFFFFFF  }
0xb6: {  	_ =	strace $0x9000004B  }
0xb7: {  	_ =	sfence  }
0xb8: {  	s30 =	sld [smem:$0x0];
	_ =	sdelay $0x2  }
0xb9: {  	s31 =	sshll.u32 s1, $0xD;
	s1 =	sshrl.u32 s1, $0x2  }
0xba: {  	s3 =	sand.u32 $0x4000, s31;
	s1 =	sadd.s32 s1, s30  }
0xbb: {  	s0 =	sor.u32 s3, s0;
	s1 =	sshll.u32 s1, $0x11  }
0xbc: {  	s0 =	sor.u32 s1, s0  }
0xbd: {  	s0 =	sadd.s32 $0x8F2B, s0  }
0xbe: {  	[sflag:s0] =	ssyncadd.remote.s32 $0x1  }
0xbf: {  	_ =	sfence.sel $0xFFFF  }
0xc0: {  	[dreg:$0x0] =	wrdreg $0xFFFFFFFF;
	(pc) =	sbr.abs _section_cstart, $3  }
0xc1: {  	[dreg:$0x1] =	wrdreg $0xFFFFFFFF  }
0xc2: {  	_ =	task.clear_ibuf [dreg:s7], $0x2FFFF;
	_ =	strace $0x9FFFFFFF  }
0xc3: {  	(tm) =	ssettm $0x7FFFFFFF  }
tec
execute0_lowered:
.L_overlay_start_1:
0x0: {  	(tag) =	ssettag $0x1  }
0x1: {  	s0 =	rddreg [dreg:$0x0]  }
0x2: {  	s1 =	rddreg [dreg:$0x1];
	s11 =	stileid.u32  }
0x3: {  	s3 =	srdreg.scid;
	s2 =	rddreg [dreg:$0x2]  }
0x4: {  	s28 =	simm.s32 $0xB040;
	s30 =	simm.s32 $0xC440;
	s4 =	smul.u32 $0x4E20, s11  }
0x5: {  	s29 =	simm.s32 $0xEC40;
	s31 =	simm.s32 $0x1;
	s7 =	smul.u32 $0xFA00, s11  }
0x6: {  	s5 =	sand.u32 $0x1, s3;
	s3 =	simm.s32 $0x0;
	s8 =	smul.u32 $0x3E800, s11  }
0x7: {  	p0 =	sgt.u32 s11, $0x9;
	s6 =	smul.u32 $0x9C400, s5;
	[smem:$0x7FF] =	sst s3  }
0x8: {  	s5 =	ssub.s32 $0x2, s5;
	_ =	strace $0x8000004A;
	s4 =	sshrl.u32 s4, $0x3  }
0x9: {  	s10 =	sshrl.u32 s5, $0x1;
	s8 =	sshrl.u32 s8, $0x2;
	s9 =	sadd.s32 s4, s1  }
0xa: {  	s20 =	sadd.s32 s7, s6;
	s5 =	ssub.s32 s5, s10;
	s6 =	sshrl.u32 s6, $0x3  }
0xb: {  	s4 =	sshrl.u32 s20, $0x3;
	s17 =	sadd.s32 $0x2200, s9;
	s18 =	sadd.s32 $0xBE40, s9  }
0xc: {  	s19 =	sadd.s32 s0, s6;
	s1 =	sadd.s32 s4, s1;
	s4 =	sadd.s32 s8, s2  }
0xd: {  	s0 =	sadd.s32 s7, s2;
	s6 =	simm.s32 $0x4;
	s8 =	sadd.s32 $0x1400, s4  }
0xe: {  	s7 =	simm.s32 $0x5;
	s21 =	sadd.s32 $0x2800, s4;
	[dreg:$0x4] =	wrdreg s8  }
0xf: {  	s22 =	sadd.s32 $0x3C00, s4;
	s23 =	sadd.s32 $0x5000, s4;
	[dreg:$0x5] =	wrdreg s21  }
0x10: {  	s24 =	sadd.s32 $0x6400, s4;
	s25 =	sadd.s32 $0x7800, s4;
	[dreg:$0x6] =	wrdreg s22  }
0x11: {  	s26 =	sadd.s32 $0x8C00, s4;
	s12 =	sadd.s32 $0xA000, s4;
	[dreg:$0x7] =	wrdreg s23  }
0x12: {  	s13 =	sadd.s32 $0xB400, s4;
	s14 =	sadd.s32 $0xC800, s4;
	[dreg:$0x8] =	wrdreg s24  }
0x13: {  	s15 =	sadd.s32 $0xDC00, s4;
	s16 =	sadd.s32 $0xF000, s4;
	[dreg:$0x9] =	wrdreg s25  }
0x14: {  	s20 =	sadd.s32 $0x1FA00, s1;
	s1 =	simm.s32 $0xD840;
	[dreg:$0xa] =	wrdreg s26  }
0x15: {  	s21 =	smax.u32 s5, $0x1;
	s22 =	simm.s32 $0x7;
	s24 =	simm.s32 $0x50  }
0x16: {  	s25 =	sshrl.u32 @!p0 s0, $0x3;
	s26 =	simm.s32 $0x9C40;
	s23 =	simm.s32 $0x10040  }
0x17: {  	v0 =	vimm.f32 $0.0e+00;
	s0 =	simm.s32 $0x2;
	s5 =	simm.s32 $0x3;
	s8 =	simm.s32 $0x6  }
.LBB2_1:
0x18: {  	s10 =	simm.s32 $0x100;
	s9 =	simm.s32 $0x0  }
.LBB2_2:
0x19: {  	p1 =	sne.s32 s10, $0x4F00;
	[tilespmem:s9+$0x9C70] =	vst v0;
	s11 =	smov.u32 s10;
	s10 =	sadd.s32 $0x100, s10  }
.Ltmp0:
0x1a: {  	[tilespmem:s9+$0x9C60] =	vst v0;
	(pc) =	sbr.rel @p1 .LBB2_2-.Ltmp0, $3  }
0x1b: {  	[tilespmem:s9+$0x9C40] =	vst v0  }
0x1c: {  	[tilespmem:s9+$0x9C50] =	vst v0;
	_ =	sdelay $0x1  }
0x1d: {  	s9 =	sshra.s32 s11, $0x2  }
0x1e: {  	[tilespmem:s9+$0x9C70] =	vst v0  }
0x1f: {  	[tilespmem:s9+$0x9C60] =	vst v0  }
0x20: {  	[tilespmem:s9+$0x9C40] =	vst v0  }
0x21: {  	[tilespmem:s9+$0x9C50] =	vst v0;
	s9 =	simm.s32 @!p0 $0x9C40;
	s10 =	simm.s32 @!p0 $0x7  }
0x22: {  	[spmem:s4] =	stream.linear.scatter @!p0 [tilespmem:s9], [sflag:$0x7], $0x1400, $0x38;
	[tilespmem:$0x1B080] =	vst v63  }
0x23: {  	_ =	swait.ge @!p0 [sflag:s10], $0x1400  }
0x24: {  	[sflag:s10] =	ssyncset.done @!p0 $0x0  }
0x25: {  	s11 =	rddreg [dreg:$0x4];
	[sflag:s10] =	ssyncadd.s32 @!p0 $0xFFFFEC00  }
0x26: {  	[spmem:s11] =	stream.linear.scatter @!p0 [tilespmem:s9], [sflag:$0x7], $0x1400, $0x38;
	[tilespmem:$0x1B080] =	vst v63  }
0x27: {  	_ =	swait.ge @!p0 [sflag:s10], $0x1400  }
0x28: {  	[sflag:s10] =	ssyncset.done @!p0 $0x0  }
0x29: {  	s11 =	rddreg [dreg:$0x5];
	[sflag:s10] =	ssyncadd.s32 @!p0 $0xFFFFEC00  }
0x2a: {  	[spmem:s11] =	stream.linear.scatter @!p0 [tilespmem:s9], [sflag:$0x7], $0x1400, $0x38;
	[tilespmem:$0x1B080] =	vst v63  }
0x2b: {  	_ =	swait.ge @!p0 [sflag:s10], $0x1400  }
0x2c: {  	[sflag:s10] =	ssyncset.done @!p0 $0x0  }
0x2d: {  	s11 =	rddreg [dreg:$0x6];
	[sflag:s10] =	ssyncadd.s32 @!p0 $0xFFFFEC00  }
0x2e: {  	[spmem:s11] =	stream.linear.scatter @!p0 [tilespmem:s9], [sflag:$0x7], $0x1400, $0x38;
	[tilespmem:$0x1B080] =	vst v63  }
0x2f: {  	_ =	swait.ge @!p0 [sflag:s10], $0x1400  }
0x30: {  	[sflag:s10] =	ssyncset.done @!p0 $0x0  }
0x31: {  	s11 =	rddreg [dreg:$0x7];
	[sflag:s10] =	ssyncadd.s32 @!p0 $0xFFFFEC00  }
0x32: {  	[spmem:s11] =	stream.linear.scatter @!p0 [tilespmem:s9], [sflag:$0x7], $0x1400, $0x38;
	[tilespmem:$0x1B080] =	vst v63  }
0x33: {  	_ =	swait.ge @!p0 [sflag:s10], $0x1400  }
0x34: {  	[sflag:s10] =	ssyncset.done @!p0 $0x0  }
0x35: {  	s11 =	rddreg [dreg:$0x8];
	[sflag:s10] =	ssyncadd.s32 @!p0 $0xFFFFEC00  }
0x36: {  	[spmem:s11] =	stream.linear.scatter @!p0 [tilespmem:s9], [sflag:$0x7], $0x1400, $0x38;
	[tilespmem:$0x1B080] =	vst v63  }
0x37: {  	_ =	swait.ge @!p0 [sflag:s10], $0x1400  }
0x38: {  	[sflag:s10] =	ssyncset.done @!p0 $0x0  }
0x39: {  	s11 =	rddreg [dreg:$0x9];
	[sflag:s10] =	ssyncadd.s32 @!p0 $0xFFFFEC00  }
0x3a: {  	[spmem:s11] =	stream.linear.scatter @!p0 [tilespmem:s9], [sflag:$0x7], $0x1400, $0x38;
	[tilespmem:$0x1B080] =	vst v63  }
0x3b: {  	_ =	swait.ge @!p0 [sflag:s10], $0x1400  }
0x3c: {  	[sflag:s10] =	ssyncset.done @!p0 $0x0  }
0x3d: {  	s11 =	rddreg [dreg:$0xa];
	[sflag:s10] =	ssyncadd.s32 @!p0 $0xFFFFEC00  }
0x3e: {  	[spmem:s11] =	stream.linear.scatter @!p0 [tilespmem:s9], [sflag:$0x7], $0x1400, $0x38;
	[tilespmem:$0x1B080] =	vst v63  }
0x3f: {  	_ =	swait.ge @!p0 [sflag:s10], $0x1400  }
0x40: {  	[sflag:s10] =	ssyncset.done @!p0 $0x0  }
0x41: {  	[sflag:s10] =	ssyncadd.s32 @!p0 $0xFFFFEC00  }
0x42: {  	[spmem:s12] =	stream.linear.scatter @!p0 [tilespmem:s9], [sflag:$0x7], $0x1400, $0x38;
	[tilespmem:$0x1B080] =	vst v63  }
0x43: {  	_ =	swait.ge @!p0 [sflag:s10], $0x1400  }
0x44: {  	[sflag:s10] =	ssyncset.done @!p0 $0x0  }
0x45: {  	[sflag:s10] =	ssyncadd.s32 @!p0 $0xFFFFEC00  }
0x46: {  	[spmem:s13] =	stream.linear.scatter @!p0 [tilespmem:s9], [sflag:$0x7], $0x1400, $0x38;
	[tilespmem:$0x1B080] =	vst v63  }
0x47: {  	_ =	swait.ge @!p0 [sflag:s10], $0x1400  }
0x48: {  	[sflag:s10] =	ssyncset.done @!p0 $0x0  }
0x49: {  	[sflag:s10] =	ssyncadd.s32 @!p0 $0xFFFFEC00  }
0x4a: {  	[spmem:s14] =	stream.linear.scatter @!p0 [tilespmem:s9], [sflag:$0x7], $0x1400, $0x38;
	[tilespmem:$0x1B080] =	vst v63  }
0x4b: {  	_ =	swait.ge @!p0 [sflag:s10], $0x1400  }
0x4c: {  	[sflag:s10] =	ssyncset.done @!p0 $0x0  }
0x4d: {  	[sflag:s10] =	ssyncadd.s32 @!p0 $0xFFFFEC00  }
0x4e: {  	[spmem:s15] =	stream.linear.scatter @!p0 [tilespmem:s9], [sflag:$0x7], $0x1400, $0x38;
	[tilespmem:$0x1B080] =	vst v63  }
0x4f: {  	_ =	swait.ge @!p0 [sflag:s10], $0x1400  }
0x50: {  	[sflag:s10] =	ssyncset.done @!p0 $0x0  }
0x51: {  	[sflag:s10] =	ssyncadd.s32 @!p0 $0xFFFFEC00  }
0x52: {  	[spmem:s16] =	stream.linear.scatter @!p0 [tilespmem:s9], [sflag:$0x7], $0xA00, $0x38;
	[tilespmem:$0x1B080] =	vst v63  }
0x53: {  	_ =	swait.ge @!p0 [sflag:s10], $0xA00  }
0x54: {  	[sflag:s10] =	ssyncset.done @!p0 $0x0  }
0x55: {  	[sflag:s10] =	ssyncadd.s32 @!p0 $0xFFFFF600  }
0x56: {  	s9 =	simm.s32 $0x0;
	[bflag:$0x0] =	sbarrier.arrive $0xFFFF  }
0x57: {  	[tilespmem:s9], [sflag:$0x7] =	stream.linear.gather [hbm4b:s17+s9], $0x4E20, $0x38;
	[tilespmem:$0x1B080] =	vst v63  }
0x58: {  	_ =	swait.ge [sflag:s22], $0x4E20  }
0x59: {  	[sflag:s22] =	ssyncset.done $0x0  }
0x5a: {  	s11 =	simm.s32 $0x4E20;
	[sflag:s22] =	ssyncadd.s32 $0xFFFFB1E0  }
0x5b: {  	[tilespmem:s11], [sflag:$0x7] =	stream.linear.gather [hbm4b:s18+s9], $0x4E20, $0x38;
	[tilespmem:$0x1B080] =	vst v63  }
0x5c: {  	_ =	swait.ge [sflag:s22], $0x4E20  }
0x5d: {  	[sflag:s22] =	ssyncset.done $0x0  }
0x5e: {  	[sflag:s22] =	ssyncadd.s32 $0xFFFFB1E0  }
0x5f: {  	[tilespmem:s26], [sflag:$0x1] =	stream.indirect.gather [hbm4b:s19+s24], $0x40, s9, s24, $0xb8;
	[tilespmem:$0x1B080] =	vst v63  }
0x60: {  	_ = 	snop  }
0x61: {  	[tilespmem:s28], [sflag:$0x2] =	stream.indirect.gather [hbm4b:s19+s24], $0x40, s24, s24, $0xb8;
	[tilespmem:$0x1B080] =	vst v63  }
0x62: {  	s11 =	simm.s32 $0xA0  }
0x63: {  	[tilespmem:s30], [sflag:$0x3] =	stream.indirect.gather [hbm4b:s19+s24], $0x40, s11, s24, $0xb8;
	[tilespmem:$0x1B080] =	vst v63  }
0x64: {  	s10 =	simm.s32 $0xF0  }
0x65: {  	[tilespmem:s1], [sflag:$0x4] =	stream.indirect.gather [hbm4b:s19+s24], $0x40, s10, s24, $0xb8;
	[tilespmem:$0x1B080] =	vst v63  }
0x66: {  	s11 =	simm.s32 $0x140  }
0x67: {  	[tilespmem:s29], [sflag:$0x5] =	stream.indirect.gather [hbm4b:s19+s24], $0x40, s11, s24, $0xb8;
	[tilespmem:$0x1B080] =	vst v63  }
0x68: {  	_ =	swait.ge [sflag:s31], $0x1400  }
0x69: {  	[sflag:s31] =	ssyncset.done $0x0  }
0x6a: {  	s10 =	simm.s32 $0x190;
	[sflag:s31] =	ssyncadd.s32 $0xFFFFEC00  }
0x6b: {  	[tilespmem:s23], [sflag:$0x6] =	stream.indirect.gather [hbm4b:s19+s24], $0x40, s10, s24, $0xb8;
	[tilespmem:$0x1B080] =	vst v63  }
0x6c: {  	s11 =	simm.s32 $0x4E20  }
0x6d: {  	[spmem:s2] =	stream.indirect.scatter.add.f32 [tilespmem:s26], [sflag:$0x7], $0x40, s11, s24, $0xb8;
	[tilespmem:$0x1B080] =	vst v63  }
0x6e: {  	_ =	swait.ge [sflag:s22], $0x1400  }
0x6f: {  	[sflag:s22] =	ssyncset.done $0x0  }
0x70: {  	[sflag:s22] =	ssyncadd.s32 $0xFFFFEC00  }
0x71: {  	_ =	swait.ge [sflag:s0], $0x1400  }
0x72: {  	[sflag:s0] =	ssyncset.done $0x0  }
0x73: {  	s10 =	simm.s32 $0x1E0;
	[sflag:s0] =	ssyncadd.s32 $0xFFFFEC00  }
0x74: {  	[tilespmem:s26], [sflag:$0x1] =	stream.indirect.gather [hbm4b:s19+s24], $0x40, s10, s24, $0xb8;
	[tilespmem:$0x1B080] =	vst v63  }
0x75: {  	s11 =	simm.s32 $0x4E70  }
0x76: {  	[spmem:s2] =	stream.indirect.scatter.add.f32 [tilespmem:s28], [sflag:$0x7], $0x40, s11, s24, $0xb8;
	[tilespmem:$0x1B080] =	vst v63  }
0x77: {  	_ =	swait.ge [sflag:s22], $0x1400  }
0x78: {  	[sflag:s22] =	ssyncset.done $0x0  }
0x79: {  	[sflag:s22] =	ssyncadd.s32 $0xFFFFEC00  }
0x7a: {  	_ =	swait.ge [sflag:s5], $0x1400  }
0x7b: {  	[sflag:s5] =	ssyncset.done $0x0  }
0x7c: {  	s10 =	simm.s32 $0x230;
	[sflag:s5] =	ssyncadd.s32 $0xFFFFEC00  }
0x7d: {  	[tilespmem:s28], [sflag:$0x2] =	stream.indirect.gather [hbm4b:s19+s24], $0x40, s10, s24, $0xb8;
	[tilespmem:$0x1B080] =	vst v63  }
0x7e: {  	s11 =	simm.s32 $0x4EC0  }
0x7f: {  	[spmem:s2] =	stream.indirect.scatter.add.f32 [tilespmem:s30], [sflag:$0x7], $0x40, s11, s24, $0xb8;
	[tilespmem:$0x1B080] =	vst v63  }
0x80: {  	_ =	swait.ge [sflag:s22], $0x1400  }
0x81: {  	[sflag:s22] =	ssyncset.done $0x0  }
0x82: {  	[sflag:s22] =	ssyncadd.s32 $0xFFFFEC00  }
0x83: {  	_ =	swait.ge [sflag:s6], $0x1400  }
0x84: {  	[sflag:s6] =	ssyncset.done $0x0  }
0x85: {  	s10 =	simm.s32 $0x280;
	[sflag:s6] =	ssyncadd.s32 $0xFFFFEC00  }
0x86: {  	[tilespmem:s30], [sflag:$0x3] =	stream.indirect.gather [hbm4b:s19+s24], $0x40, s10, s24, $0xb8;
	[tilespmem:$0x1B080] =	vst v63  }
0x87: {  	s11 =	simm.s32 $0x4F10  }
0x88: {  	[spmem:s2] =	stream.indirect.scatter.add.f32 [tilespmem:s1], [sflag:$0x7], $0x40, s11, s24, $0xb8;
	[tilespmem:$0x1B080] =	vst v63  }
0x89: {  	_ =	swait.ge [sflag:s22], $0x1400  }
0x8a: {  	[sflag:s22] =	ssyncset.done $0x0  }
0x8b: {  	[sflag:s22] =	ssyncadd.s32 $0xFFFFEC00  }
0x8c: {  	_ =	swait.ge [sflag:s7], $0x1400  }
0x8d: {  	[sflag:s7] =	ssyncset.done $0x0  }
0x8e: {  	s10 =	simm.s32 $0x2D0;
	[sflag:s7] =	ssyncadd.s32 $0xFFFFEC00  }
0x8f: {  	[tilespmem:s1], [sflag:$0x4] =	stream.indirect.gather [hbm4b:s19+s24], $0x40, s10, s24, $0xb8;
	[tilespmem:$0x1B080] =	vst v63  }
0x90: {  	s11 =	simm.s32 $0x4F60  }
0x91: {  	[spmem:s2] =	stream.indirect.scatter.add.f32 [tilespmem:s29], [sflag:$0x7], $0x40, s11, s24, $0xb8;
	[tilespmem:$0x1B080] =	vst v63  }
0x92: {  	_ =	swait.ge [sflag:s22], $0x1400  }
0x93: {  	[sflag:s22] =	ssyncset.done $0x0  }
0x94: {  	[sflag:s22] =	ssyncadd.s32 $0xFFFFEC00  }
0x95: {  	_ =	swait.ge [sflag:s8], $0x1400  }
0x96: {  	[sflag:s8] =	ssyncset.done $0x0  }
0x97: {  	s10 =	simm.s32 $0x320;
	[sflag:s8] =	ssyncadd.s32 $0xFFFFEC00  }
0x98: {  	[tilespmem:s29], [sflag:$0x5] =	stream.indirect.gather [hbm4b:s19+s24], $0x40, s10, s24, $0xb8;
	[tilespmem:$0x1B080] =	vst v63  }
0x99: {  	s11 =	simm.s32 $0x4FB0  }
0x9a: {  	[spmem:s2] =	stream.indirect.scatter.add.f32 [tilespmem:s23], [sflag:$0x7], $0x40, s11, s24, $0xb8;
	[tilespmem:$0x1B080] =	vst v63  }
0x9b: {  	_ =	swait.ge [sflag:s22], $0x1400  }
0x9c: {  	s9 =	simm.s32 $0x780;
	[sflag:s22] =	ssyncset.done $0x0  }
.LBB2_4:
0x9d: {  	p1 =	sne.s32 s9, $0x12480  }
0x9e: {  	[sflag:s22] =	ssyncadd.s32 $0xFFFFEC00;
	s10 =	smov.u32 s9;
	s9 =	sadd.s32 $0x780, s9  }
0x9f: {  	_ = 	snop  }
0xa0: {  	_ =	swait.ge [sflag:s31], $0x1400  }
0xa1: {  	s10 =	sshra.s32 s10, $0x2;
	[sflag:s31] =	ssyncset.done $0x0  }
0xa2: {  	s11 =	sadd.s32 $0x190, s10;
	[sflag:s31] =	ssyncadd.s32 $0xFFFFEC00  }
0xa3: {  	[tilespmem:s23], [sflag:$0x6] =	stream.indirect.gather [hbm4b:s19+s24], $0x40, s11, s24, $0xb8;
	[tilespmem:$0x1B080] =	vst v63  }
0xa4: {  	s11 =	sadd.s32 $0x4E20, s10  }
0xa5: {  	[spmem:s2] =	stream.indirect.scatter.add.f32 [tilespmem:s26], [sflag:$0x7], $0x40, s11, s24, $0xb8;
	[tilespmem:$0x1B080] =	vst v63  }
0xa6: {  	_ =	swait.ge [sflag:s22], $0x1400  }
0xa7: {  	[sflag:s22] =	ssyncset.done $0x0  }
0xa8: {  	[sflag:s22] =	ssyncadd.s32 $0xFFFFEC00  }
0xa9: {  	_ =	swait.ge [sflag:s0], $0x1400  }
0xaa: {  	[sflag:s0] =	ssyncset.done $0x0  }
0xab: {  	s11 =	sadd.s32 $0x1E0, s10;
	[sflag:s0] =	ssyncadd.s32 $0xFFFFEC00  }
0xac: {  	[tilespmem:s26], [sflag:$0x1] =	stream.indirect.gather [hbm4b:s19+s24], $0x40, s11, s24, $0xb8;
	[tilespmem:$0x1B080] =	vst v63  }
0xad: {  	s11 =	sadd.s32 $0x4E70, s10  }
0xae: {  	[spmem:s2] =	stream.indirect.scatter.add.f32 [tilespmem:s28], [sflag:$0x7], $0x40, s11, s24, $0xb8;
	[tilespmem:$0x1B080] =	vst v63  }
0xaf: {  	_ =	swait.ge [sflag:s22], $0x1400  }
0xb0: {  	[sflag:s22] =	ssyncset.done $0x0  }
0xb1: {  	[sflag:s22] =	ssyncadd.s32 $0xFFFFEC00  }
0xb2: {  	_ =	swait.ge [sflag:s5], $0x1400  }
0xb3: {  	[sflag:s5] =	ssyncset.done $0x0  }
0xb4: {  	s11 =	sadd.s32 $0x230, s10;
	[sflag:s5] =	ssyncadd.s32 $0xFFFFEC00  }
0xb5: {  	[tilespmem:s28], [sflag:$0x2] =	stream.indirect.gather [hbm4b:s19+s24], $0x40, s11, s24, $0xb8;
	[tilespmem:$0x1B080] =	vst v63  }
0xb6: {  	s11 =	sadd.s32 $0x4EC0, s10  }
0xb7: {  	[spmem:s2] =	stream.indirect.scatter.add.f32 [tilespmem:s30], [sflag:$0x7], $0x40, s11, s24, $0xb8;
	[tilespmem:$0x1B080] =	vst v63  }
0xb8: {  	_ =	swait.ge [sflag:s22], $0x1400  }
0xb9: {  	[sflag:s22] =	ssyncset.done $0x0  }
0xba: {  	[sflag:s22] =	ssyncadd.s32 $0xFFFFEC00  }
0xbb: {  	_ =	swait.ge [sflag:s6], $0x1400  }
0xbc: {  	[sflag:s6] =	ssyncset.done $0x0  }
0xbd: {  	s11 =	sadd.s32 $0x280, s10;
	[sflag:s6] =	ssyncadd.s32 $0xFFFFEC00  }
0xbe: {  	[tilespmem:s30], [sflag:$0x3] =	stream.indirect.gather [hbm4b:s19+s24], $0x40, s11, s24, $0xb8;
	[tilespmem:$0x1B080] =	vst v63  }
0xbf: {  	s11 =	sadd.s32 $0x4F10, s10  }
0xc0: {  	[spmem:s2] =	stream.indirect.scatter.add.f32 [tilespmem:s1], [sflag:$0x7], $0x40, s11, s24, $0xb8;
	[tilespmem:$0x1B080] =	vst v63  }
0xc1: {  	_ =	swait.ge [sflag:s22], $0x1400  }
0xc2: {  	[sflag:s22] =	ssyncset.done $0x0  }
0xc3: {  	[sflag:s22] =	ssyncadd.s32 $0xFFFFEC00  }
0xc4: {  	_ =	swait.ge [sflag:s7], $0x1400  }
0xc5: {  	[sflag:s7] =	ssyncset.done $0x0  }
0xc6: {  	s11 =	sadd.s32 $0x2D0, s10;
	[sflag:s7] =	ssyncadd.s32 $0xFFFFEC00  }
0xc7: {  	[tilespmem:s1], [sflag:$0x4] =	stream.indirect.gather [hbm4b:s19+s24], $0x40, s11, s24, $0xb8;
	[tilespmem:$0x1B080] =	vst v63  }
0xc8: {  	s11 =	sadd.s32 $0x4F60, s10  }
0xc9: {  	[spmem:s2] =	stream.indirect.scatter.add.f32 [tilespmem:s29], [sflag:$0x7], $0x40, s11, s24, $0xb8;
	[tilespmem:$0x1B080] =	vst v63  }
0xca: {  	_ =	swait.ge [sflag:s22], $0x1400  }
0xcb: {  	[sflag:s22] =	ssyncset.done $0x0  }
0xcc: {  	[sflag:s22] =	ssyncadd.s32 $0xFFFFEC00  }
0xcd: {  	_ =	swait.ge [sflag:s8], $0x1400  }
0xce: {  	[sflag:s8] =	ssyncset.done $0x0  }
0xcf: {  	s11 =	sadd.s32 $0x320, s10;
	[sflag:s8] =	ssyncadd.s32 $0xFFFFEC00  }
0xd0: {  	[tilespmem:s29], [sflag:$0x5] =	stream.indirect.gather [hbm4b:s19+s24], $0x40, s11, s24, $0xb8;
	[tilespmem:$0x1B080] =	vst v63  }
.Ltmp1:
0xd1: {  	_ = 	snop;
	(pc) =	sbr.rel @p1 .LBB2_4-.Ltmp1, $4  }
0xd2: {  	s10 =	sadd.s32 $0x4FB0, s10  }
0xd3: {  	[spmem:s2] =	stream.indirect.scatter.add.f32 [tilespmem:s23], [sflag:$0x7], $0x40, s10, s24, $0xb8;
	[tilespmem:$0x1B080] =	vst v63  }
0xd4: {  	_ =	swait.ge [sflag:s22], $0x1400  }
0xd5: {  	[sflag:s22] =	ssyncset.done $0x0  }
0xd6: {  	[sflag:s22] =	ssyncadd.s32 $0xFFFFEC00  }
0xd7: {  	_ =	swait.ge [sflag:s31], $0x1400  }
0xd8: {  	[sflag:s31] =	ssyncset.done $0x0  }
0xd9: {  	s9 =	simm.s32 $0x4C90;
	[sflag:s31] =	ssyncadd.s32 $0xFFFFEC00  }
0xda: {  	[tilespmem:s23], [sflag:$0x6] =	stream.indirect.gather [hbm4b:s19+s24], $0x40, s9, s24, $0xb8;
	[tilespmem:$0x1B080] =	vst v63  }
0xdb: {  	s10 =	simm.s32 $0x9920  }
0xdc: {  	[spmem:s2] =	stream.indirect.scatter.add.f32 [tilespmem:s26], [sflag:$0x7], $0x40, s10, s24, $0xb8;
	[tilespmem:$0x1B080] =	vst v63  }
0xdd: {  	_ =	swait.ge [sflag:s22], $0x1400  }
0xde: {  	[sflag:s22] =	ssyncset.done $0x0  }
0xdf: {  	[sflag:s22] =	ssyncadd.s32 $0xFFFFEC00  }
0xe0: {  	_ =	swait.ge [sflag:s0], $0x1400  }
0xe1: {  	[sflag:s0] =	ssyncset.done $0x0  }
0xe2: {  	s11 =	simm.s32 $0x4CE0;
	[sflag:s0] =	ssyncadd.s32 $0xFFFFEC00  }
0xe3: {  	[tilespmem:s26], [sflag:$0x1] =	stream.indirect.gather [hbm4b:s19+s24], $0x40, s11, s24, $0xb8;
	[tilespmem:$0x1B080] =	vst v63  }
0xe4: {  	s10 =	simm.s32 $0x9970  }
0xe5: {  	[spmem:s2] =	stream.indirect.scatter.add.f32 [tilespmem:s28], [sflag:$0x7], $0x40, s10, s24, $0xb8;
	[tilespmem:$0x1B080] =	vst v63  }
0xe6: {  	_ =	swait.ge [sflag:s22], $0x1400  }
0xe7: {  	[sflag:s22] =	ssyncset.done $0x0  }
0xe8: {  	[sflag:s22] =	ssyncadd.s32 $0xFFFFEC00  }
0xe9: {  	_ =	swait.ge [sflag:s5], $0x1400  }
0xea: {  	[sflag:s5] =	ssyncset.done $0x0  }
0xeb: {  	s11 =	simm.s32 $0x4D30;
	[sflag:s5] =	ssyncadd.s32 $0xFFFFEC00  }
0xec: {  	[tilespmem:s28], [sflag:$0x2] =	stream.indirect.gather [hbm4b:s19+s24], $0x40, s11, s24, $0xb8;
	[tilespmem:$0x1B080] =	vst v63  }
0xed: {  	s10 =	simm.s32 $0x99C0  }
0xee: {  	[spmem:s2] =	stream.indirect.scatter.add.f32 [tilespmem:s30], [sflag:$0x7], $0x40, s10, s24, $0xb8;
	[tilespmem:$0x1B080] =	vst v63  }
0xef: {  	_ =	swait.ge [sflag:s22], $0x1400  }
0xf0: {  	[sflag:s22] =	ssyncset.done $0x0  }
0xf1: {  	[sflag:s22] =	ssyncadd.s32 $0xFFFFEC00  }
0xf2: {  	_ =	swait.ge [sflag:s6], $0x1400  }
0xf3: {  	[sflag:s6] =	ssyncset.done $0x0  }
0xf4: {  	s11 =	simm.s32 $0x4D80;
	[sflag:s6] =	ssyncadd.s32 $0xFFFFEC00  }
0xf5: {  	[tilespmem:s30], [sflag:$0x3] =	stream.indirect.gather [hbm4b:s19+s24], $0x40, s11, s24, $0xb8;
	[tilespmem:$0x1B080] =	vst v63  }
0xf6: {  	s10 =	simm.s32 $0x9A10  }
0xf7: {  	[spmem:s2] =	stream.indirect.scatter.add.f32 [tilespmem:s1], [sflag:$0x7], $0x40, s10, s24, $0xb8;
	[tilespmem:$0x1B080] =	vst v63  }
0xf8: {  	_ =	swait.ge [sflag:s22], $0x1400  }
0xf9: {  	[sflag:s22] =	ssyncset.done $0x0  }
0xfa: {  	[sflag:s22] =	ssyncadd.s32 $0xFFFFEC00  }
0xfb: {  	_ =	swait.ge [sflag:s7], $0x1400  }
0xfc: {  	[sflag:s7] =	ssyncset.done $0x0  }
0xfd: {  	s11 =	simm.s32 $0x4DD0;
	[sflag:s7] =	ssyncadd.s32 $0xFFFFEC00  }
0xfe: {  	[tilespmem:s1], [sflag:$0x4] =	stream.indirect.gather [hbm4b:s19+s24], $0x40, s11, s24, $0xb8;
	[tilespmem:$0x1B080] =	vst v63  }
0xff: {  	s10 =	simm.s32 $0x9A60  }
0x100: {  	[spmem:s2] =	stream.indirect.scatter.add.f32 [tilespmem:s29], [sflag:$0x7], $0x40, s10, s24, $0xb8;
	[tilespmem:$0x1B080] =	vst v63  }
0x101: {  	_ =	swait.ge [sflag:s22], $0x1400  }
0x102: {  	[sflag:s22] =	ssyncset.done $0x0  }
0x103: {  	[sflag:s22] =	ssyncadd.s32 $0xFFFFEC00  }
0x104: {  	_ =	swait.ge [sflag:s8], $0x1400  }
0x105: {  	[sflag:s8] =	ssyncset.done $0x0  }
0x106: {  	s11 =	simm.s32 $0x9AB0;
	[sflag:s8] =	ssyncadd.s32 $0xFFFFEC00  }
0x107: {  	[spmem:s2] =	stream.indirect.scatter.add.f32 [tilespmem:s23], [sflag:$0x7], $0x40, s11, s24, $0xb8;
	[tilespmem:$0x1B080] =	vst v63  }
0x108: {  	_ =	swait.ge [sflag:s22], $0x1400  }
0x109: {  	[sflag:s22] =	ssyncset.done $0x0  }
0x10a: {  	[sflag:s22] =	ssyncadd.s32 $0xFFFFEC00  }
0x10b: {  	_ =	swait.ge [sflag:s31], $0x1400  }
0x10c: {  	[sflag:s31] =	ssyncset.done $0x0  }
0x10d: {  	s10 =	simm.s32 $0x9B00;
	[sflag:s31] =	ssyncadd.s32 $0xFFFFEC00  }
0x10e: {  	[spmem:s2] =	stream.indirect.scatter.add.f32 [tilespmem:s26], [sflag:$0x7], $0x40, s10, s24, $0xb8;
	[tilespmem:$0x1B080] =	vst v63  }
0x10f: {  	_ =	swait.ge [sflag:s22], $0x1400  }
0x110: {  	[sflag:s22] =	ssyncset.done $0x0  }
0x111: {  	[sflag:s22] =	ssyncadd.s32 $0xFFFFEC00  }
0x112: {  	_ =	swait.ge [sflag:s0], $0x1400  }
0x113: {  	[sflag:s0] =	ssyncset.done $0x0  }
0x114: {  	s11 =	simm.s32 $0x9B50;
	[sflag:s0] =	ssyncadd.s32 $0xFFFFEC00  }
0x115: {  	[spmem:s2] =	stream.indirect.scatter.add.f32 [tilespmem:s28], [sflag:$0x7], $0x40, s11, s24, $0xb8;
	[tilespmem:$0x1B080] =	vst v63  }
0x116: {  	_ =	swait.ge [sflag:s22], $0x1400  }
0x117: {  	[sflag:s22] =	ssyncset.done $0x0  }
0x118: {  	[sflag:s22] =	ssyncadd.s32 $0xFFFFEC00  }
0x119: {  	_ =	swait.ge [sflag:s5], $0x1400  }
0x11a: {  	[sflag:s5] =	ssyncset.done $0x0  }
0x11b: {  	s10 =	simm.s32 $0x9BA0;
	[sflag:s5] =	ssyncadd.s32 $0xFFFFEC00  }
0x11c: {  	[spmem:s2] =	stream.indirect.scatter.add.f32 [tilespmem:s30], [sflag:$0x7], $0x40, s10, s24, $0xb8;
	[tilespmem:$0x1B080] =	vst v63  }
0x11d: {  	_ =	swait.ge [sflag:s22], $0x1400  }
0x11e: {  	[sflag:s22] =	ssyncset.done $0x0  }
0x11f: {  	[sflag:s22] =	ssyncadd.s32 $0xFFFFEC00  }
0x120: {  	_ =	swait.ge [sflag:s6], $0x1400  }
0x121: {  	[sflag:s6] =	ssyncset.done $0x0  }
0x122: {  	s11 =	simm.s32 $0x9BF0;
	[sflag:s6] =	ssyncadd.s32 $0xFFFFEC00  }
0x123: {  	[spmem:s2] =	stream.indirect.scatter.add.f32 [tilespmem:s1], [sflag:$0x7], $0x40, s11, s24, $0xb8;
	[tilespmem:$0x1B080] =	vst v63  }
0x124: {  	_ =	swait.ge [sflag:s22], $0x1400  }
0x125: {  	s9 =	stileid.u32;
	[sflag:s22] =	ssyncset.done $0x0  }
0x126: {  	s3 =	sadd.s32 $0x1, s3;
	s9 =	sshll.u32 @!p0 s9, $0x6;
	[sflag:s22] =	ssyncadd.s32 $0xFFFFEC00  }
0x127: {  	p1 =	sne.s32 s3, s21;
	s9 =	sor.u32 @!p0 $0x1C07, s9;
	[bflag:$0x0] =	sbarrier.arrive $0xFFFF  }
0x128: {  	[hbm:s20], [sflag:s9] =	dma.local @!p0 [spmem:s25], $0x1F40  }
.Ltmp2:
0x129: {  	_ = 	snop;
	(pc) =	sbr.rel @p1 .LBB2_1-.Ltmp2, $4  }
0x12a: {  	s9 =	simm.s32 @!p0 $0x7  }
0x12b: {  	_ =	swait.ge @!p0 [sflag:s9], $0x1F40  }
0x12c: {  	[sflag:s9] =	ssyncset.done @!p0 $0x0  }
0x12d: {  	[sflag:s9] =	ssyncadd.s32 @!p0 $0xFFFFE0C0  }
0x12e: {  	_ =	sfence.sel $0x180000  }
0x12f: {  	[bflag:$0x0] =	sbarrier.arrive $0xFFFF  }
0x130: {  	_ =	strace $0x9000004A  }
0x131: {  	s0 =	stileid.u32;
	[bflag:$0x2] =	sbarrier.arrive $0xFFFF  }
0x132: {  	p0 =	sne.s32 s0, $0x0;
	s0 =	rddreg [dreg:$0x3]  }
0x133: {  	s0 =	sadd.s32 @!p0 $0x100000, s0  }
0x134: {  	[sflag:s0] =	ssyncadd.tile.s32 @!p0 $0x1;
	_ =	shalt  }
.Lfunc_end2:
_tile_overlayer_lowered:
.L_overlay_start_2:
0x135: {  	(tag) =	ssettag $0x2  }
0x136: {  	s0 =	rddreg [dreg:$0x0];
	s2 =	stileid.u32  }
0x137: {  	s1 =	rddreg [dreg:$0x1];
	p0 =	sne.s32 s2, $0x0  }
0x138: {  	s3 =	rddreg [dreg:$0x2];
	[bflag:$0x3] =	sbarrier.arrive $0xFFFF;
	s2 =	simm.s32 @!p0 $0x1C07  }
0x139: {  	[timem:s3], [sflag:s2] =	dma.local @!p0 [hbm:s0], s1  }
0x13a: {  	s0 =	simm.s32 @!p0 $0x7  }
0x13b: {  	_ =	swait.ge @!p0 [sflag:s0], s1  }
0x13c: {  	s1 =	ssub.s32 @!p0 $0x0, s1;
	[sflag:s0] =	ssyncset.done @!p0 $0x0  }
0x13d: {  	[sflag:s0] =	ssyncadd.s32 @!p0 s1  }
0x13e: {  	[bflag:$0x3] =	sbarrier.arrive $0xFFFF  }
0x13f: {  	_ =	shalt  }

</sc_bundles>
